<compile_context>
chip_gen: v7x
topology: tpu7x:2x2x1
jax: 0.10.2.dev20260603
libtpu: 0.0.44.dev20260713+nightly
codegen_flags: <defaults>
</compile_context>

<pallas_src>
import jax
import jax.numpy as jnp
from jax import lax
from jax.experimental import pallas as pl
from jax.experimental.pallas import tpu as pltpu
from jax.experimental.pallas import tpu_sc as plsc

N = 10000
E = 160000
D = 256
K = 100

NC = 2
NS = 16
NP = 10240
LANES = 16

_CH = 80
_CE = 128
EP = NS * _CH * _CE
_WR = NP // NS


_DEG_CH = EP // (NC * NS) // 128


def _deg_body(dst2_hbm, out_hbm, idx_v, ones_v, zero_v, acc_sh, sem):
    c = lax.axis_index("c")
    s = lax.axis_index("s")

    def fill(i, _):
        ones_v[0, pl.ds(i * LANES, LANES)] = jnp.ones((LANES,), jnp.float32)
        return 0
    lax.fori_loop(0, 128 // LANES, fill, 0)

    def fillz(i, _):
        zero_v[pl.ds(i * LANES, LANES)] = jnp.zeros((LANES,), jnp.float32)
        return 0
    lax.fori_loop(0, _WR // LANES, fillz, 0)

    pltpu.sync_copy(zero_v, acc_sh.at[pl.ds(s * _WR, _WR)])

    w = c * NS + s
    pltpu.sync_copy(dst2_hbm.at[pl.ds(w * _DEG_CH, _DEG_CH)], idx_v)
    plsc.subcore_barrier()

    def chunk(k, _):
        pltpu.sync_copy(ones_v.at[0], acc_sh.at[idx_v.at[k]], add=True)
        return 0
    lax.fori_loop(0, _DEG_CH, chunk, 0)

    plsc.subcore_barrier()
    obase = pl.multiple_of(c * NP + s * _WR, 8)
    pltpu.sync_copy(acc_sh.at[pl.ds(s * _WR, _WR)],
                    out_hbm.at[pl.ds(obase, _WR)])


def _deg_call(dst2):
    mesh = plsc.VectorSubcoreMesh(core_axis_name="c", subcore_axis_name="s",
                                  num_cores=NC, num_subcores=NS)
    return pl.kernel(
        _deg_body,
        out_type=jax.ShapeDtypeStruct((NC * NP,), jnp.float32),
        mesh=mesh,
        scratch_types=[
            pltpu.VMEM((_DEG_CH, 128), jnp.int32),
            pltpu.VMEM((1, 128), jnp.float32),
            pltpu.VMEM((_WR,), jnp.float32),
            pltpu.VMEM_SHARED((NP,), jnp.float32),
            pltpu.SemaphoreType.DMA,
        ],
    )(dst2)




_SEG_PER_TILE = E // NS
_SEG_CHUNK = 128
_SEG_FULL = _SEG_PER_TILE // _SEG_CHUNK
_SEG_TAIL = _SEG_PER_TILE - _SEG_FULL * _SEG_CHUNK
_SEG_ROWS = 624
_SEG_REM = N - NS * _SEG_ROWS


def _seg_body(src_hbm, dst_hbm, p4_hbm, out_hbm,
              isrc0_v, idst0_v, isrc1_v, idst1_v,
              rows0_v, rows1_v, zrows_v, acc_sh, sem0, sem1):
    c = lax.axis_index("c")
    s = lax.axis_index("s")
    isrcs = (isrc0_v, isrc1_v)
    idsts = (idst0_v, idst1_v)
    rows_bufs = (rows0_v, rows1_v)
    sems = (sem0, sem1)

    def fillz(i, _):
        zrows_v[i // 8, pl.ds((i % 8) * LANES, LANES)] = (
            jnp.zeros((LANES,), jnp.float32))
        return 0
    lax.fori_loop(0, 128 * 8, fillz, 0)

    ebase = pl.multiple_of(s * _SEG_PER_TILE, 8)
    rbase = pl.multiple_of(s * _SEG_ROWS, 8)

    for j in range(2):
        q = 2 * c + j

        for z in range(4):
            pltpu.sync_copy(zrows_v,
                            acc_sh.at[pl.ds(rbase + z * 128, 128)])
        pltpu.sync_copy(zrows_v.at[pl.ds(0, 112)],
                        acc_sh.at[pl.ds(rbase + 512, 112)])

        @pl.when(s == NS - 1)
        def _zrem():
            pltpu.sync_copy(zrows_v.at[pl.ds(0, _SEG_REM)],
                            acc_sh.at[pl.ds(NS * _SEG_ROWS, _SEG_REM)])
        plsc.subcore_barrier()

        for b in range(2):
            offp = pl.multiple_of(ebase + b * _SEG_CHUNK, 8)
            pltpu.sync_copy(src_hbm.at[pl.ds(offp, _SEG_CHUNK)],
                            isrcs[b].at[0])
            pltpu.sync_copy(dst_hbm.at[pl.ds(offp, _SEG_CHUNK)],
                            idsts[b].at[0])
        pltpu.async_copy(p4_hbm.at[q].at[isrc0_v.at[0]], rows0_v, sem0)

        def pair(k2, _):
            for b in range(2):
                k = k2 * 2 + b
                pltpu.make_async_copy(p4_hbm.at[q].at[isrcs[b].at[0]],
                                      rows_bufs[b], sems[b]).wait()

                @pl.when(k + 1 < _SEG_FULL)
                def _fire():
                    pltpu.async_copy(p4_hbm.at[q].at[isrcs[1 - b].at[0]],
                                     rows_bufs[1 - b], sems[1 - b])

                pltpu.sync_copy(rows_bufs[b], acc_sh.at[idsts[b].at[0]],
                                add=True)

                @pl.when(k + 2 < _SEG_FULL)
                def _preload():
                    off2 = pl.multiple_of(ebase + (k + 2) * _SEG_CHUNK, 8)
                    pltpu.sync_copy(src_hbm.at[pl.ds(off2, _SEG_CHUNK)],
                                    isrcs[b].at[0])
                    pltpu.sync_copy(dst_hbm.at[pl.ds(off2, _SEG_CHUNK)],
                                    idsts[b].at[0])
            return 0
        lax.fori_loop(0, _SEG_FULL // 2, pair, 0)

        off = ebase + _SEG_FULL * _SEG_CHUNK
        pltpu.sync_copy(src_hbm.at[pl.ds(off, _SEG_TAIL)],
                        isrc0_v.at[0, pl.ds(0, _SEG_TAIL)])
        pltpu.sync_copy(dst_hbm.at[pl.ds(off, _SEG_TAIL)],
                        idst0_v.at[0, pl.ds(0, _SEG_TAIL)])
        pltpu.async_copy(p4_hbm.at[q].at[isrc0_v.at[0, pl.ds(0, _SEG_TAIL)]],
                         rows0_v.at[pl.ds(0, _SEG_TAIL)], sem0).wait()
        pltpu.sync_copy(rows0_v.at[pl.ds(0, _SEG_TAIL)],
                        acc_sh.at[idst0_v.at[0, pl.ds(0, _SEG_TAIL)]],
                        add=True)

        plsc.subcore_barrier()
        for z in range(4):
            pltpu.sync_copy(acc_sh.at[pl.ds(rbase + z * 128, 128)],
                            out_hbm.at[q].at[pl.ds(rbase + z * 128, 128)])
        pltpu.sync_copy(acc_sh.at[pl.ds(rbase + 512, 112)],
                        out_hbm.at[q].at[pl.ds(rbase + 512, 112)])

        @pl.when(s == NS - 1)
        def _wrem():
            pltpu.sync_copy(acc_sh.at[pl.ds(NS * _SEG_ROWS, _SEG_REM)],
                            out_hbm.at[q].at[pl.ds(NS * _SEG_ROWS, _SEG_REM)])
        plsc.subcore_barrier()


def _seg_call(src, dst, p4):
    mesh = plsc.VectorSubcoreMesh(core_axis_name="c", subcore_axis_name="s",
                                  num_cores=NC, num_subcores=NS)
    return pl.kernel(
        _seg_body,
        out_type=jax.ShapeDtypeStruct((4, N, 128), jnp.float32),
        mesh=mesh,
        scratch_types=[
            pltpu.VMEM((1, _SEG_CHUNK), jnp.int32),
            pltpu.VMEM((1, _SEG_CHUNK), jnp.int32),
            pltpu.VMEM((1, _SEG_CHUNK), jnp.int32),
            pltpu.VMEM((1, _SEG_CHUNK), jnp.int32),
            pltpu.VMEM((_SEG_CHUNK, 128), jnp.float32),
            pltpu.VMEM((_SEG_CHUNK, 128), jnp.float32),
            pltpu.VMEM((_SEG_CHUNK, 128), jnp.float32),
            pltpu.VMEM_SHARED((N, 128), jnp.float32),
            pltpu.SemaphoreType.DMA,
            pltpu.SemaphoreType.DMA,
        ],
    )(src, dst, p4)



_BN = 1280


def _prep_body(x_ref, wg_ref, w1_ref, w2_ref, b2_ref, deg_ref,
               p4_ref, scal_ref):
    i = pl.program_id(0)
    xb = x_ref[...]
    h = jnp.dot(xb, wg_ref[...], preferred_element_type=jnp.float32)
    a = jnp.dot(xb, w1_ref[...], preferred_element_type=jnp.float32)
    b = jnp.dot(xb, w2_ref[...], preferred_element_type=jnp.float32)[:, 0]
    b = b + b2_ref[0]
    deg = (deg_ref[0, pl.ds(i * _BN, _BN)] + deg_ref[1, pl.ds(i * _BN, _BN)]
           + 1.0)
    dinv = lax.rsqrt(deg)
    na = jnp.sqrt(jnp.sum(a * a, axis=1))
    hh = h * dinv[:, None]
    ah = a / na[:, None]
    p4_ref[0] = hh[:, :128]
    p4_ref[1] = hh[:, 128:]
    p4_ref[2] = ah[:, :128]
    p4_ref[3] = ah[:, 128:]
    scal_ref[0, pl.ds(i * _BN, _BN)] = dinv
    scal_ref[1, pl.ds(i * _BN, _BN)] = b


def _prep_call(x, w_gcn, w1, w2, b2, deg2):
    grid = (NP // _BN,)
    return pl.pallas_call(
        _prep_body,
        grid=grid,
        in_specs=[
            pl.BlockSpec((_BN, D), lambda i: (i, 0)),
            pl.BlockSpec((D, D), lambda i: (0, 0)),
            pl.BlockSpec((D, D), lambda i: (0, 0)),
            pl.BlockSpec((D, 1), lambda i: (0, 0)),
            pl.BlockSpec(memory_space=pltpu.SMEM),
            pl.BlockSpec((NC, NP), lambda i: (0, 0)),
        ],
        out_specs=[
            pl.BlockSpec((4, _BN, 128), lambda i: (0, i, 0)),
            pl.BlockSpec((2, NP), lambda i: (0, 0)),
        ],
        out_shape=[
            jax.ShapeDtypeStruct((4, N, 128), jnp.float32),
            jax.ShapeDtypeStruct((2, NP), jnp.float32),
        ],
    )(x, w_gcn, w1, w2, b2, deg2)



_FN = NP // _BN


def _final_body(p4_ref, t4_ref, scal_ref, bg_ref, out_ref,
                fit_ref, xpool_ref, score_sm, idx_sm):
    i = pl.program_id(0)

    @pl.when(i < _FN)
    def _fitness():
        p = p4_ref[...]
        t = t4_ref[...]
        dinv = scal_ref[0, pl.ds(i * _BN, _BN)]
        b = scal_ref[1, pl.ds(i * _BN, _BN)]
        xp0 = dinv[:, None] * (t[0] + p[0]) + bg_ref[0, :128]
        xp1 = dinv[:, None] * (t[1] + p[1]) + bg_ref[0, 128:]
        xpool_ref[pl.ds(i * _BN, _BN), :128] = xp0
        xpool_ref[pl.ds(i * _BN, _BN), 128:] = xp1
        c = (jnp.sum(p[2] * t[2], axis=1) + jnp.sum(p[3] * t[3], axis=1)
             + 1.0)
        fit_ref[pl.ds(i * _BN, _BN)] = jax.nn.sigmoid(b * c)

    @pl.when(i == _FN)
    def _topk():
        rows = lax.broadcasted_iota(jnp.int32, (NP // 128, 128), 0)
        cols = lax.broadcasted_iota(jnp.int32, (NP // 128, 128), 1)
        idxm = rows * 128 + cols
        f0 = jnp.where(idxm < N, fit_ref[...].reshape(NP // 128, 128), -1.0)
        big = jnp.int32(2 ** 30)

        def pick(it, f):
            m = jnp.max(f)
            cand = jnp.where(f >= m, idxm, big)
            idx = jnp.min(cand)
            score_sm[it] = m
            idx_sm[it] = idx
            return jnp.where(idxm == idx, -1.0, f)
        lax.fori_loop(0, K, pick, f0)

        def emit(it, _):
            idx = idx_sm[it]
            sc = score_sm[it]
            out_ref[it, :] = xpool_ref[idx, :] * sc
            return 0
        lax.fori_loop(0, K, emit, 0)


def _final_call(p4, t4, scal, b_gcn):
    grid = (_FN + 1,)

    def blk(i):
        return (0, jnp.minimum(i, _FN - 1), 0)

    return pl.pallas_call(
        _final_body,
        grid=grid,
        in_specs=[
            pl.BlockSpec((4, _BN, 128), blk),
            pl.BlockSpec((4, _BN, 128), blk),
            pl.BlockSpec((2, NP), lambda i: (0, 0)),
            pl.BlockSpec((1, D), lambda i: (0, 0)),
        ],
        out_specs=pl.BlockSpec((K, D), lambda i: (0, 0)),
        out_shape=jax.ShapeDtypeStruct((K, D), jnp.float32),
        scratch_shapes=[
            pltpu.VMEM((NP,), jnp.float32),
            pltpu.VMEM((NP, D), jnp.float32),
            pltpu.SMEM((K,), jnp.float32),
            pltpu.SMEM((K,), jnp.int32),
        ],
        compiler_params=pltpu.CompilerParams(
            dimension_semantics=("arbitrary",)),
    )(p4, t4, scal, b_gcn.reshape(1, D))



@jax.jit
def kernel(x, edge_index, W_gcn, b_gcn, W1, W2, b2):
    src = edge_index[0]
    dst = edge_index[1]
    dstp = jnp.concatenate([dst, jnp.full((EP - E,), N, dst.dtype)])
    dst2 = dstp.reshape(EP // 128, 128)
    deg2 = _deg_call(dst2).reshape(NC, NP)
    p4, scal = _prep_call(x, W_gcn, W1, W2, b2, deg2)
    t4 = _seg_call(src, dst, p4)
    return _final_call(p4, t4, scal, b_gcn)

# --- scband reference (transcript-rebuilt; emitter-appended) ---
"""Pipeline reference for scband-newpooling6-26362509262946 (READ-ONLY COPY).

The authoritative reference and input builder live on the scoring server;
editing this copy changes nothing except your own understanding.
"""

import jax, jax.numpy as jnp
import numpy as np
import math

N = 10000
E = 160000
D = 256
RATIO = 0.01


def _glorot(key, shape):
    lim = math.sqrt(6.0 / (shape[-2] + shape[-1]))
    return jax.random.uniform(key, shape, jnp.float32, -lim, lim)


def setup_inputs(seed: int = 0) -> dict:
    key = jax.random.key(seed)
    ks = jax.random.split(key, 8)
    x = jax.random.normal(ks[0], (N, D), dtype=jnp.float32)
    edge_index = jax.random.randint(ks[1], (2, E), 0, N, dtype=jnp.int32)
    # gnn_intra_cluster: GCNConv(in_channels, in_channels)
    W_gcn = _glorot(ks[2], (D, D))
    b_gcn = jnp.zeros((D,), dtype=jnp.float32)
    # gnn_score: simiConv(in_channels, 1): lin1 (no bias), lin2 (bias)
    W1 = _glorot(ks[3], (D, D))
    W2 = _glorot(ks[4], (D, 1))
    b2 = jnp.zeros((1,), dtype=jnp.float32)
    return {"x": x, "edge_index": edge_index, "W_gcn": W_gcn, "b_gcn": b_gcn,
            "W1": W1, "W2": W2, "b2": b2}


def reference(x, edge_index, W_gcn, b_gcn, W1, W2, b2):
    n = x.shape[0]
    src, dst = edge_index[0], edge_index[1]
    # add_remaining_self_loops
    loop = jnp.arange(n, dtype=edge_index.dtype)
    src2 = jnp.concatenate([src, loop])
    dst2 = jnp.concatenate([dst, loop])
    # ---- gnn_intra_cluster: GCNConv with symmetric normalization ----
    h = x @ W_gcn
    deg = jnp.zeros((n,), dtype=jnp.float32).at[dst2].add(1.0)
    dinv = jax.lax.rsqrt(jnp.maximum(deg, 1.0))
    norm = dinv[src2] * dinv[dst2]
    msg = h[src2] * norm[:, None]
    x_pool = jax.ops.segment_sum(msg, dst2, num_segments=n) + b_gcn
    # ---- gnn_score: simiConv ----
    a = x @ W1                      # lin1(x), no bias
    b = x @ W2 + b2                 # lin2(x), out_channels=1
    a_i = a[dst2]
    a_j = a[src2]
    cos = jnp.sum(a_i * a_j, axis=-1) / (
        jnp.linalg.norm(a_i, axis=-1) * jnp.linalg.norm(a_j, axis=-1) + 1e-8)
    m = b[dst2] * cos[:, None]      # message: x_cluster_i * cos_sim(x_i, x_j)
    raw_score = jax.ops.segment_sum(m, dst2, num_segments=n)  # aggr='add'
    fitness = jax.nn.sigmoid(raw_score[:, 0])
    # ---- cluster-head selection (score-ordered greedy -> top-k) ----
    k = int(math.ceil(RATIO * n))
    top_score, perm = jax.lax.top_k(fitness, k)
    new_x = x_pool[perm] * top_score[:, None]
    return new_x

if __name__ == "__main__":
    import jax
    _d = setup_inputs()
    print(jax.jit(kernel)(*tuple(_d.values())))

</pallas_src>

<mosaic_0001>
#map = affine_map<(d0, d1) -> (0, 0)>
#map1 = affine_map<(d0, d1) -> (0)>
module attributes {stable_mosaic.version = 14 : i64} {
  func.func @_deg_body(%arg0: i32, %arg1: i32, %arg2: memref<1280x128xi32, #tpu.memory_space<hbm>>, %arg3: memref<20480xf32, #tpu.memory_space<hbm>>, %arg4: memref<40x128xi32, #tpu.memory_space<vmem>>, %arg5: memref<1x128xf32, #tpu.memory_space<vmem>>, %arg6: memref<640xf32, #tpu.memory_space<vmem>>, %arg7: memref<10240xf32, #tpu.memory_space<vmem_shared>>, %arg8: memref<!tpu.dma_semaphore, #tpu.memory_space<semaphore_mem>>) attributes {dimension_semantics = [#tpu.dimension_semantics<core_parallel>, #tpu.dimension_semantics<subcore_parallel>], iteration_bounds = array<i64: 2, 16>, scalar_prefetch = 0 : i64, scratch_operands = 5 : i64, tpu.core_type = #tpu.core_type<sc_vector_subcore>, window_params = [{transform_indices = #map}, {transform_indices = #map1}]} {
    %scan3A = arith.constant 0 : i32
    %scan3A_0 = arith.constant 0 : i32
    %scan3A_1 = arith.constant 8 : i32
    %scan3A_2 = arith.addi %scan3A_0, %scan3A_1 : i32
    %scan3A_3 = arith.constant 1 : i32
    %scan3A_4 = scf.for %scan3A_33 = %scan3A_0 to %scan3A_2 step %scan3A_3 iter_args(%scan3A_34 = %scan3A) -> (i32)  : i32 {
      %broadcast_in_dim3A = arith.constant 1.000000e+00 : f32
      %broadcast_in_dim3A_35 = vector.broadcast %broadcast_in_dim3A : f32 to vector<16xf32>
      %mul3A_36 = arith.constant 16 : i32
      %mul3A_37 = arith.muli %scan3A_33, %mul3A_36 : i32
      %swap3A = arith.constant 0 : i32
      %swap3A_38 = arith.index_cast %swap3A : i32 to index
      %swap3A_39 = arith.index_cast %mul3A_37 : i32 to index
      %swap3A_40 = tpu.vector_load %arg5[%swap3A_38, %swap3A_39] {strides = array<i32>} : memref<1x128xf32, #tpu.memory_space<vmem>>, vector<1x16xf32>,
      %swap3A_41 = vector.shape_cast %swap3A_40 : vector<1x16xf32> to vector<16xf32>
      %swap3A_42 = vector.shape_cast %broadcast_in_dim3A_35 : vector<16xf32> to vector<1x16xf32>
      tpu.vector_store %arg5[%swap3A_38, %swap3A_39], %swap3A_42 {strides = array<i32>} : memref<1x128xf32, #tpu.memory_space<vmem>>, vector<1x16xf32>,
      %scan3A_43 = arith.constant 0 : i32
      scf.yield %scan3A_43 : i32
    }
    %scan3A_5 = arith.constant 8 : i32
    %scan3A_6 = arith.constant 0 : i32
    %scan3A_7 = arith.constant 0 : i32
    %scan3A_8 = arith.constant 40 : i32
    %scan3A_9 = arith.addi %scan3A_7, %scan3A_8 : i32
    %scan3A_10 = arith.constant 1 : i32
    %scan3A_11 = scf.for %scan3A_33 = %scan3A_7 to %scan3A_9 step %scan3A_10 iter_args(%scan3A_34 = %scan3A_6) -> (i32)  : i32 {
      %broadcast_in_dim3A = arith.constant 0.000000e+00 : f32
      %broadcast_in_dim3A_35 = vector.broadcast %broadcast_in_dim3A : f32 to vector<16xf32>
      %mul3A_36 = arith.constant 16 : i32
      %mul3A_37 = arith.muli %scan3A_33, %mul3A_36 : i32
      %swap3A = arith.index_cast %mul3A_37 : i32 to index
      %swap3A_38 = tpu.vector_load %arg6[%swap3A] {strides = array<i32>} : memref<640xf32, #tpu.memory_space<vmem>>, vector<16xf32>,
      %swap3A_39 = vector.shape_cast %swap3A_38 : vector<16xf32> to vector<16xf32>
      %swap3A_40 = vector.shape_cast %broadcast_in_dim3A_35 : vector<16xf32> to vector<16xf32>
      tpu.vector_store %arg6[%swap3A], %swap3A_40 {strides = array<i32>} : memref<640xf32, #tpu.memory_space<vmem>>, vector<16xf32>,
      %scan3A_41 = arith.constant 0 : i32
      scf.yield %scan3A_41 : i32
    }
    %scan3A_12 = arith.constant 40 : i32
    %mul3A = arith.constant 640 : i32
    %mul3A_13 = arith.muli %arg1, %mul3A : i32
    "tpu.region"() ({
      %run_scoped3A = tpu.sem_alloc : memref<!tpu.dma_semaphore, #tpu.memory_space<semaphore_mem>>
      %dma_start3A = tpu.memref_slice %arg7[%mul3A_13] : memref<10240xf32, #tpu.memory_space<vmem_shared>> -> memref<640xf32, #tpu.memory_space<vmem_shared>>
      %dma_start3A_33 = tpu.memref_slice %arg7[%mul3A_13] : memref<10240xf32, #tpu.memory_space<vmem_shared>> -> memref<640xf32, #tpu.memory_space<vmem_shared>>
      tpu.enqueue_dma source(%arg6 : memref<640xf32, #tpu.memory_space<vmem>>) target(%dma_start3A_33 : memref<640xf32, #tpu.memory_space<vmem_shared>>) target_semaphore(%run_scoped3A : memref<!tpu.dma_semaphore, #tpu.memory_space<semaphore_mem>>)
      %dma_wait3A = tpu.memref_slice %arg7[%mul3A_13] : memref<10240xf32, #tpu.memory_space<vmem_shared>> -> memref<640xf32, #tpu.memory_space<vmem_shared>>
      %dma_wait3A_34 = tpu.memref_slice %arg7[%mul3A_13] : memref<10240xf32, #tpu.memory_space<vmem_shared>> -> memref<640xf32, #tpu.memory_space<vmem_shared>>
      tpu.wait_dma2 semaphore(%run_scoped3A : memref<!tpu.dma_semaphore, #tpu.memory_space<semaphore_mem>>) src(%arg6 : memref<640xf32, #tpu.memory_space<vmem>>) dst(%dma_wait3A_34 : memref<640xf32, #tpu.memory_space<vmem_shared>>)
      tpu.yield
    }) : () -> ()
    %mul3A_14 = arith.constant 16 : i32
    %mul3A_15 = arith.muli %arg0, %mul3A_14 : i32
    %add3A = arith.addi %mul3A_15, %arg1 : i32
    %mul3A_16 = arith.constant 40 : i32
    %mul3A_17 = arith.muli %add3A, %mul3A_16 : i32
    "tpu.region"() ({
      %run_scoped3A = tpu.sem_alloc : memref<!tpu.dma_semaphore, #tpu.memory_space<semaphore_mem>>
      %dma_start3A = arith.constant 0 : i32
      %dma_start3A_33 = tpu.memref_slice %arg2[%mul3A_17, %dma_start3A] : memref<1280x128xi32, #tpu.memory_space<hbm>> -> memref<40x128xi32, #tpu.memory_space<hbm>>
      %dma_start3A_34 = arith.constant 0 : i32
      %dma_start3A_35 = tpu.memref_slice %arg2[%mul3A_17, %dma_start3A_34] : memref<1280x128xi32, #tpu.memory_space<hbm>> -> memref<40x128xi32, #tpu.memory_space<hbm>>
      tpu.enqueue_dma source(%dma_start3A_35 : memref<40x128xi32, #tpu.memory_space<hbm>>) target(%arg4 : memref<40x128xi32, #tpu.memory_space<vmem>>) target_semaphore(%run_scoped3A : memref<!tpu.dma_semaphore, #tpu.memory_space<semaphore_mem>>)
      %dma_wait3A = arith.constant 0 : i32
      %dma_wait3A_36 = tpu.memref_slice %arg2[%mul3A_17, %dma_wait3A] : memref<1280x128xi32, #tpu.memory_space<hbm>> -> memref<40x128xi32, #tpu.memory_space<hbm>>
      %dma_wait3A_37 = arith.constant 0 : i32
      %dma_wait3A_38 = tpu.memref_slice %arg2[%mul3A_17, %dma_wait3A_37] : memref<1280x128xi32, #tpu.memory_space<hbm>> -> memref<40x128xi32, #tpu.memory_space<hbm>>
      tpu.wait_dma2 semaphore(%run_scoped3A : memref<!tpu.dma_semaphore, #tpu.memory_space<semaphore_mem>>) src(%dma_wait3A_38 : memref<40x128xi32, #tpu.memory_space<hbm>>) dst(%arg4 : memref<40x128xi32, #tpu.memory_space<vmem>>)
      tpu.yield
    }) : () -> ()
    %barrier3A = arith.constant 0 : index
    tpu.barrier barrier_id(%barrier3A)
    %scan3A_18 = arith.constant 0 : i32
    %scan3A_19 = arith.constant 0 : i32
    %scan3A_20 = arith.constant 40 : i32
    %scan3A_21 = arith.addi %scan3A_19, %scan3A_20 : i32
    %scan3A_22 = arith.constant 1 : i32
    %scan3A_23 = scf.for %scan3A_33 = %scan3A_19 to %scan3A_21 step %scan3A_22 iter_args(%scan3A_34 = %scan3A_18) -> (i32)  : i32 {
      %run_scoped3A = arith.constant 0 : i32
      "tpu.region"() ({
        %run_scoped3A_36 = tpu.sem_alloc : memref<!tpu.dma_semaphore, #tpu.memory_space<semaphore_mem>>
        %dma_start3A = arith.constant 0 : i32
        %dma_start3A_37 = tpu.memref_slice %arg5[%run_scoped3A, %dma_start3A] : memref<1x128xf32, #tpu.memory_space<vmem>> -> memref<1x128xf32, #tpu.memory_space<vmem>>
        %dma_start3A_38 = tpu.memref_squeeze %dma_start3A_37 : memref<1x128xf32, #tpu.memory_space<vmem>> -> memref<128xf32, #tpu.memory_space<vmem>>
        %dma_start3A_39 = arith.constant 0 : i32
        %dma_start3A_40 = tpu.memref_slice %arg4[%scan3A_33, %dma_start3A_39] : memref<40x128xi32, #tpu.memory_space<vmem>> -> memref<1x128xi32, #tpu.memory_space<vmem>>
        %dma_start3A_41 = tpu.memref_squeeze %dma_start3A_40 : memref<1x128xi32, #tpu.memory_space<vmem>> -> memref<128xi32, #tpu.memory_space<vmem>>
        %dma_start3A_42 = arith.constant 0 : i32
        %dma_start3A_43 = tpu.memref_slice %arg7[%dma_start3A_42] : memref<10240xf32, #tpu.memory_space<vmem_shared>> -> memref<10240xf32, #tpu.memory_space<vmem_shared>>
        tpu.enqueue_indirect_dma source(%dma_start3A_38 : memref<128xf32, #tpu.memory_space<vmem>>) target(%dma_start3A_43 : memref<10240xf32, #tpu.memory_space<vmem_shared>>) offsets(%dma_start3A_41 : memref<128xi32, #tpu.memory_space<vmem>>) semaphore(%run_scoped3A_36 : memref<!tpu.dma_semaphore, #tpu.memory_space<semaphore_mem>>) {add = true}
        %dma_wait3A = arith.constant 0 : i32
        %dma_wait3A_44 = tpu.memref_slice %arg5[%run_scoped3A, %dma_wait3A] : memref<1x128xf32, #tpu.memory_space<vmem>> -> memref<1x128xf32, #tpu.memory_space<vmem>>
        %dma_wait3A_45 = tpu.memref_squeeze %dma_wait3A_44 : memref<1x128xf32, #tpu.memory_space<vmem>> -> memref<128xf32, #tpu.memory_space<vmem>>
        %dma_wait3A_46 = arith.constant 0 : i32
        %dma_wait3A_47 = tpu.memref_slice %arg4[%scan3A_33, %dma_wait3A_46] : memref<40x128xi32, #tpu.memory_space<vmem>> -> memref<1x128xi32, #tpu.memory_space<vmem>>
        %dma_wait3A_48 = tpu.memref_squeeze %dma_wait3A_47 : memref<1x128xi32, #tpu.memory_space<vmem>> -> memref<128xi32, #tpu.memory_space<vmem>>
        %dma_wait3A_49 = arith.constant 0 : i32
        %dma_wait3A_50 = tpu.memref_slice %arg7[%dma_wait3A_49] : memref<10240xf32, #tpu.memory_space<vmem_shared>> -> memref<10240xf32, #tpu.memory_space<vmem_shared>>
        tpu.wait_indirect_dma semaphore(%run_scoped3A_36 : memref<!tpu.dma_semaphore, #tpu.memory_space<semaphore_mem>>) src(%dma_wait3A_45 : memref<128xf32, #tpu.memory_space<vmem>>) dst(%dma_wait3A_50 : memref<10240xf32, #tpu.memory_space<vmem_shared>>)
        tpu.yield
      }) : () -> ()
      %scan3A_35 = arith.constant 0 : i32
      scf.yield %scan3A_35 : i32
    }
    %scan3A_24 = arith.constant 40 : i32
    %barrier3A_25 = arith.constant 0 : index
    tpu.barrier barrier_id(%barrier3A_25)
    %mul3A_26 = arith.constant 10240 : i32
    %mul3A_27 = arith.muli %arg0, %mul3A_26 : i32
    %mul3A_28 = arith.constant 640 : i32
    %mul3A_29 = arith.muli %arg1, %mul3A_28 : i32
    %add3A_30 = arith.addi %mul3A_27, %mul3A_29 : i32
    %multiple_of3A = tpu.assume_multiple %add3A_30, 8 : i32
    %mul3A_31 = arith.constant 640 : i32
    %mul3A_32 = arith.muli %arg1, %mul3A_31 : i32
    "tpu.region"() ({
      %run_scoped3A = tpu.sem_alloc : memref<!tpu.dma_semaphore, #tpu.memory_space<semaphore_mem>>
      %dma_start3A = tpu.memref_slice %arg3[%multiple_of3A] : memref<20480xf32, #tpu.memory_space<hbm>> -> memref<640xf32, #tpu.memory_space<hbm>>
      %dma_start3A_33 = tpu.memref_slice %arg7[%mul3A_32] : memref<10240xf32, #tpu.memory_space<vmem_shared>> -> memref<640xf32, #tpu.memory_space<vmem_shared>>
      tpu.enqueue_dma source(%dma_start3A_33 : memref<640xf32, #tpu.memory_space<vmem_shared>>) target(%dma_start3A : memref<640xf32, #tpu.memory_space<hbm>>) target_semaphore(%run_scoped3A : memref<!tpu.dma_semaphore, #tpu.memory_space<semaphore_mem>>)
      %dma_wait3A = tpu.memref_slice %arg3[%multiple_of3A] : memref<20480xf32, #tpu.memory_space<hbm>> -> memref<640xf32, #tpu.memory_space<hbm>>
      %dma_wait3A_34 = tpu.memref_slice %arg7[%mul3A_32] : memref<10240xf32, #tpu.memory_space<vmem_shared>> -> memref<640xf32, #tpu.memory_space<vmem_shared>>
      tpu.wait_dma2 semaphore(%run_scoped3A : memref<!tpu.dma_semaphore, #tpu.memory_space<semaphore_mem>>) src(%dma_wait3A_34 : memref<640xf32, #tpu.memory_space<vmem_shared>>) dst(%dma_wait3A : memref<640xf32, #tpu.memory_space<hbm>>)
      tpu.yield
    }) : () -> ()
    return
  }
}

#map = affine_map<(d0, d1) -> (0)>
#map1 = affine_map<(d0, d1) -> (0, 0, 0)>
module attributes {stable_mosaic.version = 14 : i64} {
  func.func @_seg_body(%arg0: i32, %arg1: i32, %arg2: memref<160000xi32, #tpu.memory_space<hbm>>, %arg3: memref<160000xi32, #tpu.memory_space<hbm>>, %arg4: memref<4x10000x128xf32, #tpu.memory_space<hbm>>, %arg5: memref<4x10000x128xf32, #tpu.memory_space<hbm>>, %arg6: memref<1x128xi32, #tpu.memory_space<vmem>>, %arg7: memref<1x128xi32, #tpu.memory_space<vmem>>, %arg8: memref<1x128xi32, #tpu.memory_space<vmem>>, %arg9: memref<1x128xi32, #tpu.memory_space<vmem>>, %arg10: memref<128x128xf32, #tpu.memory_space<vmem>>, %arg11: memref<128x128xf32, #tpu.memory_space<vmem>>, %arg12: memref<128x128xf32, #tpu.memory_space<vmem>>, %arg13: memref<10000x128xf32, #tpu.memory_space<vmem_shared>>, %arg14: memref<!tpu.dma_semaphore, #tpu.memory_space<semaphore_mem>>, %arg15: memref<!tpu.dma_semaphore, #tpu.memory_space<semaphore_mem>>) attributes {dimension_semantics = [#tpu.dimension_semantics<core_parallel>, #tpu.dimension_semantics<subcore_parallel>], iteration_bounds = array<i64: 2, 16>, scalar_prefetch = 0 : i64, scratch_operands = 10 : i64, tpu.core_type = #tpu.core_type<sc_vector_subcore>, window_params = [{transform_indices = #map}, {transform_indices = #map}, {transform_indices = #map1}, {transform_indices = #map1}]} {
    %scan3A = arith.constant 0 : i32
    %scan3A_0 = arith.constant 0 : i32
    %scan3A_1 = arith.constant 1024 : i32
    %scan3A_2 = arith.addi %scan3A_0, %scan3A_1 : i32
    %scan3A_3 = arith.constant 1 : i32
    %scan3A_4 = scf.for %scan3A_218 = %scan3A_0 to %scan3A_2 step %scan3A_3 iter_args(%scan3A_219 = %scan3A) -> (i32)  : i32 {
      %broadcast_in_dim3A = arith.constant 0.000000e+00 : f32
      %broadcast_in_dim3A_220 = vector.broadcast %broadcast_in_dim3A : f32 to vector<16xf32>
      %jit3A = arith.constant 8 : i32
      %div3A = arith.divsi %scan3A_218, %jit3A : i32
      %sign3A = arith.constant 0 : i32
      %sign3A_221 = arith.cmpi sgt, %scan3A_218, %sign3A : i32
      %sign3A_222 = arith.extui %sign3A_221 : i1 to i32
      %sign3A_223 = arith.constant 0 : i32
      %sign3A_224 = arith.cmpi slt, %scan3A_218, %sign3A_223 : i32
      %sign3A_225 = arith.extui %sign3A_224 : i1 to i32
      %sign3A_226 = arith.subi %sign3A_222, %sign3A_225 : i32
      %sign3A_227 = arith.constant 0 : i32
      %sign3A_228 = arith.cmpi sgt, %jit3A, %sign3A_227 : i32
      %sign3A_229 = arith.extui %sign3A_228 : i1 to i32
      %sign3A_230 = arith.constant 0 : i32
      %sign3A_231 = arith.cmpi slt, %jit3A, %sign3A_230 : i32
      %sign3A_232 = arith.extui %sign3A_231 : i1 to i32
      %sign3A_233 = arith.subi %sign3A_229, %sign3A_232 : i32
      %ne3A = arith.cmpi ne, %sign3A_226, %sign3A_233 : i32
      %rem3A = arith.remsi %scan3A_218, %jit3A : i32
      %ne3A_234 = arith.constant 0 : i32
      %ne3A_235 = arith.cmpi ne, %rem3A, %ne3A_234 : i32
      %and3A = arith.andi %ne3A, %ne3A_235 : i1
      %sub3A = arith.constant 1 : i32
      %sub3A_236 = arith.subi %div3A, %sub3A : i32
      %select_n3A = arith.select %and3A, %sub3A_236, %div3A : i32
      %jit3A_237 = arith.constant 8 : i32
      %eq3A_238 = arith.constant 0 : i32
      %eq3A_239 = arith.cmpi eq, %jit3A_237, %eq3A_238 : i32
      %jit3A_240 = arith.constant 1 : i32
      %select_n3A_241 = arith.select %eq3A_239, %jit3A_240, %jit3A_237 : i32
      %rem3A_242 = arith.remsi %scan3A_218, %select_n3A_241 : i32
      %ne3A_243 = arith.constant 0 : i32
      %ne3A_244 = arith.cmpi ne, %rem3A_242, %ne3A_243 : i32
      %lt3A = arith.constant 0 : i32
      %lt3A_245 = arith.cmpi slt, %rem3A_242, %lt3A : i32
      %lt3A_246 = arith.constant 0 : i32
      %lt3A_247 = arith.cmpi slt, %select_n3A_241, %lt3A_246 : i32
      %ne3A_248 = arith.xori %lt3A_245, %lt3A_247 : i1
      %and3A_249 = arith.andi %ne3A_248, %ne3A_244 : i1
      %add3A_250 = arith.addi %rem3A_242, %select_n3A_241 : i32
      %select_n3A_251 = arith.select %and3A_249, %add3A_250, %rem3A_242 : i32
      %mul3A_252 = arith.constant 16 : i32
      %mul3A_253 = arith.muli %select_n3A_251, %mul3A_252 : i32
      %swap3A = arith.index_cast %select_n3A : i32 to index
      %swap3A_254 = arith.index_cast %mul3A_253 : i32 to index
      %swap3A_255 = tpu.vector_load %arg12[%swap3A, %swap3A_254] {strides = array<i32>} : memref<128x128xf32, #tpu.memory_space<vmem>>, vector<1x16xf32>,
      %swap3A_256 = vector.shape_cast %swap3A_255 : vector<1x16xf32> to vector<16xf32>
      %swap3A_257 = vector.shape_cast %broadcast_in_dim3A_220 : vector<16xf32> to vector<1x16xf32>
      tpu.vector_store %arg12[%swap3A, %swap3A_254], %swap3A_257 {strides = array<i32>} : memref<128x128xf32, #tpu.memory_space<vmem>>, vector<1x16xf32>,
      %scan3A_258 = arith.constant 0 : i32
      scf.yield %scan3A_258 : i32
    }
    %scan3A_5 = arith.constant 1024 : i32
    %mul3A = arith.constant 10000 : i32
    %mul3A_6 = arith.muli %arg1, %mul3A : i32
    %multiple_of3A = tpu.assume_multiple %mul3A_6, 8 : i32
    %mul3A_7 = arith.constant 624 : i32
    %mul3A_8 = arith.muli %arg1, %mul3A_7 : i32
    %multiple_of3A_9 = tpu.assume_multiple %mul3A_8, 8 : i32
    %mul3A_10 = arith.constant 2 : i32
    %mul3A_11 = arith.muli %mul3A_10, %arg0 : i32
    %add3A = arith.constant 0 : i32
    %add3A_12 = arith.addi %mul3A_11, %add3A : i32
    %add3A_13 = arith.constant 0 : i32
    %add3A_14 = arith.addi %multiple_of3A_9, %add3A_13 : i32
    "tpu.region"() ({
      %run_scoped3A_218 = tpu.sem_alloc : memref<!tpu.dma_semaphore, #tpu.memory_space<semaphore_mem>>
      %dma_start3A_219 = arith.constant 0 : i32
      %dma_start3A_220 = tpu.memref_slice %arg13[%add3A_14, %dma_start3A_219] : memref<10000x128xf32, #tpu.memory_space<vmem_shared>> -> memref<128x128xf32, #tpu.memory_space<vmem_shared>>
      %dma_start3A_221 = arith.constant 0 : i32
      %dma_start3A_222 = tpu.memref_slice %arg13[%add3A_14, %dma_start3A_221] : memref<10000x128xf32, #tpu.memory_space<vmem_shared>> -> memref<128x128xf32, #tpu.memory_space<vmem_shared>>
      tpu.enqueue_dma source(%arg12 : memref<128x128xf32, #tpu.memory_space<vmem>>) target(%dma_start3A_222 : memref<128x128xf32, #tpu.memory_space<vmem_shared>>) target_semaphore(%run_scoped3A_218 : memref<!tpu.dma_semaphore, #tpu.memory_space<semaphore_mem>>)
      %dma_wait3A_223 = arith.constant 0 : i32
      %dma_wait3A_224 = tpu.memref_slice %arg13[%add3A_14, %dma_wait3A_223] : memref<10000x128xf32, #tpu.memory_space<vmem_shared>> -> memref<128x128xf32, #tpu.memory_space<vmem_shared>>
      %dma_wait3A_225 = arith.constant 0 : i32
      %dma_wait3A_226 = tpu.memref_slice %arg13[%add3A_14, %dma_wait3A_225] : memref<10000x128xf32, #tpu.memory_space<vmem_shared>> -> memref<128x128xf32, #tpu.memory_space<vmem_shared>>
      tpu.wait_dma2 semaphore(%run_scoped3A_218 : memref<!tpu.dma_semaphore, #tpu.memory_space<semaphore_mem>>) src(%arg12 : memref<128x128xf32, #tpu.memory_space<vmem>>) dst(%dma_wait3A_226 : memref<128x128xf32, #tpu.memory_space<vmem_shared>>)
      tpu.yield
    }) : () -> ()
    %add3A_15 = arith.constant 128 : i32
    %add3A_16 = arith.addi %multiple_of3A_9, %add3A_15 : i32
    "tpu.region"() ({
      %run_scoped3A_218 = tpu.sem_alloc : memref<!tpu.dma_semaphore, #tpu.memory_space<semaphore_mem>>
      %dma_start3A_219 = arith.constant 0 : i32
      %dma_start3A_220 = tpu.memref_slice %arg13[%add3A_16, %dma_start3A_219] : memref<10000x128xf32, #tpu.memory_space<vmem_shared>> -> memref<128x128xf32, #tpu.memory_space<vmem_shared>>
      %dma_start3A_221 = arith.constant 0 : i32
      %dma_start3A_222 = tpu.memref_slice %arg13[%add3A_16, %dma_start3A_221] : memref<10000x128xf32, #tpu.memory_space<vmem_shared>> -> memref<128x128xf32, #tpu.memory_space<vmem_shared>>
      tpu.enqueue_dma source(%arg12 : memref<128x128xf32, #tpu.memory_space<vmem>>) target(%dma_start3A_222 : memref<128x128xf32, #tpu.memory_space<vmem_shared>>) target_semaphore(%run_scoped3A_218 : memref<!tpu.dma_semaphore, #tpu.memory_space<semaphore_mem>>)
      %dma_wait3A_223 = arith.constant 0 : i32
      %dma_wait3A_224 = tpu.memref_slice %arg13[%add3A_16, %dma_wait3A_223] : memref<10000x128xf32, #tpu.memory_space<vmem_shared>> -> memref<128x128xf32, #tpu.memory_space<vmem_shared>>
      %dma_wait3A_225 = arith.constant 0 : i32
      %dma_wait3A_226 = tpu.memref_slice %arg13[%add3A_16, %dma_wait3A_225] : memref<10000x128xf32, #tpu.memory_space<vmem_shared>> -> memref<128x128xf32, #tpu.memory_space<vmem_shared>>
      tpu.wait_dma2 semaphore(%run_scoped3A_218 : memref<!tpu.dma_semaphore, #tpu.memory_space<semaphore_mem>>) src(%arg12 : memref<128x128xf32, #tpu.memory_space<vmem>>) dst(%dma_wait3A_226 : memref<128x128xf32, #tpu.memory_space<vmem_shared>>)
      tpu.yield
    }) : () -> ()
    %add3A_17 = arith.constant 256 : i32
    %add3A_18 = arith.addi %multiple_of3A_9, %add3A_17 : i32
    "tpu.region"() ({
      %run_scoped3A_218 = tpu.sem_alloc : memref<!tpu.dma_semaphore, #tpu.memory_space<semaphore_mem>>
      %dma_start3A_219 = arith.constant 0 : i32
      %dma_start3A_220 = tpu.memref_slice %arg13[%add3A_18, %dma_start3A_219] : memref<10000x128xf32, #tpu.memory_space<vmem_shared>> -> memref<128x128xf32, #tpu.memory_space<vmem_shared>>
      %dma_start3A_221 = arith.constant 0 : i32
      %dma_start3A_222 = tpu.memref_slice %arg13[%add3A_18, %dma_start3A_221] : memref<10000x128xf32, #tpu.memory_space<vmem_shared>> -> memref<128x128xf32, #tpu.memory_space<vmem_shared>>
      tpu.enqueue_dma source(%arg12 : memref<128x128xf32, #tpu.memory_space<vmem>>) target(%dma_start3A_222 : memref<128x128xf32, #tpu.memory_space<vmem_shared>>) target_semaphore(%run_scoped3A_218 : memref<!tpu.dma_semaphore, #tpu.memory_space<semaphore_mem>>)
      %dma_wait3A_223 = arith.constant 0 : i32
      %dma_wait3A_224 = tpu.memref_slice %arg13[%add3A_18, %dma_wait3A_223] : memref<10000x128xf32, #tpu.memory_space<vmem_shared>> -> memref<128x128xf32, #tpu.memory_space<vmem_shared>>
      %dma_wait3A_225 = arith.constant 0 : i32
      %dma_wait3A_226 = tpu.memref_slice %arg13[%add3A_18, %dma_wait3A_225] : memref<10000x128xf32, #tpu.memory_space<vmem_shared>> -> memref<128x128xf32, #tpu.memory_space<vmem_shared>>
      tpu.wait_dma2 semaphore(%run_scoped3A_218 : memref<!tpu.dma_semaphore, #tpu.memory_space<semaphore_mem>>) src(%arg12 : memref<128x128xf32, #tpu.memory_space<vmem>>) dst(%dma_wait3A_226 : memref<128x128xf32, #tpu.memory_space<vmem_shared>>)
      tpu.yield
    }) : () -> ()
    %add3A_19 = arith.constant 384 : i32
    %add3A_20 = arith.addi %multiple_of3A_9, %add3A_19 : i32
    "tpu.region"() ({
      %run_scoped3A_218 = tpu.sem_alloc : memref<!tpu.dma_semaphore, #tpu.memory_space<semaphore_mem>>
      %dma_start3A_219 = arith.constant 0 : i32
      %dma_start3A_220 = tpu.memref_slice %arg13[%add3A_20, %dma_start3A_219] : memref<10000x128xf32, #tpu.memory_space<vmem_shared>> -> memref<128x128xf32, #tpu.memory_space<vmem_shared>>
      %dma_start3A_221 = arith.constant 0 : i32
      %dma_start3A_222 = tpu.memref_slice %arg13[%add3A_20, %dma_start3A_221] : memref<10000x128xf32, #tpu.memory_space<vmem_shared>> -> memref<128x128xf32, #tpu.memory_space<vmem_shared>>
      tpu.enqueue_dma source(%arg12 : memref<128x128xf32, #tpu.memory_space<vmem>>) target(%dma_start3A_222 : memref<128x128xf32, #tpu.memory_space<vmem_shared>>) target_semaphore(%run_scoped3A_218 : memref<!tpu.dma_semaphore, #tpu.memory_space<semaphore_mem>>)
      %dma_wait3A_223 = arith.constant 0 : i32
      %dma_wait3A_224 = tpu.memref_slice %arg13[%add3A_20, %dma_wait3A_223] : memref<10000x128xf32, #tpu.memory_space<vmem_shared>> -> memref<128x128xf32, #tpu.memory_space<vmem_shared>>
      %dma_wait3A_225 = arith.constant 0 : i32
      %dma_wait3A_226 = tpu.memref_slice %arg13[%add3A_20, %dma_wait3A_225] : memref<10000x128xf32, #tpu.memory_space<vmem_shared>> -> memref<128x128xf32, #tpu.memory_space<vmem_shared>>
      tpu.wait_dma2 semaphore(%run_scoped3A_218 : memref<!tpu.dma_semaphore, #tpu.memory_space<semaphore_mem>>) src(%arg12 : memref<128x128xf32, #tpu.memory_space<vmem>>) dst(%dma_wait3A_226 : memref<128x128xf32, #tpu.memory_space<vmem_shared>>)
      tpu.yield
    }) : () -> ()
    %add3A_21 = arith.constant 512 : i32
    %add3A_22 = arith.addi %multiple_of3A_9, %add3A_21 : i32
    "tpu.region"() ({
      %run_scoped3A_218 = tpu.sem_alloc : memref<!tpu.dma_semaphore, #tpu.memory_space<semaphore_mem>>
      %dma_start3A_219 = arith.constant 0 : i32
      %dma_start3A_220 = arith.constant 0 : i32
      %dma_start3A_221 = tpu.memref_slice %arg12[%dma_start3A_219, %dma_start3A_220] : memref<128x128xf32, #tpu.memory_space<vmem>> -> memref<112x128xf32, #tpu.memory_space<vmem>>
      %dma_start3A_222 = arith.constant 0 : i32
      %dma_start3A_223 = tpu.memref_slice %arg13[%add3A_22, %dma_start3A_222] : memref<10000x128xf32, #tpu.memory_space<vmem_shared>> -> memref<112x128xf32, #tpu.memory_space<vmem_shared>>
      %dma_start3A_224 = arith.constant 0 : i32
      %dma_start3A_225 = tpu.memref_slice %arg13[%add3A_22, %dma_start3A_224] : memref<10000x128xf32, #tpu.memory_space<vmem_shared>> -> memref<112x128xf32, #tpu.memory_space<vmem_shared>>
      %dma_start3A_226 = arith.constant 0 : i32
      %dma_start3A_227 = arith.constant 0 : i32
      %dma_start3A_228 = tpu.memref_slice %arg12[%dma_start3A_226, %dma_start3A_227] : memref<128x128xf32, #tpu.memory_space<vmem>> -> memref<112x128xf32, #tpu.memory_space<vmem>>
      tpu.enqueue_dma source(%dma_start3A_228 : memref<112x128xf32, #tpu.memory_space<vmem>>) target(%dma_start3A_225 : memref<112x128xf32, #tpu.memory_space<vmem_shared>>) target_semaphore(%run_scoped3A_218 : memref<!tpu.dma_semaphore, #tpu.memory_space<semaphore_mem>>)
      %dma_wait3A_229 = arith.constant 0 : i32
      %dma_wait3A_230 = arith.constant 0 : i32
      %dma_wait3A_231 = tpu.memref_slice %arg12[%dma_wait3A_229, %dma_wait3A_230] : memref<128x128xf32, #tpu.memory_space<vmem>> -> memref<112x128xf32, #tpu.memory_space<vmem>>
      %dma_wait3A_232 = arith.constant 0 : i32
      %dma_wait3A_233 = tpu.memref_slice %arg13[%add3A_22, %dma_wait3A_232] : memref<10000x128xf32, #tpu.memory_space<vmem_shared>> -> memref<112x128xf32, #tpu.memory_space<vmem_shared>>
      %dma_wait3A_234 = arith.constant 0 : i32
      %dma_wait3A_235 = tpu.memref_slice %arg13[%add3A_22, %dma_wait3A_234] : memref<10000x128xf32, #tpu.memory_space<vmem_shared>> -> memref<112x128xf32, #tpu.memory_space<vmem_shared>>
      %dma_wait3A_236 = arith.constant 0 : i32
      %dma_wait3A_237 = arith.constant 0 : i32
      %dma_wait3A_238 = tpu.memref_slice %arg12[%dma_wait3A_236, %dma_wait3A_237] : memref<128x128xf32, #tpu.memory_space<vmem>> -> memref<112x128xf32, #tpu.memory_space<vmem>>
      tpu.wait_dma2 semaphore(%run_scoped3A_218 : memref<!tpu.dma_semaphore, #tpu.memory_space<semaphore_mem>>) src(%dma_wait3A_238 : memref<112x128xf32, #tpu.memory_space<vmem>>) dst(%dma_wait3A_235 : memref<112x128xf32, #tpu.memory_space<vmem_shared>>)
      tpu.yield
    }) : () -> ()
    %eq3A = arith.constant 15 : i32
    %eq3A_23 = arith.cmpi eq, %arg1, %eq3A : i32
    %convert_element_type3A = arith.extui %eq3A_23 : i1 to i32
    %cond3A = arith.constant 0 : i32
    %cond3A_24 = arith.cmpi ne, %convert_element_type3A, %cond3A : i32
    scf.if %cond3A_24 {
      "tpu.region"() ({
        %run_scoped3A_218 = tpu.sem_alloc : memref<!tpu.dma_semaphore, #tpu.memory_space<semaphore_mem>>
        %dma_start3A_219 = arith.constant 0 : i32
        %dma_start3A_220 = arith.constant 0 : i32
        %dma_start3A_221 = tpu.memref_slice %arg12[%dma_start3A_219, %dma_start3A_220] : memref<128x128xf32, #tpu.memory_space<vmem>> -> memref<16x128xf32, #tpu.memory_space<vmem>>
        %dma_start3A_222 = arith.constant 9984 : i32
        %dma_start3A_223 = arith.constant 0 : i32
        %dma_start3A_224 = tpu.memref_slice %arg13[%dma_start3A_222, %dma_start3A_223] : memref<10000x128xf32, #tpu.memory_space<vmem_shared>> -> memref<16x128xf32, #tpu.memory_space<vmem_shared>>
        %dma_start3A_225 = arith.constant 9984 : i32
        %dma_start3A_226 = arith.constant 0 : i32
        %dma_start3A_227 = tpu.memref_slice %arg13[%dma_start3A_225, %dma_start3A_226] : memref<10000x128xf32, #tpu.memory_space<vmem_shared>> -> memref<16x128xf32, #tpu.memory_space<vmem_shared>>
        %dma_start3A_228 = arith.constant 0 : i32
        %dma_start3A_229 = arith.constant 0 : i32
        %dma_start3A_230 = tpu.memref_slice %arg12[%dma_start3A_228, %dma_start3A_229] : memref<128x128xf32, #tpu.memory_space<vmem>> -> memref<16x128xf32, #tpu.memory_space<vmem>>
        tpu.enqueue_dma source(%dma_start3A_230 : memref<16x128xf32, #tpu.memory_space<vmem>>) target(%dma_start3A_227 : memref<16x128xf32, #tpu.memory_space<vmem_shared>>) target_semaphore(%run_scoped3A_218 : memref<!tpu.dma_semaphore, #tpu.memory_space<semaphore_mem>>)
        %dma_wait3A_231 = arith.constant 0 : i32
        %dma_wait3A_232 = arith.constant 0 : i32
        %dma_wait3A_233 = tpu.memref_slice %arg12[%dma_wait3A_231, %dma_wait3A_232] : memref<128x128xf32, #tpu.memory_space<vmem>> -> memref<16x128xf32, #tpu.memory_space<vmem>>
        %dma_wait3A_234 = arith.constant 9984 : i32
        %dma_wait3A_235 = arith.constant 0 : i32
        %dma_wait3A_236 = tpu.memref_slice %arg13[%dma_wait3A_234, %dma_wait3A_235] : memref<10000x128xf32, #tpu.memory_space<vmem_shared>> -> memref<16x128xf32, #tpu.memory_space<vmem_shared>>
        %dma_wait3A_237 = arith.constant 9984 : i32
        %dma_wait3A_238 = arith.constant 0 : i32
        %dma_wait3A_239 = tpu.memref_slice %arg13[%dma_wait3A_237, %dma_wait3A_238] : memref<10000x128xf32, #tpu.memory_space<vmem_shared>> -> memref<16x128xf32, #tpu.memory_space<vmem_shared>>
        %dma_wait3A_240 = arith.constant 0 : i32
        %dma_wait3A_241 = arith.constant 0 : i32
        %dma_wait3A_242 = tpu.memref_slice %arg12[%dma_wait3A_240, %dma_wait3A_241] : memref<128x128xf32, #tpu.memory_space<vmem>> -> memref<16x128xf32, #tpu.memory_space<vmem>>
        tpu.wait_dma2 semaphore(%run_scoped3A_218 : memref<!tpu.dma_semaphore, #tpu.memory_space<semaphore_mem>>) src(%dma_wait3A_242 : memref<16x128xf32, #tpu.memory_space<vmem>>) dst(%dma_wait3A_239 : memref<16x128xf32, #tpu.memory_space<vmem_shared>>)
        tpu.yield
      }) : () -> ()
    } else {
    }
    %barrier3A = arith.constant 0 : index
    tpu.barrier barrier_id(%barrier3A)
    %add3A_25 = arith.constant 0 : i32
    %add3A_26 = arith.addi %multiple_of3A, %add3A_25 : i32
    %multiple_of3A_27 = tpu.assume_multiple %add3A_26, 8 : i32
    %run_scoped3A = arith.constant 0 : i32
    "tpu.region"() ({
      %run_scoped3A_218 = tpu.sem_alloc : memref<!tpu.dma_semaphore, #tpu.memory_space<semaphore_mem>>
      %dma_start3A_219 = arith.constant 0 : i32
      %dma_start3A_220 = tpu.memref_slice %arg6[%run_scoped3A, %dma_start3A_219] : memref<1x128xi32, #tpu.memory_space<vmem>> -> memref<1x128xi32, #tpu.memory_space<vmem>>
      %dma_start3A_221 = tpu.memref_squeeze %dma_start3A_220 : memref<1x128xi32, #tpu.memory_space<vmem>> -> memref<128xi32, #tpu.memory_space<vmem>>
      %dma_start3A_222 = tpu.memref_slice %arg2[%multiple_of3A_27] : memref<160000xi32, #tpu.memory_space<hbm>> -> memref<128xi32, #tpu.memory_space<hbm>>
      %dma_start3A_223 = arith.constant 0 : i32
      %dma_start3A_224 = tpu.memref_slice %arg6[%run_scoped3A, %dma_start3A_223] : memref<1x128xi32, #tpu.memory_space<vmem>> -> memref<1x128xi32, #tpu.memory_space<vmem>>
      %dma_start3A_225 = tpu.memref_squeeze %dma_start3A_224 : memref<1x128xi32, #tpu.memory_space<vmem>> -> memref<128xi32, #tpu.memory_space<vmem>>
      %dma_start3A_226 = tpu.memref_slice %arg2[%multiple_of3A_27] : memref<160000xi32, #tpu.memory_space<hbm>> -> memref<128xi32, #tpu.memory_space<hbm>>
      tpu.enqueue_dma source(%dma_start3A_226 : memref<128xi32, #tpu.memory_space<hbm>>) target(%dma_start3A_225 : memref<128xi32, #tpu.memory_space<vmem>>) target_semaphore(%run_scoped3A_218 : memref<!tpu.dma_semaphore, #tpu.memory_space<semaphore_mem>>)
      %dma_wait3A_227 = arith.constant 0 : i32
      %dma_wait3A_228 = tpu.memref_slice %arg6[%run_scoped3A, %dma_wait3A_227] : memref<1x128xi32, #tpu.memory_space<vmem>> -> memref<1x128xi32, #tpu.memory_space<vmem>>
      %dma_wait3A_229 = tpu.memref_squeeze %dma_wait3A_228 : memref<1x128xi32, #tpu.memory_space<vmem>> -> memref<128xi32, #tpu.memory_space<vmem>>
      %dma_wait3A_230 = tpu.memref_slice %arg2[%multiple_of3A_27] : memref<160000xi32, #tpu.memory_space<hbm>> -> memref<128xi32, #tpu.memory_space<hbm>>
      %dma_wait3A_231 = arith.constant 0 : i32
      %dma_wait3A_232 = tpu.memref_slice %arg6[%run_scoped3A, %dma_wait3A_231] : memref<1x128xi32, #tpu.memory_space<vmem>> -> memref<1x128xi32, #tpu.memory_space<vmem>>
      %dma_wait3A_233 = tpu.memref_squeeze %dma_wait3A_232 : memref<1x128xi32, #tpu.memory_space<vmem>> -> memref<128xi32, #tpu.memory_space<vmem>>
      %dma_wait3A_234 = tpu.memref_slice %arg2[%multiple_of3A_27] : memref<160000xi32, #tpu.memory_space<hbm>> -> memref<128xi32, #tpu.memory_space<hbm>>
      tpu.wait_dma2 semaphore(%run_scoped3A_218 : memref<!tpu.dma_semaphore, #tpu.memory_space<semaphore_mem>>) src(%dma_wait3A_234 : memref<128xi32, #tpu.memory_space<hbm>>) dst(%dma_wait3A_233 : memref<128xi32, #tpu.memory_space<vmem>>)
      tpu.yield
    }) : () -> ()
    %run_scoped3A_28 = arith.constant 0 : i32
    "tpu.region"() ({
      %run_scoped3A_218 = tpu.sem_alloc : memref<!tpu.dma_semaphore, #tpu.memory_space<semaphore_mem>>
      %dma_start3A_219 = arith.constant 0 : i32
      %dma_start3A_220 = tpu.memref_slice %arg7[%run_scoped3A_28, %dma_start3A_219] : memref<1x128xi32, #tpu.memory_space<vmem>> -> memref<1x128xi32, #tpu.memory_space<vmem>>
      %dma_start3A_221 = tpu.memref_squeeze %dma_start3A_220 : memref<1x128xi32, #tpu.memory_space<vmem>> -> memref<128xi32, #tpu.memory_space<vmem>>
      %dma_start3A_222 = tpu.memref_slice %arg3[%multiple_of3A_27] : memref<160000xi32, #tpu.memory_space<hbm>> -> memref<128xi32, #tpu.memory_space<hbm>>
      %dma_start3A_223 = arith.constant 0 : i32
      %dma_start3A_224 = tpu.memref_slice %arg7[%run_scoped3A_28, %dma_start3A_223] : memref<1x128xi32, #tpu.memory_space<vmem>> -> memref<1x128xi32, #tpu.memory_space<vmem>>
      %dma_start3A_225 = tpu.memref_squeeze %dma_start3A_224 : memref<1x128xi32, #tpu.memory_space<vmem>> -> memref<128xi32, #tpu.memory_space<vmem>>
      %dma_start3A_226 = tpu.memref_slice %arg3[%multiple_of3A_27] : memref<160000xi32, #tpu.memory_space<hbm>> -> memref<128xi32, #tpu.memory_space<hbm>>
      tpu.enqueue_dma source(%dma_start3A_226 : memref<128xi32, #tpu.memory_space<hbm>>) target(%dma_start3A_225 : memref<128xi32, #tpu.memory_space<vmem>>) target_semaphore(%run_scoped3A_218 : memref<!tpu.dma_semaphore, #tpu.memory_space<semaphore_mem>>)
      %dma_wait3A_227 = arith.constant 0 : i32
      %dma_wait3A_228 = tpu.memref_slice %arg7[%run_scoped3A_28, %dma_wait3A_227] : memref<1x128xi32, #tpu.memory_space<vmem>> -> memref<1x128xi32, #tpu.memory_space<vmem>>
      %dma_wait3A_229 = tpu.memref_squeeze %dma_wait3A_228 : memref<1x128xi32, #tpu.memory_space<vmem>> -> memref<128xi32, #tpu.memory_space<vmem>>
      %dma_wait3A_230 = tpu.memref_slice %arg3[%multiple_of3A_27] : memref<160000xi32, #tpu.memory_space<hbm>> -> memref<128xi32, #tpu.memory_space<hbm>>
      %dma_wait3A_231 = arith.constant 0 : i32
      %dma_wait3A_232 = tpu.memref_slice %arg7[%run_scoped3A_28, %dma_wait3A_231] : memref<1x128xi32, #tpu.memory_space<vmem>> -> memref<1x128xi32, #tpu.memory_space<vmem>>
      %dma_wait3A_233 = tpu.memref_squeeze %dma_wait3A_232 : memref<1x128xi32, #tpu.memory_space<vmem>> -> memref<128xi32, #tpu.memory_space<vmem>>
      %dma_wait3A_234 = tpu.memref_slice %arg3[%multiple_of3A_27] : memref<160000xi32, #tpu.memory_space<hbm>> -> memref<128xi32, #tpu.memory_space<hbm>>
      tpu.wait_dma2 semaphore(%run_scoped3A_218 : memref<!tpu.dma_semaphore, #tpu.memory_space<semaphore_mem>>) src(%dma_wait3A_234 : memref<128xi32, #tpu.memory_space<hbm>>) dst(%dma_wait3A_233 : memref<128xi32, #tpu.memory_space<vmem>>)
      tpu.yield
    }) : () -> ()
    %add3A_29 = arith.constant 128 : i32
    %add3A_30 = arith.addi %multiple_of3A, %add3A_29 : i32
    %multiple_of3A_31 = tpu.assume_multiple %add3A_30, 8 : i32
    %run_scoped3A_32 = arith.constant 0 : i32
    "tpu.region"() ({
      %run_scoped3A_218 = tpu.sem_alloc : memref<!tpu.dma_semaphore, #tpu.memory_space<semaphore_mem>>
      %dma_start3A_219 = arith.constant 0 : i32
      %dma_start3A_220 = tpu.memref_slice %arg8[%run_scoped3A_32, %dma_start3A_219] : memref<1x128xi32, #tpu.memory_space<vmem>> -> memref<1x128xi32, #tpu.memory_space<vmem>>
      %dma_start3A_221 = tpu.memref_squeeze %dma_start3A_220 : memref<1x128xi32, #tpu.memory_space<vmem>> -> memref<128xi32, #tpu.memory_space<vmem>>
      %dma_start3A_222 = tpu.memref_slice %arg2[%multiple_of3A_31] : memref<160000xi32, #tpu.memory_space<hbm>> -> memref<128xi32, #tpu.memory_space<hbm>>
      %dma_start3A_223 = arith.constant 0 : i32
      %dma_start3A_224 = tpu.memref_slice %arg8[%run_scoped3A_32, %dma_start3A_223] : memref<1x128xi32, #tpu.memory_space<vmem>> -> memref<1x128xi32, #tpu.memory_space<vmem>>
      %dma_start3A_225 = tpu.memref_squeeze %dma_start3A_224 : memref<1x128xi32, #tpu.memory_space<vmem>> -> memref<128xi32, #tpu.memory_space<vmem>>
      %dma_start3A_226 = tpu.memref_slice %arg2[%multiple_of3A_31] : memref<160000xi32, #tpu.memory_space<hbm>> -> memref<128xi32, #tpu.memory_space<hbm>>
      tpu.enqueue_dma source(%dma_start3A_226 : memref<128xi32, #tpu.memory_space<hbm>>) target(%dma_start3A_225 : memref<128xi32, #tpu.memory_space<vmem>>) target_semaphore(%run_scoped3A_218 : memref<!tpu.dma_semaphore, #tpu.memory_space<semaphore_mem>>)
      %dma_wait3A_227 = arith.constant 0 : i32
      %dma_wait3A_228 = tpu.memref_slice %arg8[%run_scoped3A_32, %dma_wait3A_227] : memref<1x128xi32, #tpu.memory_space<vmem>> -> memref<1x128xi32, #tpu.memory_space<vmem>>
      %dma_wait3A_229 = tpu.memref_squeeze %dma_wait3A_228 : memref<1x128xi32, #tpu.memory_space<vmem>> -> memref<128xi32, #tpu.memory_space<vmem>>
      %dma_wait3A_230 = tpu.memref_slice %arg2[%multiple_of3A_31] : memref<160000xi32, #tpu.memory_space<hbm>> -> memref<128xi32, #tpu.memory_space<hbm>>
      %dma_wait3A_231 = arith.constant 0 : i32
      %dma_wait3A_232 = tpu.memref_slice %arg8[%run_scoped3A_32, %dma_wait3A_231] : memref<1x128xi32, #tpu.memory_space<vmem>> -> memref<1x128xi32, #tpu.memory_space<vmem>>
      %dma_wait3A_233 = tpu.memref_squeeze %dma_wait3A_232 : memref<1x128xi32, #tpu.memory_space<vmem>> -> memref<128xi32, #tpu.memory_space<vmem>>
      %dma_wait3A_234 = tpu.memref_slice %arg2[%multiple_of3A_31] : memref<160000xi32, #tpu.memory_space<hbm>> -> memref<128xi32, #tpu.memory_space<hbm>>
      tpu.wait_dma2 semaphore(%run_scoped3A_218 : memref<!tpu.dma_semaphore, #tpu.memory_space<semaphore_mem>>) src(%dma_wait3A_234 : memref<128xi32, #tpu.memory_space<hbm>>) dst(%dma_wait3A_233 : memref<128xi32, #tpu.memory_space<vmem>>)
      tpu.yield
    }) : () -> ()
    %run_scoped3A_33 = arith.constant 0 : i32
    "tpu.region"() ({
      %run_scoped3A_218 = tpu.sem_alloc : memref<!tpu.dma_semaphore, #tpu.memory_space<semaphore_mem>>
      %dma_start3A_219 = arith.constant 0 : i32
      %dma_start3A_220 = tpu.memref_slice %arg9[%run_scoped3A_33, %dma_start3A_219] : memref<1x128xi32, #tpu.memory_space<vmem>> -> memref<1x128xi32, #tpu.memory_space<vmem>>
      %dma_start3A_221 = tpu.memref_squeeze %dma_start3A_220 : memref<1x128xi32, #tpu.memory_space<vmem>> -> memref<128xi32, #tpu.memory_space<vmem>>
      %dma_start3A_222 = tpu.memref_slice %arg3[%multiple_of3A_31] : memref<160000xi32, #tpu.memory_space<hbm>> -> memref<128xi32, #tpu.memory_space<hbm>>
      %dma_start3A_223 = arith.constant 0 : i32
      %dma_start3A_224 = tpu.memref_slice %arg9[%run_scoped3A_33, %dma_start3A_223] : memref<1x128xi32, #tpu.memory_space<vmem>> -> memref<1x128xi32, #tpu.memory_space<vmem>>
      %dma_start3A_225 = tpu.memref_squeeze %dma_start3A_224 : memref<1x128xi32, #tpu.memory_space<vmem>> -> memref<128xi32, #tpu.memory_space<vmem>>
      %dma_start3A_226 = tpu.memref_slice %arg3[%multiple_of3A_31] : memref<160000xi32, #tpu.memory_space<hbm>> -> memref<128xi32, #tpu.memory_space<hbm>>
      tpu.enqueue_dma source(%dma_start3A_226 : memref<128xi32, #tpu.memory_space<hbm>>) target(%dma_start3A_225 : memref<128xi32, #tpu.memory_space<vmem>>) target_semaphore(%run_scoped3A_218 : memref<!tpu.dma_semaphore, #tpu.memory_space<semaphore_mem>>)
      %dma_wait3A_227 = arith.constant 0 : i32
      %dma_wait3A_228 = tpu.memref_slice %arg9[%run_scoped3A_33, %dma_wait3A_227] : memref<1x128xi32, #tpu.memory_space<vmem>> -> memref<1x128xi32, #tpu.memory_space<vmem>>
      %dma_wait3A_229 = tpu.memref_squeeze %dma_wait3A_228 : memref<1x128xi32, #tpu.memory_space<vmem>> -> memref<128xi32, #tpu.memory_space<vmem>>
      %dma_wait3A_230 = tpu.memref_slice %arg3[%multiple_of3A_31] : memref<160000xi32, #tpu.memory_space<hbm>> -> memref<128xi32, #tpu.memory_space<hbm>>
      %dma_wait3A_231 = arith.constant 0 : i32
      %dma_wait3A_232 = tpu.memref_slice %arg9[%run_scoped3A_33, %dma_wait3A_231] : memref<1x128xi32, #tpu.memory_space<vmem>> -> memref<1x128xi32, #tpu.memory_space<vmem>>
      %dma_wait3A_233 = tpu.memref_squeeze %dma_wait3A_232 : memref<1x128xi32, #tpu.memory_space<vmem>> -> memref<128xi32, #tpu.memory_space<vmem>>
      %dma_wait3A_234 = tpu.memref_slice %arg3[%multiple_of3A_31] : memref<160000xi32, #tpu.memory_space<hbm>> -> memref<128xi32, #tpu.memory_space<hbm>>
      tpu.wait_dma2 semaphore(%run_scoped3A_218 : memref<!tpu.dma_semaphore, #tpu.memory_space<semaphore_mem>>) src(%dma_wait3A_234 : memref<128xi32, #tpu.memory_space<hbm>>) dst(%dma_wait3A_233 : memref<128xi32, #tpu.memory_space<vmem>>)
      tpu.yield
    }) : () -> ()
    %dma_start3A = arith.constant 0 : i32
    %dma_start3A_34 = arith.constant 0 : i32
    %dma_start3A_35 = tpu.memref_slice %arg6[%dma_start3A, %dma_start3A_34] : memref<1x128xi32, #tpu.memory_space<vmem>> -> memref<1x128xi32, #tpu.memory_space<vmem>>
    %dma_start3A_36 = tpu.memref_squeeze %dma_start3A_35 : memref<1x128xi32, #tpu.memory_space<vmem>> -> memref<128xi32, #tpu.memory_space<vmem>>
    %dma_start3A_37 = arith.constant 0 : i32
    %dma_start3A_38 = arith.constant 0 : i32
    %dma_start3A_39 = tpu.memref_slice %arg4[%add3A_12, %dma_start3A_37, %dma_start3A_38] : memref<4x10000x128xf32, #tpu.memory_space<hbm>> -> memref<1x10000x128xf32, #tpu.memory_space<hbm>>
    %dma_start3A_40 = tpu.memref_squeeze %dma_start3A_39 : memref<1x10000x128xf32, #tpu.memory_space<hbm>> -> memref<10000x128xf32, #tpu.memory_space<hbm>>
    %dma_start3A_41 = arith.constant 0 : i32
    %dma_start3A_42 = arith.constant 0 : i32
    %dma_start3A_43 = tpu.memref_slice %dma_start3A_40[%dma_start3A_41, %dma_start3A_42] : memref<10000x128xf32, #tpu.memory_space<hbm>> -> memref<10000x128xf32, #tpu.memory_space<hbm>>
    tpu.enqueue_indirect_dma source(%dma_start3A_43 : memref<10000x128xf32, #tpu.memory_space<hbm>>) target(%arg10 : memref<128x128xf32, #tpu.memory_space<vmem>>) offsets(%dma_start3A_36 : memref<128xi32, #tpu.memory_space<vmem>>) semaphore(%arg14 : memref<!tpu.dma_semaphore, #tpu.memory_space<semaphore_mem>>)
    %scan3A_44 = arith.constant 0 : i32
    %scan3A_45 = arith.constant 0 : i32
    %scan3A_46 = arith.constant 39 : i32
    %scan3A_47 = arith.addi %scan3A_45, %scan3A_46 : i32
    %scan3A_48 = arith.constant 1 : i32
    %scan3A_49 = scf.for %scan3A_218 = %scan3A_45 to %scan3A_47 step %scan3A_48 iter_args(%scan3A_219 = %scan3A_44) -> (i32)  : i32 {
      %mul3A_220 = arith.constant 2 : i32
      %mul3A_221 = arith.muli %scan3A_218, %mul3A_220 : i32
      %add3A_222 = arith.constant 0 : i32
      %add3A_223 = arith.addi %mul3A_221, %add3A_222 : i32
      %dma_wait3A_224 = arith.constant 0 : i32
      %dma_wait3A_225 = arith.constant 0 : i32
      %dma_wait3A_226 = tpu.memref_slice %arg6[%dma_wait3A_224, %dma_wait3A_225] : memref<1x128xi32, #tpu.memory_space<vmem>> -> memref<1x128xi32, #tpu.memory_space<vmem>>
      %dma_wait3A_227 = tpu.memref_squeeze %dma_wait3A_226 : memref<1x128xi32, #tpu.memory_space<vmem>> -> memref<128xi32, #tpu.memory_space<vmem>>
      %dma_wait3A_228 = arith.constant 0 : i32
      %dma_wait3A_229 = arith.constant 0 : i32
      %dma_wait3A_230 = tpu.memref_slice %arg4[%add3A_12, %dma_wait3A_228, %dma_wait3A_229] : memref<4x10000x128xf32, #tpu.memory_space<hbm>> -> memref<1x10000x128xf32, #tpu.memory_space<hbm>>
      %dma_wait3A_231 = tpu.memref_squeeze %dma_wait3A_230 : memref<1x10000x128xf32, #tpu.memory_space<hbm>> -> memref<10000x128xf32, #tpu.memory_space<hbm>>
      %dma_wait3A_232 = arith.constant 0 : i32
      %dma_wait3A_233 = arith.constant 0 : i32
      %dma_wait3A_234 = tpu.memref_slice %dma_wait3A_231[%dma_wait3A_232, %dma_wait3A_233] : memref<10000x128xf32, #tpu.memory_space<hbm>> -> memref<10000x128xf32, #tpu.memory_space<hbm>>
      tpu.wait_indirect_dma semaphore(%arg14 : memref<!tpu.dma_semaphore, #tpu.memory_space<semaphore_mem>>) src(%dma_wait3A_234 : memref<10000x128xf32, #tpu.memory_space<hbm>>) dst(%arg10 : memref<128x128xf32, #tpu.memory_space<vmem>>)
      %add3A_235 = arith.constant 1 : i32
      %add3A_236 = arith.addi %add3A_223, %add3A_235 : i32
      %lt3A = arith.constant 78 : i32
      %lt3A_237 = arith.cmpi slt, %add3A_236, %lt3A : i32
      %convert_element_type3A_238 = arith.extui %lt3A_237 : i1 to i32
      %cond3A_239 = arith.constant 0 : i32
      %cond3A_240 = arith.cmpi ne, %convert_element_type3A_238, %cond3A_239 : i32
      scf.if %cond3A_240 {
        %dma_start3A_280 = arith.constant 0 : i32
        %dma_start3A_281 = arith.constant 0 : i32
        %dma_start3A_282 = tpu.memref_slice %arg8[%dma_start3A_280, %dma_start3A_281] : memref<1x128xi32, #tpu.memory_space<vmem>> -> memref<1x128xi32, #tpu.memory_space<vmem>>
        %dma_start3A_283 = tpu.memref_squeeze %dma_start3A_282 : memref<1x128xi32, #tpu.memory_space<vmem>> -> memref<128xi32, #tpu.memory_space<vmem>>
        %dma_start3A_284 = arith.constant 0 : i32
        %dma_start3A_285 = arith.constant 0 : i32
        %dma_start3A_286 = tpu.memref_slice %arg4[%add3A_12, %dma_start3A_284, %dma_start3A_285] : memref<4x10000x128xf32, #tpu.memory_space<hbm>> -> memref<1x10000x128xf32, #tpu.memory_space<hbm>>
        %dma_start3A_287 = tpu.memref_squeeze %dma_start3A_286 : memref<1x10000x128xf32, #tpu.memory_space<hbm>> -> memref<10000x128xf32, #tpu.memory_space<hbm>>
        %dma_start3A_288 = arith.constant 0 : i32
        %dma_start3A_289 = arith.constant 0 : i32
        %dma_start3A_290 = tpu.memref_slice %dma_start3A_287[%dma_start3A_288, %dma_start3A_289] : memref<10000x128xf32, #tpu.memory_space<hbm>> -> memref<10000x128xf32, #tpu.memory_space<hbm>>
        tpu.enqueue_indirect_dma source(%dma_start3A_290 : memref<10000x128xf32, #tpu.memory_space<hbm>>) target(%arg11 : memref<128x128xf32, #tpu.memory_space<vmem>>) offsets(%dma_start3A_283 : memref<128xi32, #tpu.memory_space<vmem>>) semaphore(%arg15 : memref<!tpu.dma_semaphore, #tpu.memory_space<semaphore_mem>>)
      } else {
      }
      %run_scoped3A_241 = arith.constant 0 : i32
      "tpu.region"() ({
        %run_scoped3A_280 = tpu.sem_alloc : memref<!tpu.dma_semaphore, #tpu.memory_space<semaphore_mem>>
        %dma_start3A_281 = arith.constant 0 : i32
        %dma_start3A_282 = tpu.memref_slice %arg7[%run_scoped3A_241, %dma_start3A_281] : memref<1x128xi32, #tpu.memory_space<vmem>> -> memref<1x128xi32, #tpu.memory_space<vmem>>
        %dma_start3A_283 = tpu.memref_squeeze %dma_start3A_282 : memref<1x128xi32, #tpu.memory_space<vmem>> -> memref<128xi32, #tpu.memory_space<vmem>>
        %dma_start3A_284 = arith.constant 0 : i32
        %dma_start3A_285 = arith.constant 0 : i32
        %dma_start3A_286 = tpu.memref_slice %arg13[%dma_start3A_284, %dma_start3A_285] : memref<10000x128xf32, #tpu.memory_space<vmem_shared>> -> memref<10000x128xf32, #tpu.memory_space<vmem_shared>>
        tpu.enqueue_indirect_dma source(%arg10 : memref<128x128xf32, #tpu.memory_space<vmem>>) target(%dma_start3A_286 : memref<10000x128xf32, #tpu.memory_space<vmem_shared>>) offsets(%dma_start3A_283 : memref<128xi32, #tpu.memory_space<vmem>>) semaphore(%run_scoped3A_280 : memref<!tpu.dma_semaphore, #tpu.memory_space<semaphore_mem>>) {add = true}
        %dma_wait3A_287 = arith.constant 0 : i32
        %dma_wait3A_288 = tpu.memref_slice %arg7[%run_scoped3A_241, %dma_wait3A_287] : memref<1x128xi32, #tpu.memory_space<vmem>> -> memref<1x128xi32, #tpu.memory_space<vmem>>
        %dma_wait3A_289 = tpu.memref_squeeze %dma_wait3A_288 : memref<1x128xi32, #tpu.memory_space<vmem>> -> memref<128xi32, #tpu.memory_space<vmem>>
        %dma_wait3A_290 = arith.constant 0 : i32
        %dma_wait3A_291 = arith.constant 0 : i32
        %dma_wait3A_292 = tpu.memref_slice %arg13[%dma_wait3A_290, %dma_wait3A_291] : memref<10000x128xf32, #tpu.memory_space<vmem_shared>> -> memref<10000x128xf32, #tpu.memory_space<vmem_shared>>
        tpu.wait_indirect_dma semaphore(%run_scoped3A_280 : memref<!tpu.dma_semaphore, #tpu.memory_space<semaphore_mem>>) src(%arg10 : memref<128x128xf32, #tpu.memory_space<vmem>>) dst(%dma_wait3A_292 : memref<10000x128xf32, #tpu.memory_space<vmem_shared>>)
        tpu.yield
      }) : () -> ()
      %add3A_242 = arith.constant 2 : i32
      %add3A_243 = arith.addi %add3A_223, %add3A_242 : i32
      %lt3A_244 = arith.constant 78 : i32
      %lt3A_245 = arith.cmpi slt, %add3A_243, %lt3A_244 : i32
      %convert_element_type3A_246 = arith.extui %lt3A_245 : i1 to i32
      %cond3A_247 = arith.constant 0 : i32
      %cond3A_248 = arith.cmpi ne, %convert_element_type3A_246, %cond3A_247 : i32
      scf.if %cond3A_248 {
        %add3A_280 = arith.constant 2 : i32
        %add3A_281 = arith.addi %add3A_223, %add3A_280 : i32
        %mul3A_282 = arith.constant 128 : i32
        %mul3A_283 = arith.muli %add3A_281, %mul3A_282 : i32
        %add3A_284 = arith.addi %multiple_of3A, %mul3A_283 : i32
        %multiple_of3A_285 = tpu.assume_multiple %add3A_284, 8 : i32
        %run_scoped3A_286 = arith.constant 0 : i32
        "tpu.region"() ({
          %run_scoped3A_288 = tpu.sem_alloc : memref<!tpu.dma_semaphore, #tpu.memory_space<semaphore_mem>>
          %dma_start3A_289 = arith.constant 0 : i32
          %dma_start3A_290 = tpu.memref_slice %arg6[%run_scoped3A_286, %dma_start3A_289] : memref<1x128xi32, #tpu.memory_space<vmem>> -> memref<1x128xi32, #tpu.memory_space<vmem>>
          %dma_start3A_291 = tpu.memref_squeeze %dma_start3A_290 : memref<1x128xi32, #tpu.memory_space<vmem>> -> memref<128xi32, #tpu.memory_space<vmem>>
          %dma_start3A_292 = tpu.memref_slice %arg2[%multiple_of3A_285] : memref<160000xi32, #tpu.memory_space<hbm>> -> memref<128xi32, #tpu.memory_space<hbm>>
          %dma_start3A_293 = arith.constant 0 : i32
          %dma_start3A_294 = tpu.memref_slice %arg6[%run_scoped3A_286, %dma_start3A_293] : memref<1x128xi32, #tpu.memory_space<vmem>> -> memref<1x128xi32, #tpu.memory_space<vmem>>
          %dma_start3A_295 = tpu.memref_squeeze %dma_start3A_294 : memref<1x128xi32, #tpu.memory_space<vmem>> -> memref<128xi32, #tpu.memory_space<vmem>>
          %dma_start3A_296 = tpu.memref_slice %arg2[%multiple_of3A_285] : memref<160000xi32, #tpu.memory_space<hbm>> -> memref<128xi32, #tpu.memory_space<hbm>>
          tpu.enqueue_dma source(%dma_start3A_296 : memref<128xi32, #tpu.memory_space<hbm>>) target(%dma_start3A_295 : memref<128xi32, #tpu.memory_space<vmem>>) target_semaphore(%run_scoped3A_288 : memref<!tpu.dma_semaphore, #tpu.memory_space<semaphore_mem>>)
          %dma_wait3A_297 = arith.constant 0 : i32
          %dma_wait3A_298 = tpu.memref_slice %arg6[%run_scoped3A_286, %dma_wait3A_297] : memref<1x128xi32, #tpu.memory_space<vmem>> -> memref<1x128xi32, #tpu.memory_space<vmem>>
          %dma_wait3A_299 = tpu.memref_squeeze %dma_wait3A_298 : memref<1x128xi32, #tpu.memory_space<vmem>> -> memref<128xi32, #tpu.memory_space<vmem>>
          %dma_wait3A_300 = tpu.memref_slice %arg2[%multiple_of3A_285] : memref<160000xi32, #tpu.memory_space<hbm>> -> memref<128xi32, #tpu.memory_space<hbm>>
          %dma_wait3A_301 = arith.constant 0 : i32
          %dma_wait3A_302 = tpu.memref_slice %arg6[%run_scoped3A_286, %dma_wait3A_301] : memref<1x128xi32, #tpu.memory_space<vmem>> -> memref<1x128xi32, #tpu.memory_space<vmem>>
          %dma_wait3A_303 = tpu.memref_squeeze %dma_wait3A_302 : memref<1x128xi32, #tpu.memory_space<vmem>> -> memref<128xi32, #tpu.memory_space<vmem>>
          %dma_wait3A_304 = tpu.memref_slice %arg2[%multiple_of3A_285] : memref<160000xi32, #tpu.memory_space<hbm>> -> memref<128xi32, #tpu.memory_space<hbm>>
          tpu.wait_dma2 semaphore(%run_scoped3A_288 : memref<!tpu.dma_semaphore, #tpu.memory_space<semaphore_mem>>) src(%dma_wait3A_304 : memref<128xi32, #tpu.memory_space<hbm>>) dst(%dma_wait3A_303 : memref<128xi32, #tpu.memory_space<vmem>>)
          tpu.yield
        }) : () -> ()
        %run_scoped3A_287 = arith.constant 0 : i32
        "tpu.region"() ({
          %run_scoped3A_288 = tpu.sem_alloc : memref<!tpu.dma_semaphore, #tpu.memory_space<semaphore_mem>>
          %dma_start3A_289 = arith.constant 0 : i32
          %dma_start3A_290 = tpu.memref_slice %arg7[%run_scoped3A_287, %dma_start3A_289] : memref<1x128xi32, #tpu.memory_space<vmem>> -> memref<1x128xi32, #tpu.memory_space<vmem>>
          %dma_start3A_291 = tpu.memref_squeeze %dma_start3A_290 : memref<1x128xi32, #tpu.memory_space<vmem>> -> memref<128xi32, #tpu.memory_space<vmem>>
          %dma_start3A_292 = tpu.memref_slice %arg3[%multiple_of3A_285] : memref<160000xi32, #tpu.memory_space<hbm>> -> memref<128xi32, #tpu.memory_space<hbm>>
          %dma_start3A_293 = arith.constant 0 : i32
          %dma_start3A_294 = tpu.memref_slice %arg7[%run_scoped3A_287, %dma_start3A_293] : memref<1x128xi32, #tpu.memory_space<vmem>> -> memref<1x128xi32, #tpu.memory_space<vmem>>
          %dma_start3A_295 = tpu.memref_squeeze %dma_start3A_294 : memref<1x128xi32, #tpu.memory_space<vmem>> -> memref<128xi32, #tpu.memory_space<vmem>>
          %dma_start3A_296 = tpu.memref_slice %arg3[%multiple_of3A_285] : memref<160000xi32, #tpu.memory_space<hbm>> -> memref<128xi32, #tpu.memory_space<hbm>>
          tpu.enqueue_dma source(%dma_start3A_296 : memref<128xi32, #tpu.memory_space<hbm>>) target(%dma_start3A_295 : memref<128xi32, #tpu.memory_space<vmem>>) target_semaphore(%run_scoped3A_288 : memref<!tpu.dma_semaphore, #tpu.memory_space<semaphore_mem>>)
          %dma_wait3A_297 = arith.constant 0 : i32
          %dma_wait3A_298 = tpu.memref_slice %arg7[%run_scoped3A_287, %dma_wait3A_297] : memref<1x128xi32, #tpu.memory_space<vmem>> -> memref<1x128xi32, #tpu.memory_space<vmem>>
          %dma_wait3A_299 = tpu.memref_squeeze %dma_wait3A_298 : memref<1x128xi32, #tpu.memory_space<vmem>> -> memref<128xi32, #tpu.memory_space<vmem>>
          %dma_wait3A_300 = tpu.memref_slice %arg3[%multiple_of3A_285] : memref<160000xi32, #tpu.memory_space<hbm>> -> memref<128xi32, #tpu.memory_space<hbm>>
          %dma_wait3A_301 = arith.constant 0 : i32
          %dma_wait3A_302 = tpu.memref_slice %arg7[%run_scoped3A_287, %dma_wait3A_301] : memref<1x128xi32, #tpu.memory_space<vmem>> -> memref<1x128xi32, #tpu.memory_space<vmem>>
          %dma_wait3A_303 = tpu.memref_squeeze %dma_wait3A_302 : memref<1x128xi32, #tpu.memory_space<vmem>> -> memref<128xi32, #tpu.memory_space<vmem>>
          %dma_wait3A_304 = tpu.memref_slice %arg3[%multiple_of3A_285] : memref<160000xi32, #tpu.memory_space<hbm>> -> memref<128xi32, #tpu.memory_space<hbm>>
          tpu.wait_dma2 semaphore(%run_scoped3A_288 : memref<!tpu.dma_semaphore, #tpu.memory_space<semaphore_mem>>) src(%dma_wait3A_304 : memref<128xi32, #tpu.memory_space<hbm>>) dst(%dma_wait3A_303 : memref<128xi32, #tpu.memory_space<vmem>>)
          tpu.yield
        }) : () -> ()
      } else {
      }
      %mul3A_249 = arith.constant 2 : i32
      %mul3A_250 = arith.muli %scan3A_218, %mul3A_249 : i32
      %add3A_251 = arith.constant 1 : i32
      %add3A_252 = arith.addi %mul3A_250, %add3A_251 : i32
      %dma_wait3A_253 = arith.constant 0 : i32
      %dma_wait3A_254 = arith.constant 0 : i32
      %dma_wait3A_255 = tpu.memref_slice %arg8[%dma_wait3A_253, %dma_wait3A_254] : memref<1x128xi32, #tpu.memory_space<vmem>> -> memref<1x128xi32, #tpu.memory_space<vmem>>
      %dma_wait3A_256 = tpu.memref_squeeze %dma_wait3A_255 : memref<1x128xi32, #tpu.memory_space<vmem>> -> memref<128xi32, #tpu.memory_space<vmem>>
      %dma_wait3A_257 = arith.constant 0 : i32
      %dma_wait3A_258 = arith.constant 0 : i32
      %dma_wait3A_259 = tpu.memref_slice %arg4[%add3A_12, %dma_wait3A_257, %dma_wait3A_258] : memref<4x10000x128xf32, #tpu.memory_space<hbm>> -> memref<1x10000x128xf32, #tpu.memory_space<hbm>>
      %dma_wait3A_260 = tpu.memref_squeeze %dma_wait3A_259 : memref<1x10000x128xf32, #tpu.memory_space<hbm>> -> memref<10000x128xf32, #tpu.memory_space<hbm>>
      %dma_wait3A_261 = arith.constant 0 : i32
      %dma_wait3A_262 = arith.constant 0 : i32
      %dma_wait3A_263 = tpu.memref_slice %dma_wait3A_260[%dma_wait3A_261, %dma_wait3A_262] : memref<10000x128xf32, #tpu.memory_space<hbm>> -> memref<10000x128xf32, #tpu.memory_space<hbm>>
      tpu.wait_indirect_dma semaphore(%arg15 : memref<!tpu.dma_semaphore, #tpu.memory_space<semaphore_mem>>) src(%dma_wait3A_263 : memref<10000x128xf32, #tpu.memory_space<hbm>>) dst(%arg11 : memref<128x128xf32, #tpu.memory_space<vmem>>)
      %add3A_264 = arith.constant 1 : i32
      %add3A_265 = arith.addi %add3A_252, %add3A_264 : i32
      %lt3A_266 = arith.constant 78 : i32
      %lt3A_267 = arith.cmpi slt, %add3A_265, %lt3A_266 : i32
      %convert_element_type3A_268 = arith.extui %lt3A_267 : i1 to i32
      %cond3A_269 = arith.constant 0 : i32
      %cond3A_270 = arith.cmpi ne, %convert_element_type3A_268, %cond3A_269 : i32
      scf.if %cond3A_270 {
        %dma_start3A_280 = arith.constant 0 : i32
        %dma_start3A_281 = arith.constant 0 : i32
        %dma_start3A_282 = tpu.memref_slice %arg6[%dma_start3A_280, %dma_start3A_281] : memref<1x128xi32, #tpu.memory_space<vmem>> -> memref<1x128xi32, #tpu.memory_space<vmem>>
        %dma_start3A_283 = tpu.memref_squeeze %dma_start3A_282 : memref<1x128xi32, #tpu.memory_space<vmem>> -> memref<128xi32, #tpu.memory_space<vmem>>
        %dma_start3A_284 = arith.constant 0 : i32
        %dma_start3A_285 = arith.constant 0 : i32
        %dma_start3A_286 = tpu.memref_slice %arg4[%add3A_12, %dma_start3A_284, %dma_start3A_285] : memref<4x10000x128xf32, #tpu.memory_space<hbm>> -> memref<1x10000x128xf32, #tpu.memory_space<hbm>>
        %dma_start3A_287 = tpu.memref_squeeze %dma_start3A_286 : memref<1x10000x128xf32, #tpu.memory_space<hbm>> -> memref<10000x128xf32, #tpu.memory_space<hbm>>
        %dma_start3A_288 = arith.constant 0 : i32
        %dma_start3A_289 = arith.constant 0 : i32
        %dma_start3A_290 = tpu.memref_slice %dma_start3A_287[%dma_start3A_288, %dma_start3A_289] : memref<10000x128xf32, #tpu.memory_space<hbm>> -> memref<10000x128xf32, #tpu.memory_space<hbm>>
        tpu.enqueue_indirect_dma source(%dma_start3A_290 : memref<10000x128xf32, #tpu.memory_space<hbm>>) target(%arg10 : memref<128x128xf32, #tpu.memory_space<vmem>>) offsets(%dma_start3A_283 : memref<128xi32, #tpu.memory_space<vmem>>) semaphore(%arg14 : memref<!tpu.dma_semaphore, #tpu.memory_space<semaphore_mem>>)
      } else {
      }
      %run_scoped3A_271 = arith.constant 0 : i32
      "tpu.region"() ({
        %run_scoped3A_280 = tpu.sem_alloc : memref<!tpu.dma_semaphore, #tpu.memory_space<semaphore_mem>>
        %dma_start3A_281 = arith.constant 0 : i32
        %dma_start3A_282 = tpu.memref_slice %arg9[%run_scoped3A_271, %dma_start3A_281] : memref<1x128xi32, #tpu.memory_space<vmem>> -> memref<1x128xi32, #tpu.memory_space<vmem>>
        %dma_start3A_283 = tpu.memref_squeeze %dma_start3A_282 : memref<1x128xi32, #tpu.memory_space<vmem>> -> memref<128xi32, #tpu.memory_space<vmem>>
        %dma_start3A_284 = arith.constant 0 : i32
        %dma_start3A_285 = arith.constant 0 : i32
        %dma_start3A_286 = tpu.memref_slice %arg13[%dma_start3A_284, %dma_start3A_285] : memref<10000x128xf32, #tpu.memory_space<vmem_shared>> -> memref<10000x128xf32, #tpu.memory_space<vmem_shared>>
        tpu.enqueue_indirect_dma source(%arg11 : memref<128x128xf32, #tpu.memory_space<vmem>>) target(%dma_start3A_286 : memref<10000x128xf32, #tpu.memory_space<vmem_shared>>) offsets(%dma_start3A_283 : memref<128xi32, #tpu.memory_space<vmem>>) semaphore(%run_scoped3A_280 : memref<!tpu.dma_semaphore, #tpu.memory_space<semaphore_mem>>) {add = true}
        %dma_wait3A_287 = arith.constant 0 : i32
        %dma_wait3A_288 = tpu.memref_slice %arg9[%run_scoped3A_271, %dma_wait3A_287] : memref<1x128xi32, #tpu.memory_space<vmem>> -> memref<1x128xi32, #tpu.memory_space<vmem>>
        %dma_wait3A_289 = tpu.memref_squeeze %dma_wait3A_288 : memref<1x128xi32, #tpu.memory_space<vmem>> -> memref<128xi32, #tpu.memory_space<vmem>>
        %dma_wait3A_290 = arith.constant 0 : i32
        %dma_wait3A_291 = arith.constant 0 : i32
        %dma_wait3A_292 = tpu.memref_slice %arg13[%dma_wait3A_290, %dma_wait3A_291] : memref<10000x128xf32, #tpu.memory_space<vmem_shared>> -> memref<10000x128xf32, #tpu.memory_space<vmem_shared>>
        tpu.wait_indirect_dma semaphore(%run_scoped3A_280 : memref<!tpu.dma_semaphore, #tpu.memory_space<semaphore_mem>>) src(%arg11 : memref<128x128xf32, #tpu.memory_space<vmem>>) dst(%dma_wait3A_292 : memref<10000x128xf32, #tpu.memory_space<vmem_shared>>)
        tpu.yield
      }) : () -> ()
      %add3A_272 = arith.constant 2 : i32
      %add3A_273 = arith.addi %add3A_252, %add3A_272 : i32
      %lt3A_274 = arith.constant 78 : i32
      %lt3A_275 = arith.cmpi slt, %add3A_273, %lt3A_274 : i32
      %convert_element_type3A_276 = arith.extui %lt3A_275 : i1 to i32
      %cond3A_277 = arith.constant 0 : i32
      %cond3A_278 = arith.cmpi ne, %convert_element_type3A_276, %cond3A_277 : i32
      scf.if %cond3A_278 {
        %add3A_280 = arith.constant 2 : i32
        %add3A_281 = arith.addi %add3A_252, %add3A_280 : i32
        %mul3A_282 = arith.constant 128 : i32
        %mul3A_283 = arith.muli %add3A_281, %mul3A_282 : i32
        %add3A_284 = arith.addi %multiple_of3A, %mul3A_283 : i32
        %multiple_of3A_285 = tpu.assume_multiple %add3A_284, 8 : i32
        %run_scoped3A_286 = arith.constant 0 : i32
        "tpu.region"() ({
          %run_scoped3A_288 = tpu.sem_alloc : memref<!tpu.dma_semaphore, #tpu.memory_space<semaphore_mem>>
          %dma_start3A_289 = arith.constant 0 : i32
          %dma_start3A_290 = tpu.memref_slice %arg8[%run_scoped3A_286, %dma_start3A_289] : memref<1x128xi32, #tpu.memory_space<vmem>> -> memref<1x128xi32, #tpu.memory_space<vmem>>
          %dma_start3A_291 = tpu.memref_squeeze %dma_start3A_290 : memref<1x128xi32, #tpu.memory_space<vmem>> -> memref<128xi32, #tpu.memory_space<vmem>>
          %dma_start3A_292 = tpu.memref_slice %arg2[%multiple_of3A_285] : memref<160000xi32, #tpu.memory_space<hbm>> -> memref<128xi32, #tpu.memory_space<hbm>>
          %dma_start3A_293 = arith.constant 0 : i32
          %dma_start3A_294 = tpu.memref_slice %arg8[%run_scoped3A_286, %dma_start3A_293] : memref<1x128xi32, #tpu.memory_space<vmem>> -> memref<1x128xi32, #tpu.memory_space<vmem>>
          %dma_start3A_295 = tpu.memref_squeeze %dma_start3A_294 : memref<1x128xi32, #tpu.memory_space<vmem>> -> memref<128xi32, #tpu.memory_space<vmem>>
          %dma_start3A_296 = tpu.memref_slice %arg2[%multiple_of3A_285] : memref<160000xi32, #tpu.memory_space<hbm>> -> memref<128xi32, #tpu.memory_space<hbm>>
          tpu.enqueue_dma source(%dma_start3A_296 : memref<128xi32, #tpu.memory_space<hbm>>) target(%dma_start3A_295 : memref<128xi32, #tpu.memory_space<vmem>>) target_semaphore(%run_scoped3A_288 : memref<!tpu.dma_semaphore, #tpu.memory_space<semaphore_mem>>)
          %dma_wait3A_297 = arith.constant 0 : i32
          %dma_wait3A_298 = tpu.memref_slice %arg8[%run_scoped3A_286, %dma_wait3A_297] : memref<1x128xi32, #tpu.memory_space<vmem>> -> memref<1x128xi32, #tpu.memory_space<vmem>>
          %dma_wait3A_299 = tpu.memref_squeeze %dma_wait3A_298 : memref<1x128xi32, #tpu.memory_space<vmem>> -> memref<128xi32, #tpu.memory_space<vmem>>
          %dma_wait3A_300 = tpu.memref_slice %arg2[%multiple_of3A_285] : memref<160000xi32, #tpu.memory_space<hbm>> -> memref<128xi32, #tpu.memory_space<hbm>>
          %dma_wait3A_301 = arith.constant 0 : i32
          %dma_wait3A_302 = tpu.memref_slice %arg8[%run_scoped3A_286, %dma_wait3A_301] : memref<1x128xi32, #tpu.memory_space<vmem>> -> memref<1x128xi32, #tpu.memory_space<vmem>>
          %dma_wait3A_303 = tpu.memref_squeeze %dma_wait3A_302 : memref<1x128xi32, #tpu.memory_space<vmem>> -> memref<128xi32, #tpu.memory_space<vmem>>
          %dma_wait3A_304 = tpu.memref_slice %arg2[%multiple_of3A_285] : memref<160000xi32, #tpu.memory_space<hbm>> -> memref<128xi32, #tpu.memory_space<hbm>>
          tpu.wait_dma2 semaphore(%run_scoped3A_288 : memref<!tpu.dma_semaphore, #tpu.memory_space<semaphore_mem>>) src(%dma_wait3A_304 : memref<128xi32, #tpu.memory_space<hbm>>) dst(%dma_wait3A_303 : memref<128xi32, #tpu.memory_space<vmem>>)
          tpu.yield
        }) : () -> ()
        %run_scoped3A_287 = arith.constant 0 : i32
        "tpu.region"() ({
          %run_scoped3A_288 = tpu.sem_alloc : memref<!tpu.dma_semaphore, #tpu.memory_space<semaphore_mem>>
          %dma_start3A_289 = arith.constant 0 : i32
          %dma_start3A_290 = tpu.memref_slice %arg9[%run_scoped3A_287, %dma_start3A_289] : memref<1x128xi32, #tpu.memory_space<vmem>> -> memref<1x128xi32, #tpu.memory_space<vmem>>
          %dma_start3A_291 = tpu.memref_squeeze %dma_start3A_290 : memref<1x128xi32, #tpu.memory_space<vmem>> -> memref<128xi32, #tpu.memory_space<vmem>>
          %dma_start3A_292 = tpu.memref_slice %arg3[%multiple_of3A_285] : memref<160000xi32, #tpu.memory_space<hbm>> -> memref<128xi32, #tpu.memory_space<hbm>>
          %dma_start3A_293 = arith.constant 0 : i32
          %dma_start3A_294 = tpu.memref_slice %arg9[%run_scoped3A_287, %dma_start3A_293] : memref<1x128xi32, #tpu.memory_space<vmem>> -> memref<1x128xi32, #tpu.memory_space<vmem>>
          %dma_start3A_295 = tpu.memref_squeeze %dma_start3A_294 : memref<1x128xi32, #tpu.memory_space<vmem>> -> memref<128xi32, #tpu.memory_space<vmem>>
          %dma_start3A_296 = tpu.memref_slice %arg3[%multiple_of3A_285] : memref<160000xi32, #tpu.memory_space<hbm>> -> memref<128xi32, #tpu.memory_space<hbm>>
          tpu.enqueue_dma source(%dma_start3A_296 : memref<128xi32, #tpu.memory_space<hbm>>) target(%dma_start3A_295 : memref<128xi32, #tpu.memory_space<vmem>>) target_semaphore(%run_scoped3A_288 : memref<!tpu.dma_semaphore, #tpu.memory_space<semaphore_mem>>)
          %dma_wait3A_297 = arith.constant 0 : i32
          %dma_wait3A_298 = tpu.memref_slice %arg9[%run_scoped3A_287, %dma_wait3A_297] : memref<1x128xi32, #tpu.memory_space<vmem>> -> memref<1x128xi32, #tpu.memory_space<vmem>>
          %dma_wait3A_299 = tpu.memref_squeeze %dma_wait3A_298 : memref<1x128xi32, #tpu.memory_space<vmem>> -> memref<128xi32, #tpu.memory_space<vmem>>
          %dma_wait3A_300 = tpu.memref_slice %arg3[%multiple_of3A_285] : memref<160000xi32, #tpu.memory_space<hbm>> -> memref<128xi32, #tpu.memory_space<hbm>>
          %dma_wait3A_301 = arith.constant 0 : i32
          %dma_wait3A_302 = tpu.memref_slice %arg9[%run_scoped3A_287, %dma_wait3A_301] : memref<1x128xi32, #tpu.memory_space<vmem>> -> memref<1x128xi32, #tpu.memory_space<vmem>>
          %dma_wait3A_303 = tpu.memref_squeeze %dma_wait3A_302 : memref<1x128xi32, #tpu.memory_space<vmem>> -> memref<128xi32, #tpu.memory_space<vmem>>
          %dma_wait3A_304 = tpu.memref_slice %arg3[%multiple_of3A_285] : memref<160000xi32, #tpu.memory_space<hbm>> -> memref<128xi32, #tpu.memory_space<hbm>>
          tpu.wait_dma2 semaphore(%run_scoped3A_288 : memref<!tpu.dma_semaphore, #tpu.memory_space<semaphore_mem>>) src(%dma_wait3A_304 : memref<128xi32, #tpu.memory_space<hbm>>) dst(%dma_wait3A_303 : memref<128xi32, #tpu.memory_space<vmem>>)
          tpu.yield
        }) : () -> ()
      } else {
      }
      %scan3A_279 = arith.constant 0 : i32
      scf.yield %scan3A_279 : i32
    }
    %scan3A_50 = arith.constant 39 : i32
    %add3A_51 = arith.constant 9984 : i32
    %add3A_52 = arith.addi %multiple_of3A, %add3A_51 : i32
    %run_scoped3A_53 = arith.constant 0 : i32
    "tpu.region"() ({
      %run_scoped3A_218 = tpu.sem_alloc : memref<!tpu.dma_semaphore, #tpu.memory_space<semaphore_mem>>
      %dma_start3A_219 = arith.constant 0 : i32
      %dma_start3A_220 = tpu.memref_slice %arg6[%run_scoped3A_53, %dma_start3A_219] : memref<1x128xi32, #tpu.memory_space<vmem>> -> memref<1x16xi32, #tpu.memory_space<vmem>>
      %dma_start3A_221 = tpu.memref_squeeze %dma_start3A_220 : memref<1x16xi32, #tpu.memory_space<vmem>> -> memref<16xi32, #tpu.memory_space<vmem>>
      %dma_start3A_222 = tpu.memref_slice %arg2[%add3A_52] : memref<160000xi32, #tpu.memory_space<hbm>> -> memref<16xi32, #tpu.memory_space<hbm>>
      %dma_start3A_223 = arith.constant 0 : i32
      %dma_start3A_224 = tpu.memref_slice %arg6[%run_scoped3A_53, %dma_start3A_223] : memref<1x128xi32, #tpu.memory_space<vmem>> -> memref<1x16xi32, #tpu.memory_space<vmem>>
      %dma_start3A_225 = tpu.memref_squeeze %dma_start3A_224 : memref<1x16xi32, #tpu.memory_space<vmem>> -> memref<16xi32, #tpu.memory_space<vmem>>
      %dma_start3A_226 = tpu.memref_slice %arg2[%add3A_52] : memref<160000xi32, #tpu.memory_space<hbm>> -> memref<16xi32, #tpu.memory_space<hbm>>
      tpu.enqueue_dma source(%dma_start3A_226 : memref<16xi32, #tpu.memory_space<hbm>>) target(%dma_start3A_225 : memref<16xi32, #tpu.memory_space<vmem>>) target_semaphore(%run_scoped3A_218 : memref<!tpu.dma_semaphore, #tpu.memory_space<semaphore_mem>>)
      %dma_wait3A_227 = arith.constant 0 : i32
      %dma_wait3A_228 = tpu.memref_slice %arg6[%run_scoped3A_53, %dma_wait3A_227] : memref<1x128xi32, #tpu.memory_space<vmem>> -> memref<1x16xi32, #tpu.memory_space<vmem>>
      %dma_wait3A_229 = tpu.memref_squeeze %dma_wait3A_228 : memref<1x16xi32, #tpu.memory_space<vmem>> -> memref<16xi32, #tpu.memory_space<vmem>>
      %dma_wait3A_230 = tpu.memref_slice %arg2[%add3A_52] : memref<160000xi32, #tpu.memory_space<hbm>> -> memref<16xi32, #tpu.memory_space<hbm>>
      %dma_wait3A_231 = arith.constant 0 : i32
      %dma_wait3A_232 = tpu.memref_slice %arg6[%run_scoped3A_53, %dma_wait3A_231] : memref<1x128xi32, #tpu.memory_space<vmem>> -> memref<1x16xi32, #tpu.memory_space<vmem>>
      %dma_wait3A_233 = tpu.memref_squeeze %dma_wait3A_232 : memref<1x16xi32, #tpu.memory_space<vmem>> -> memref<16xi32, #tpu.memory_space<vmem>>
      %dma_wait3A_234 = tpu.memref_slice %arg2[%add3A_52] : memref<160000xi32, #tpu.memory_space<hbm>> -> memref<16xi32, #tpu.memory_space<hbm>>
      tpu.wait_dma2 semaphore(%run_scoped3A_218 : memref<!tpu.dma_semaphore, #tpu.memory_space<semaphore_mem>>) src(%dma_wait3A_234 : memref<16xi32, #tpu.memory_space<hbm>>) dst(%dma_wait3A_233 : memref<16xi32, #tpu.memory_space<vmem>>)
      tpu.yield
    }) : () -> ()
    %run_scoped3A_54 = arith.constant 0 : i32
    "tpu.region"() ({
      %run_scoped3A_218 = tpu.sem_alloc : memref<!tpu.dma_semaphore, #tpu.memory_space<semaphore_mem>>
      %dma_start3A_219 = arith.constant 0 : i32
      %dma_start3A_220 = tpu.memref_slice %arg7[%run_scoped3A_54, %dma_start3A_219] : memref<1x128xi32, #tpu.memory_space<vmem>> -> memref<1x16xi32, #tpu.memory_space<vmem>>
      %dma_start3A_221 = tpu.memref_squeeze %dma_start3A_220 : memref<1x16xi32, #tpu.memory_space<vmem>> -> memref<16xi32, #tpu.memory_space<vmem>>
      %dma_start3A_222 = tpu.memref_slice %arg3[%add3A_52] : memref<160000xi32, #tpu.memory_space<hbm>> -> memref<16xi32, #tpu.memory_space<hbm>>
      %dma_start3A_223 = arith.constant 0 : i32
      %dma_start3A_224 = tpu.memref_slice %arg7[%run_scoped3A_54, %dma_start3A_223] : memref<1x128xi32, #tpu.memory_space<vmem>> -> memref<1x16xi32, #tpu.memory_space<vmem>>
      %dma_start3A_225 = tpu.memref_squeeze %dma_start3A_224 : memref<1x16xi32, #tpu.memory_space<vmem>> -> memref<16xi32, #tpu.memory_space<vmem>>
      %dma_start3A_226 = tpu.memref_slice %arg3[%add3A_52] : memref<160000xi32, #tpu.memory_space<hbm>> -> memref<16xi32, #tpu.memory_space<hbm>>
      tpu.enqueue_dma source(%dma_start3A_226 : memref<16xi32, #tpu.memory_space<hbm>>) target(%dma_start3A_225 : memref<16xi32, #tpu.memory_space<vmem>>) target_semaphore(%run_scoped3A_218 : memref<!tpu.dma_semaphore, #tpu.memory_space<semaphore_mem>>)
      %dma_wait3A_227 = arith.constant 0 : i32
      %dma_wait3A_228 = tpu.memref_slice %arg7[%run_scoped3A_54, %dma_wait3A_227] : memref<1x128xi32, #tpu.memory_space<vmem>> -> memref<1x16xi32, #tpu.memory_space<vmem>>
      %dma_wait3A_229 = tpu.memref_squeeze %dma_wait3A_228 : memref<1x16xi32, #tpu.memory_space<vmem>> -> memref<16xi32, #tpu.memory_space<vmem>>
      %dma_wait3A_230 = tpu.memref_slice %arg3[%add3A_52] : memref<160000xi32, #tpu.memory_space<hbm>> -> memref<16xi32, #tpu.memory_space<hbm>>
      %dma_wait3A_231 = arith.constant 0 : i32
      %dma_wait3A_232 = tpu.memref_slice %arg7[%run_scoped3A_54, %dma_wait3A_231] : memref<1x128xi32, #tpu.memory_space<vmem>> -> memref<1x16xi32, #tpu.memory_space<vmem>>
      %dma_wait3A_233 = tpu.memref_squeeze %dma_wait3A_232 : memref<1x16xi32, #tpu.memory_space<vmem>> -> memref<16xi32, #tpu.memory_space<vmem>>
      %dma_wait3A_234 = tpu.memref_slice %arg3[%add3A_52] : memref<160000xi32, #tpu.memory_space<hbm>> -> memref<16xi32, #tpu.memory_space<hbm>>
      tpu.wait_dma2 semaphore(%run_scoped3A_218 : memref<!tpu.dma_semaphore, #tpu.memory_space<semaphore_mem>>) src(%dma_wait3A_234 : memref<16xi32, #tpu.memory_space<hbm>>) dst(%dma_wait3A_233 : memref<16xi32, #tpu.memory_space<vmem>>)
      tpu.yield
    }) : () -> ()
    %dma_start3A_55 = arith.constant 0 : i32
    %dma_start3A_56 = arith.constant 0 : i32
    %dma_start3A_57 = arith.constant 0 : i32
    %dma_start3A_58 = tpu.memref_slice %arg10[%dma_start3A_56, %dma_start3A_57] : memref<128x128xf32, #tpu.memory_space<vmem>> -> memref<16x128xf32, #tpu.memory_space<vmem>>
    %dma_start3A_59 = arith.constant 0 : i32
    %dma_start3A_60 = tpu.memref_slice %arg6[%dma_start3A_55, %dma_start3A_59] : memref<1x128xi32, #tpu.memory_space<vmem>> -> memref<1x16xi32, #tpu.memory_space<vmem>>
    %dma_start3A_61 = tpu.memref_squeeze %dma_start3A_60 : memref<1x16xi32, #tpu.memory_space<vmem>> -> memref<16xi32, #tpu.memory_space<vmem>>
    %dma_start3A_62 = arith.constant 0 : i32
    %dma_start3A_63 = arith.constant 0 : i32
    %dma_start3A_64 = tpu.memref_slice %arg4[%add3A_12, %dma_start3A_62, %dma_start3A_63] : memref<4x10000x128xf32, #tpu.memory_space<hbm>> -> memref<1x10000x128xf32, #tpu.memory_space<hbm>>
    %dma_start3A_65 = tpu.memref_squeeze %dma_start3A_64 : memref<1x10000x128xf32, #tpu.memory_space<hbm>> -> memref<10000x128xf32, #tpu.memory_space<hbm>>
    %dma_start3A_66 = arith.constant 0 : i32
    %dma_start3A_67 = arith.constant 0 : i32
    %dma_start3A_68 = tpu.memref_slice %dma_start3A_65[%dma_start3A_66, %dma_start3A_67] : memref<10000x128xf32, #tpu.memory_space<hbm>> -> memref<10000x128xf32, #tpu.memory_space<hbm>>
    tpu.enqueue_indirect_dma source(%dma_start3A_68 : memref<10000x128xf32, #tpu.memory_space<hbm>>) target(%dma_start3A_58 : memref<16x128xf32, #tpu.memory_space<vmem>>) offsets(%dma_start3A_61 : memref<16xi32, #tpu.memory_space<vmem>>) semaphore(%arg14 : memref<!tpu.dma_semaphore, #tpu.memory_space<semaphore_mem>>)
    %dma_wait3A = arith.constant 0 : i32
    %dma_wait3A_69 = arith.constant 0 : i32
    %dma_wait3A_70 = arith.constant 0 : i32
    %dma_wait3A_71 = tpu.memref_slice %arg10[%dma_wait3A_69, %dma_wait3A_70] : memref<128x128xf32, #tpu.memory_space<vmem>> -> memref<16x128xf32, #tpu.memory_space<vmem>>
    %dma_wait3A_72 = arith.constant 0 : i32
    %dma_wait3A_73 = tpu.memref_slice %arg6[%dma_wait3A, %dma_wait3A_72] : memref<1x128xi32, #tpu.memory_space<vmem>> -> memref<1x16xi32, #tpu.memory_space<vmem>>
    %dma_wait3A_74 = tpu.memref_squeeze %dma_wait3A_73 : memref<1x16xi32, #tpu.memory_space<vmem>> -> memref<16xi32, #tpu.memory_space<vmem>>
    %dma_wait3A_75 = arith.constant 0 : i32
    %dma_wait3A_76 = arith.constant 0 : i32
    %dma_wait3A_77 = tpu.memref_slice %arg4[%add3A_12, %dma_wait3A_75, %dma_wait3A_76] : memref<4x10000x128xf32, #tpu.memory_space<hbm>> -> memref<1x10000x128xf32, #tpu.memory_space<hbm>>
    %dma_wait3A_78 = tpu.memref_squeeze %dma_wait3A_77 : memref<1x10000x128xf32, #tpu.memory_space<hbm>> -> memref<10000x128xf32, #tpu.memory_space<hbm>>
    %dma_wait3A_79 = arith.constant 0 : i32
    %dma_wait3A_80 = arith.constant 0 : i32
    %dma_wait3A_81 = tpu.memref_slice %dma_wait3A_78[%dma_wait3A_79, %dma_wait3A_80] : memref<10000x128xf32, #tpu.memory_space<hbm>> -> memref<10000x128xf32, #tpu.memory_space<hbm>>
    tpu.wait_indirect_dma semaphore(%arg14 : memref<!tpu.dma_semaphore, #tpu.memory_space<semaphore_mem>>) src(%dma_wait3A_81 : memref<10000x128xf32, #tpu.memory_space<hbm>>) dst(%dma_wait3A_71 : memref<16x128xf32, #tpu.memory_space<vmem>>)
    %run_scoped3A_82 = arith.constant 0 : i32
    "tpu.region"() ({
      %run_scoped3A_218 = tpu.sem_alloc : memref<!tpu.dma_semaphore, #tpu.memory_space<semaphore_mem>>
      %dma_start3A_219 = arith.constant 0 : i32
      %dma_start3A_220 = arith.constant 0 : i32
      %dma_start3A_221 = tpu.memref_slice %arg10[%dma_start3A_219, %dma_start3A_220] : memref<128x128xf32, #tpu.memory_space<vmem>> -> memref<16x128xf32, #tpu.memory_space<vmem>>
      %dma_start3A_222 = arith.constant 0 : i32
      %dma_start3A_223 = tpu.memref_slice %arg7[%run_scoped3A_82, %dma_start3A_222] : memref<1x128xi32, #tpu.memory_space<vmem>> -> memref<1x16xi32, #tpu.memory_space<vmem>>
      %dma_start3A_224 = tpu.memref_squeeze %dma_start3A_223 : memref<1x16xi32, #tpu.memory_space<vmem>> -> memref<16xi32, #tpu.memory_space<vmem>>
      %dma_start3A_225 = arith.constant 0 : i32
      %dma_start3A_226 = arith.constant 0 : i32
      %dma_start3A_227 = tpu.memref_slice %arg13[%dma_start3A_225, %dma_start3A_226] : memref<10000x128xf32, #tpu.memory_space<vmem_shared>> -> memref<10000x128xf32, #tpu.memory_space<vmem_shared>>
      tpu.enqueue_indirect_dma source(%dma_start3A_221 : memref<16x128xf32, #tpu.memory_space<vmem>>) target(%dma_start3A_227 : memref<10000x128xf32, #tpu.memory_space<vmem_shared>>) offsets(%dma_start3A_224 : memref<16xi32, #tpu.memory_space<vmem>>) semaphore(%run_scoped3A_218 : memref<!tpu.dma_semaphore, #tpu.memory_space<semaphore_mem>>) {add = true}
      %dma_wait3A_228 = arith.constant 0 : i32
      %dma_wait3A_229 = arith.constant 0 : i32
      %dma_wait3A_230 = tpu.memref_slice %arg10[%dma_wait3A_228, %dma_wait3A_229] : memref<128x128xf32, #tpu.memory_space<vmem>> -> memref<16x128xf32, #tpu.memory_space<vmem>>
      %dma_wait3A_231 = arith.constant 0 : i32
      %dma_wait3A_232 = tpu.memref_slice %arg7[%run_scoped3A_82, %dma_wait3A_231] : memref<1x128xi32, #tpu.memory_space<vmem>> -> memref<1x16xi32, #tpu.memory_space<vmem>>
      %dma_wait3A_233 = tpu.memref_squeeze %dma_wait3A_232 : memref<1x16xi32, #tpu.memory_space<vmem>> -> memref<16xi32, #tpu.memory_space<vmem>>
      %dma_wait3A_234 = arith.constant 0 : i32
      %dma_wait3A_235 = arith.constant 0 : i32
      %dma_wait3A_236 = tpu.memref_slice %arg13[%dma_wait3A_234, %dma_wait3A_235] : memref<10000x128xf32, #tpu.memory_space<vmem_shared>> -> memref<10000x128xf32, #tpu.memory_space<vmem_shared>>
      tpu.wait_indirect_dma semaphore(%run_scoped3A_218 : memref<!tpu.dma_semaphore, #tpu.memory_space<semaphore_mem>>) src(%dma_wait3A_230 : memref<16x128xf32, #tpu.memory_space<vmem>>) dst(%dma_wait3A_236 : memref<10000x128xf32, #tpu.memory_space<vmem_shared>>)
      tpu.yield
    }) : () -> ()
    %barrier3A_83 = arith.constant 0 : index
    tpu.barrier barrier_id(%barrier3A_83)
    %add3A_84 = arith.constant 0 : i32
    %add3A_85 = arith.addi %multiple_of3A_9, %add3A_84 : i32
    %add3A_86 = arith.constant 0 : i32
    %add3A_87 = arith.addi %multiple_of3A_9, %add3A_86 : i32
    "tpu.region"() ({
      %run_scoped3A_218 = tpu.sem_alloc : memref<!tpu.dma_semaphore, #tpu.memory_space<semaphore_mem>>
      %dma_start3A_219 = arith.constant 0 : i32
      %dma_start3A_220 = arith.constant 0 : i32
      %dma_start3A_221 = tpu.memref_slice %arg5[%add3A_12, %dma_start3A_219, %dma_start3A_220] : memref<4x10000x128xf32, #tpu.memory_space<hbm>> -> memref<1x10000x128xf32, #tpu.memory_space<hbm>>
      %dma_start3A_222 = tpu.memref_squeeze %dma_start3A_221 : memref<1x10000x128xf32, #tpu.memory_space<hbm>> -> memref<10000x128xf32, #tpu.memory_space<hbm>>
      %dma_start3A_223 = arith.constant 0 : i32
      %dma_start3A_224 = tpu.memref_slice %dma_start3A_222[%add3A_87, %dma_start3A_223] : memref<10000x128xf32, #tpu.memory_space<hbm>> -> memref<128x128xf32, #tpu.memory_space<hbm>>
      %dma_start3A_225 = arith.constant 0 : i32
      %dma_start3A_226 = tpu.memref_slice %arg13[%add3A_85, %dma_start3A_225] : memref<10000x128xf32, #tpu.memory_space<vmem_shared>> -> memref<128x128xf32, #tpu.memory_space<vmem_shared>>
      tpu.enqueue_dma source(%dma_start3A_226 : memref<128x128xf32, #tpu.memory_space<vmem_shared>>) target(%dma_start3A_224 : memref<128x128xf32, #tpu.memory_space<hbm>>) target_semaphore(%run_scoped3A_218 : memref<!tpu.dma_semaphore, #tpu.memory_space<semaphore_mem>>)
      %dma_wait3A_227 = arith.constant 0 : i32
      %dma_wait3A_228 = arith.constant 0 : i32
      %dma_wait3A_229 = tpu.memref_slice %arg5[%add3A_12, %dma_wait3A_227, %dma_wait3A_228] : memref<4x10000x128xf32, #tpu.memory_space<hbm>> -> memref<1x10000x128xf32, #tpu.memory_space<hbm>>
      %dma_wait3A_230 = tpu.memref_squeeze %dma_wait3A_229 : memref<1x10000x128xf32, #tpu.memory_space<hbm>> -> memref<10000x128xf32, #tpu.memory_space<hbm>>
      %dma_wait3A_231 = arith.constant 0 : i32
      %dma_wait3A_232 = tpu.memref_slice %dma_wait3A_230[%add3A_87, %dma_wait3A_231] : memref<10000x128xf32, #tpu.memory_space<hbm>> -> memref<128x128xf32, #tpu.memory_space<hbm>>
      %dma_wait3A_233 = arith.constant 0 : i32
      %dma_wait3A_234 = tpu.memref_slice %arg13[%add3A_85, %dma_wait3A_233] : memref<10000x128xf32, #tpu.memory_space<vmem_shared>> -> memref<128x128xf32, #tpu.memory_space<vmem_shared>>
      tpu.wait_dma2 semaphore(%run_scoped3A_218 : memref<!tpu.dma_semaphore, #tpu.memory_space<semaphore_mem>>) src(%dma_wait3A_234 : memref<128x128xf32, #tpu.memory_space<vmem_shared>>) dst(%dma_wait3A_232 : memref<128x128xf32, #tpu.memory_space<hbm>>)
      tpu.yield
    }) : () -> ()
    %add3A_88 = arith.constant 128 : i32
    %add3A_89 = arith.addi %multiple_of3A_9, %add3A_88 : i32
    %add3A_90 = arith.constant 128 : i32
    %add3A_91 = arith.addi %multiple_of3A_9, %add3A_90 : i32
    "tpu.region"() ({
      %run_scoped3A_218 = tpu.sem_alloc : memref<!tpu.dma_semaphore, #tpu.memory_space<semaphore_mem>>
      %dma_start3A_219 = arith.constant 0 : i32
      %dma_start3A_220 = arith.constant 0 : i32
      %dma_start3A_221 = tpu.memref_slice %arg5[%add3A_12, %dma_start3A_219, %dma_start3A_220] : memref<4x10000x128xf32, #tpu.memory_space<hbm>> -> memref<1x10000x128xf32, #tpu.memory_space<hbm>>
      %dma_start3A_222 = tpu.memref_squeeze %dma_start3A_221 : memref<1x10000x128xf32, #tpu.memory_space<hbm>> -> memref<10000x128xf32, #tpu.memory_space<hbm>>
      %dma_start3A_223 = arith.constant 0 : i32
      %dma_start3A_224 = tpu.memref_slice %dma_start3A_222[%add3A_91, %dma_start3A_223] : memref<10000x128xf32, #tpu.memory_space<hbm>> -> memref<128x128xf32, #tpu.memory_space<hbm>>
      %dma_start3A_225 = arith.constant 0 : i32
      %dma_start3A_226 = tpu.memref_slice %arg13[%add3A_89, %dma_start3A_225] : memref<10000x128xf32, #tpu.memory_space<vmem_shared>> -> memref<128x128xf32, #tpu.memory_space<vmem_shared>>
      tpu.enqueue_dma source(%dma_start3A_226 : memref<128x128xf32, #tpu.memory_space<vmem_shared>>) target(%dma_start3A_224 : memref<128x128xf32, #tpu.memory_space<hbm>>) target_semaphore(%run_scoped3A_218 : memref<!tpu.dma_semaphore, #tpu.memory_space<semaphore_mem>>)
      %dma_wait3A_227 = arith.constant 0 : i32
      %dma_wait3A_228 = arith.constant 0 : i32
      %dma_wait3A_229 = tpu.memref_slice %arg5[%add3A_12, %dma_wait3A_227, %dma_wait3A_228] : memref<4x10000x128xf32, #tpu.memory_space<hbm>> -> memref<1x10000x128xf32, #tpu.memory_space<hbm>>
      %dma_wait3A_230 = tpu.memref_squeeze %dma_wait3A_229 : memref<1x10000x128xf32, #tpu.memory_space<hbm>> -> memref<10000x128xf32, #tpu.memory_space<hbm>>
      %dma_wait3A_231 = arith.constant 0 : i32
      %dma_wait3A_232 = tpu.memref_slice %dma_wait3A_230[%add3A_91, %dma_wait3A_231] : memref<10000x128xf32, #tpu.memory_space<hbm>> -> memref<128x128xf32, #tpu.memory_space<hbm>>
      %dma_wait3A_233 = arith.constant 0 : i32
      %dma_wait3A_234 = tpu.memref_slice %arg13[%add3A_89, %dma_wait3A_233] : memref<10000x128xf32, #tpu.memory_space<vmem_shared>> -> memref<128x128xf32, #tpu.memory_space<vmem_shared>>
      tpu.wait_dma2 semaphore(%run_scoped3A_218 : memref<!tpu.dma_semaphore, #tpu.memory_space<semaphore_mem>>) src(%dma_wait3A_234 : memref<128x128xf32, #tpu.memory_space<vmem_shared>>) dst(%dma_wait3A_232 : memref<128x128xf32, #tpu.memory_space<hbm>>)
      tpu.yield
    }) : () -> ()
    %add3A_92 = arith.constant 256 : i32
    %add3A_93 = arith.addi %multiple_of3A_9, %add3A_92 : i32
    %add3A_94 = arith.constant 256 : i32
    %add3A_95 = arith.addi %multiple_of3A_9, %add3A_94 : i32
    "tpu.region"() ({
      %run_scoped3A_218 = tpu.sem_alloc : memref<!tpu.dma_semaphore, #tpu.memory_space<semaphore_mem>>
      %dma_start3A_219 = arith.constant 0 : i32
      %dma_start3A_220 = arith.constant 0 : i32
      %dma_start3A_221 = tpu.memref_slice %arg5[%add3A_12, %dma_start3A_219, %dma_start3A_220] : memref<4x10000x128xf32, #tpu.memory_space<hbm>> -> memref<1x10000x128xf32, #tpu.memory_space<hbm>>
      %dma_start3A_222 = tpu.memref_squeeze %dma_start3A_221 : memref<1x10000x128xf32, #tpu.memory_space<hbm>> -> memref<10000x128xf32, #tpu.memory_space<hbm>>
      %dma_start3A_223 = arith.constant 0 : i32
      %dma_start3A_224 = tpu.memref_slice %dma_start3A_222[%add3A_95, %dma_start3A_223] : memref<10000x128xf32, #tpu.memory_space<hbm>> -> memref<128x128xf32, #tpu.memory_space<hbm>>
      %dma_start3A_225 = arith.constant 0 : i32
      %dma_start3A_226 = tpu.memref_slice %arg13[%add3A_93, %dma_start3A_225] : memref<10000x128xf32, #tpu.memory_space<vmem_shared>> -> memref<128x128xf32, #tpu.memory_space<vmem_shared>>
      tpu.enqueue_dma source(%dma_start3A_226 : memref<128x128xf32, #tpu.memory_space<vmem_shared>>) target(%dma_start3A_224 : memref<128x128xf32, #tpu.memory_space<hbm>>) target_semaphore(%run_scoped3A_218 : memref<!tpu.dma_semaphore, #tpu.memory_space<semaphore_mem>>)
      %dma_wait3A_227 = arith.constant 0 : i32
      %dma_wait3A_228 = arith.constant 0 : i32
      %dma_wait3A_229 = tpu.memref_slice %arg5[%add3A_12, %dma_wait3A_227, %dma_wait3A_228] : memref<4x10000x128xf32, #tpu.memory_space<hbm>> -> memref<1x10000x128xf32, #tpu.memory_space<hbm>>
      %dma_wait3A_230 = tpu.memref_squeeze %dma_wait3A_229 : memref<1x10000x128xf32, #tpu.memory_space<hbm>> -> memref<10000x128xf32, #tpu.memory_space<hbm>>
      %dma_wait3A_231 = arith.constant 0 : i32
      %dma_wait3A_232 = tpu.memref_slice %dma_wait3A_230[%add3A_95, %dma_wait3A_231] : memref<10000x128xf32, #tpu.memory_space<hbm>> -> memref<128x128xf32, #tpu.memory_space<hbm>>
      %dma_wait3A_233 = arith.constant 0 : i32
      %dma_wait3A_234 = tpu.memref_slice %arg13[%add3A_93, %dma_wait3A_233] : memref<10000x128xf32, #tpu.memory_space<vmem_shared>> -> memref<128x128xf32, #tpu.memory_space<vmem_shared>>
      tpu.wait_dma2 semaphore(%run_scoped3A_218 : memref<!tpu.dma_semaphore, #tpu.memory_space<semaphore_mem>>) src(%dma_wait3A_234 : memref<128x128xf32, #tpu.memory_space<vmem_shared>>) dst(%dma_wait3A_232 : memref<128x128xf32, #tpu.memory_space<hbm>>)
      tpu.yield
    }) : () -> ()
    %add3A_96 = arith.constant 384 : i32
    %add3A_97 = arith.addi %multiple_of3A_9, %add3A_96 : i32
    %add3A_98 = arith.constant 384 : i32
    %add3A_99 = arith.addi %multiple_of3A_9, %add3A_98 : i32
    "tpu.region"() ({
      %run_scoped3A_218 = tpu.sem_alloc : memref<!tpu.dma_semaphore, #tpu.memory_space<semaphore_mem>>
      %dma_start3A_219 = arith.constant 0 : i32
      %dma_start3A_220 = arith.constant 0 : i32
      %dma_start3A_221 = tpu.memref_slice %arg5[%add3A_12, %dma_start3A_219, %dma_start3A_220] : memref<4x10000x128xf32, #tpu.memory_space<hbm>> -> memref<1x10000x128xf32, #tpu.memory_space<hbm>>
      %dma_start3A_222 = tpu.memref_squeeze %dma_start3A_221 : memref<1x10000x128xf32, #tpu.memory_space<hbm>> -> memref<10000x128xf32, #tpu.memory_space<hbm>>
      %dma_start3A_223 = arith.constant 0 : i32
      %dma_start3A_224 = tpu.memref_slice %dma_start3A_222[%add3A_99, %dma_start3A_223] : memref<10000x128xf32, #tpu.memory_space<hbm>> -> memref<128x128xf32, #tpu.memory_space<hbm>>
      %dma_start3A_225 = arith.constant 0 : i32
      %dma_start3A_226 = tpu.memref_slice %arg13[%add3A_97, %dma_start3A_225] : memref<10000x128xf32, #tpu.memory_space<vmem_shared>> -> memref<128x128xf32, #tpu.memory_space<vmem_shared>>
      tpu.enqueue_dma source(%dma_start3A_226 : memref<128x128xf32, #tpu.memory_space<vmem_shared>>) target(%dma_start3A_224 : memref<128x128xf32, #tpu.memory_space<hbm>>) target_semaphore(%run_scoped3A_218 : memref<!tpu.dma_semaphore, #tpu.memory_space<semaphore_mem>>)
      %dma_wait3A_227 = arith.constant 0 : i32
      %dma_wait3A_228 = arith.constant 0 : i32
      %dma_wait3A_229 = tpu.memref_slice %arg5[%add3A_12, %dma_wait3A_227, %dma_wait3A_228] : memref<4x10000x128xf32, #tpu.memory_space<hbm>> -> memref<1x10000x128xf32, #tpu.memory_space<hbm>>
      %dma_wait3A_230 = tpu.memref_squeeze %dma_wait3A_229 : memref<1x10000x128xf32, #tpu.memory_space<hbm>> -> memref<10000x128xf32, #tpu.memory_space<hbm>>
      %dma_wait3A_231 = arith.constant 0 : i32
      %dma_wait3A_232 = tpu.memref_slice %dma_wait3A_230[%add3A_99, %dma_wait3A_231] : memref<10000x128xf32, #tpu.memory_space<hbm>> -> memref<128x128xf32, #tpu.memory_space<hbm>>
      %dma_wait3A_233 = arith.constant 0 : i32
      %dma_wait3A_234 = tpu.memref_slice %arg13[%add3A_97, %dma_wait3A_233] : memref<10000x128xf32, #tpu.memory_space<vmem_shared>> -> memref<128x128xf32, #tpu.memory_space<vmem_shared>>
      tpu.wait_dma2 semaphore(%run_scoped3A_218 : memref<!tpu.dma_semaphore, #tpu.memory_space<semaphore_mem>>) src(%dma_wait3A_234 : memref<128x128xf32, #tpu.memory_space<vmem_shared>>) dst(%dma_wait3A_232 : memref<128x128xf32, #tpu.memory_space<hbm>>)
      tpu.yield
    }) : () -> ()
    %add3A_100 = arith.constant 512 : i32
    %add3A_101 = arith.addi %multiple_of3A_9, %add3A_100 : i32
    %add3A_102 = arith.constant 512 : i32
    %add3A_103 = arith.addi %multiple_of3A_9, %add3A_102 : i32
    "tpu.region"() ({
      %run_scoped3A_218 = tpu.sem_alloc : memref<!tpu.dma_semaphore, #tpu.memory_space<semaphore_mem>>
      %dma_start3A_219 = arith.constant 0 : i32
      %dma_start3A_220 = arith.constant 0 : i32
      %dma_start3A_221 = tpu.memref_slice %arg5[%add3A_12, %dma_start3A_219, %dma_start3A_220] : memref<4x10000x128xf32, #tpu.memory_space<hbm>> -> memref<1x10000x128xf32, #tpu.memory_space<hbm>>
      %dma_start3A_222 = tpu.memref_squeeze %dma_start3A_221 : memref<1x10000x128xf32, #tpu.memory_space<hbm>> -> memref<10000x128xf32, #tpu.memory_space<hbm>>
      %dma_start3A_223 = arith.constant 0 : i32
      %dma_start3A_224 = tpu.memref_slice %dma_start3A_222[%add3A_103, %dma_start3A_223] : memref<10000x128xf32, #tpu.memory_space<hbm>> -> memref<112x128xf32, #tpu.memory_space<hbm>>
      %dma_start3A_225 = arith.constant 0 : i32
      %dma_start3A_226 = tpu.memref_slice %arg13[%add3A_101, %dma_start3A_225] : memref<10000x128xf32, #tpu.memory_space<vmem_shared>> -> memref<112x128xf32, #tpu.memory_space<vmem_shared>>
      tpu.enqueue_dma source(%dma_start3A_226 : memref<112x128xf32, #tpu.memory_space<vmem_shared>>) target(%dma_start3A_224 : memref<112x128xf32, #tpu.memory_space<hbm>>) target_semaphore(%run_scoped3A_218 : memref<!tpu.dma_semaphore, #tpu.memory_space<semaphore_mem>>)
      %dma_wait3A_227 = arith.constant 0 : i32
      %dma_wait3A_228 = arith.constant 0 : i32
      %dma_wait3A_229 = tpu.memref_slice %arg5[%add3A_12, %dma_wait3A_227, %dma_wait3A_228] : memref<4x10000x128xf32, #tpu.memory_space<hbm>> -> memref<1x10000x128xf32, #tpu.memory_space<hbm>>
      %dma_wait3A_230 = tpu.memref_squeeze %dma_wait3A_229 : memref<1x10000x128xf32, #tpu.memory_space<hbm>> -> memref<10000x128xf32, #tpu.memory_space<hbm>>
      %dma_wait3A_231 = arith.constant 0 : i32
      %dma_wait3A_232 = tpu.memref_slice %dma_wait3A_230[%add3A_103, %dma_wait3A_231] : memref<10000x128xf32, #tpu.memory_space<hbm>> -> memref<112x128xf32, #tpu.memory_space<hbm>>
      %dma_wait3A_233 = arith.constant 0 : i32
      %dma_wait3A_234 = tpu.memref_slice %arg13[%add3A_101, %dma_wait3A_233] : memref<10000x128xf32, #tpu.memory_space<vmem_shared>> -> memref<112x128xf32, #tpu.memory_space<vmem_shared>>
      tpu.wait_dma2 semaphore(%run_scoped3A_218 : memref<!tpu.dma_semaphore, #tpu.memory_space<semaphore_mem>>) src(%dma_wait3A_234 : memref<112x128xf32, #tpu.memory_space<vmem_shared>>) dst(%dma_wait3A_232 : memref<112x128xf32, #tpu.memory_space<hbm>>)
      tpu.yield
    }) : () -> ()
    %eq3A_104 = arith.constant 15 : i32
    %eq3A_105 = arith.cmpi eq, %arg1, %eq3A_104 : i32
    %convert_element_type3A_106 = arith.extui %eq3A_105 : i1 to i32
    %cond3A_107 = arith.constant 0 : i32
    %cond3A_108 = arith.cmpi ne, %convert_element_type3A_106, %cond3A_107 : i32
    scf.if %cond3A_108 {
      "tpu.region"() ({
        %run_scoped3A_218 = tpu.sem_alloc : memref<!tpu.dma_semaphore, #tpu.memory_space<semaphore_mem>>
        %dma_start3A_219 = arith.constant 0 : i32
        %dma_start3A_220 = arith.constant 0 : i32
        %dma_start3A_221 = tpu.memref_slice %arg5[%add3A_12, %dma_start3A_219, %dma_start3A_220] : memref<4x10000x128xf32, #tpu.memory_space<hbm>> -> memref<1x10000x128xf32, #tpu.memory_space<hbm>>
        %dma_start3A_222 = tpu.memref_squeeze %dma_start3A_221 : memref<1x10000x128xf32, #tpu.memory_space<hbm>> -> memref<10000x128xf32, #tpu.memory_space<hbm>>
        %dma_start3A_223 = arith.constant 9984 : i32
        %dma_start3A_224 = arith.constant 0 : i32
        %dma_start3A_225 = tpu.memref_slice %dma_start3A_222[%dma_start3A_223, %dma_start3A_224] : memref<10000x128xf32, #tpu.memory_space<hbm>> -> memref<16x128xf32, #tpu.memory_space<hbm>>
        %dma_start3A_226 = arith.constant 9984 : i32
        %dma_start3A_227 = arith.constant 0 : i32
        %dma_start3A_228 = tpu.memref_slice %arg13[%dma_start3A_226, %dma_start3A_227] : memref<10000x128xf32, #tpu.memory_space<vmem_shared>> -> memref<16x128xf32, #tpu.memory_space<vmem_shared>>
        tpu.enqueue_dma source(%dma_start3A_228 : memref<16x128xf32, #tpu.memory_space<vmem_shared>>) target(%dma_start3A_225 : memref<16x128xf32, #tpu.memory_space<hbm>>) target_semaphore(%run_scoped3A_218 : memref<!tpu.dma_semaphore, #tpu.memory_space<semaphore_mem>>)
        %dma_wait3A_229 = arith.constant 0 : i32
        %dma_wait3A_230 = arith.constant 0 : i32
        %dma_wait3A_231 = tpu.memref_slice %arg5[%add3A_12, %dma_wait3A_229, %dma_wait3A_230] : memref<4x10000x128xf32, #tpu.memory_space<hbm>> -> memref<1x10000x128xf32, #tpu.memory_space<hbm>>
        %dma_wait3A_232 = tpu.memref_squeeze %dma_wait3A_231 : memref<1x10000x128xf32, #tpu.memory_space<hbm>> -> memref<10000x128xf32, #tpu.memory_space<hbm>>
        %dma_wait3A_233 = arith.constant 9984 : i32
        %dma_wait3A_234 = arith.constant 0 : i32
        %dma_wait3A_235 = tpu.memref_slice %dma_wait3A_232[%dma_wait3A_233, %dma_wait3A_234] : memref<10000x128xf32, #tpu.memory_space<hbm>> -> memref<16x128xf32, #tpu.memory_space<hbm>>
        %dma_wait3A_236 = arith.constant 9984 : i32
        %dma_wait3A_237 = arith.constant 0 : i32
        %dma_wait3A_238 = tpu.memref_slice %arg13[%dma_wait3A_236, %dma_wait3A_237] : memref<10000x128xf32, #tpu.memory_space<vmem_shared>> -> memref<16x128xf32, #tpu.memory_space<vmem_shared>>
        tpu.wait_dma2 semaphore(%run_scoped3A_218 : memref<!tpu.dma_semaphore, #tpu.memory_space<semaphore_mem>>) src(%dma_wait3A_238 : memref<16x128xf32, #tpu.memory_space<vmem_shared>>) dst(%dma_wait3A_235 : memref<16x128xf32, #tpu.memory_space<hbm>>)
        tpu.yield
      }) : () -> ()
    } else {
    }
    %barrier3A_109 = arith.constant 0 : index
    tpu.barrier barrier_id(%barrier3A_109)
    %mul3A_110 = arith.constant 2 : i32
    %mul3A_111 = arith.muli %mul3A_110, %arg0 : i32
    %add3A_112 = arith.constant 1 : i32
    %add3A_113 = arith.addi %mul3A_111, %add3A_112 : i32
    %add3A_114 = arith.constant 0 : i32
    %add3A_115 = arith.addi %multiple_of3A_9, %add3A_114 : i32
    "tpu.region"() ({
      %run_scoped3A_218 = tpu.sem_alloc : memref<!tpu.dma_semaphore, #tpu.memory_space<semaphore_mem>>
      %dma_start3A_219 = arith.constant 0 : i32
      %dma_start3A_220 = tpu.memref_slice %arg13[%add3A_115, %dma_start3A_219] : memref<10000x128xf32, #tpu.memory_space<vmem_shared>> -> memref<128x128xf32, #tpu.memory_space<vmem_shared>>
      %dma_start3A_221 = arith.constant 0 : i32
      %dma_start3A_222 = tpu.memref_slice %arg13[%add3A_115, %dma_start3A_221] : memref<10000x128xf32, #tpu.memory_space<vmem_shared>> -> memref<128x128xf32, #tpu.memory_space<vmem_shared>>
      tpu.enqueue_dma source(%arg12 : memref<128x128xf32, #tpu.memory_space<vmem>>) target(%dma_start3A_222 : memref<128x128xf32, #tpu.memory_space<vmem_shared>>) target_semaphore(%run_scoped3A_218 : memref<!tpu.dma_semaphore, #tpu.memory_space<semaphore_mem>>)
      %dma_wait3A_223 = arith.constant 0 : i32
      %dma_wait3A_224 = tpu.memref_slice %arg13[%add3A_115, %dma_wait3A_223] : memref<10000x128xf32, #tpu.memory_space<vmem_shared>> -> memref<128x128xf32, #tpu.memory_space<vmem_shared>>
      %dma_wait3A_225 = arith.constant 0 : i32
      %dma_wait3A_226 = tpu.memref_slice %arg13[%add3A_115, %dma_wait3A_225] : memref<10000x128xf32, #tpu.memory_space<vmem_shared>> -> memref<128x128xf32, #tpu.memory_space<vmem_shared>>
      tpu.wait_dma2 semaphore(%run_scoped3A_218 : memref<!tpu.dma_semaphore, #tpu.memory_space<semaphore_mem>>) src(%arg12 : memref<128x128xf32, #tpu.memory_space<vmem>>) dst(%dma_wait3A_226 : memref<128x128xf32, #tpu.memory_space<vmem_shared>>)
      tpu.yield
    }) : () -> ()
    %add3A_116 = arith.constant 128 : i32
    %add3A_117 = arith.addi %multiple_of3A_9, %add3A_116 : i32
    "tpu.region"() ({
      %run_scoped3A_218 = tpu.sem_alloc : memref<!tpu.dma_semaphore, #tpu.memory_space<semaphore_mem>>
      %dma_start3A_219 = arith.constant 0 : i32
      %dma_start3A_220 = tpu.memref_slice %arg13[%add3A_117, %dma_start3A_219] : memref<10000x128xf32, #tpu.memory_space<vmem_shared>> -> memref<128x128xf32, #tpu.memory_space<vmem_shared>>
      %dma_start3A_221 = arith.constant 0 : i32
      %dma_start3A_222 = tpu.memref_slice %arg13[%add3A_117, %dma_start3A_221] : memref<10000x128xf32, #tpu.memory_space<vmem_shared>> -> memref<128x128xf32, #tpu.memory_space<vmem_shared>>
      tpu.enqueue_dma source(%arg12 : memref<128x128xf32, #tpu.memory_space<vmem>>) target(%dma_start3A_222 : memref<128x128xf32, #tpu.memory_space<vmem_shared>>) target_semaphore(%run_scoped3A_218 : memref<!tpu.dma_semaphore, #tpu.memory_space<semaphore_mem>>)
      %dma_wait3A_223 = arith.constant 0 : i32
      %dma_wait3A_224 = tpu.memref_slice %arg13[%add3A_117, %dma_wait3A_223] : memref<10000x128xf32, #tpu.memory_space<vmem_shared>> -> memref<128x128xf32, #tpu.memory_space<vmem_shared>>
      %dma_wait3A_225 = arith.constant 0 : i32
      %dma_wait3A_226 = tpu.memref_slice %arg13[%add3A_117, %dma_wait3A_225] : memref<10000x128xf32, #tpu.memory_space<vmem_shared>> -> memref<128x128xf32, #tpu.memory_space<vmem_shared>>
      tpu.wait_dma2 semaphore(%run_scoped3A_218 : memref<!tpu.dma_semaphore, #tpu.memory_space<semaphore_mem>>) src(%arg12 : memref<128x128xf32, #tpu.memory_space<vmem>>) dst(%dma_wait3A_226 : memref<128x128xf32, #tpu.memory_space<vmem_shared>>)
      tpu.yield
    }) : () -> ()
    %add3A_118 = arith.constant 256 : i32
    %add3A_119 = arith.addi %multiple_of3A_9, %add3A_118 : i32
    "tpu.region"() ({
      %run_scoped3A_218 = tpu.sem_alloc : memref<!tpu.dma_semaphore, #tpu.memory_space<semaphore_mem>>
      %dma_start3A_219 = arith.constant 0 : i32
      %dma_start3A_220 = tpu.memref_slice %arg13[%add3A_119, %dma_start3A_219] : memref<10000x128xf32, #tpu.memory_space<vmem_shared>> -> memref<128x128xf32, #tpu.memory_space<vmem_shared>>
      %dma_start3A_221 = arith.constant 0 : i32
      %dma_start3A_222 = tpu.memref_slice %arg13[%add3A_119, %dma_start3A_221] : memref<10000x128xf32, #tpu.memory_space<vmem_shared>> -> memref<128x128xf32, #tpu.memory_space<vmem_shared>>
      tpu.enqueue_dma source(%arg12 : memref<128x128xf32, #tpu.memory_space<vmem>>) target(%dma_start3A_222 : memref<128x128xf32, #tpu.memory_space<vmem_shared>>) target_semaphore(%run_scoped3A_218 : memref<!tpu.dma_semaphore, #tpu.memory_space<semaphore_mem>>)
      %dma_wait3A_223 = arith.constant 0 : i32
      %dma_wait3A_224 = tpu.memref_slice %arg13[%add3A_119, %dma_wait3A_223] : memref<10000x128xf32, #tpu.memory_space<vmem_shared>> -> memref<128x128xf32, #tpu.memory_space<vmem_shared>>
      %dma_wait3A_225 = arith.constant 0 : i32
      %dma_wait3A_226 = tpu.memref_slice %arg13[%add3A_119, %dma_wait3A_225] : memref<10000x128xf32, #tpu.memory_space<vmem_shared>> -> memref<128x128xf32, #tpu.memory_space<vmem_shared>>
      tpu.wait_dma2 semaphore(%run_scoped3A_218 : memref<!tpu.dma_semaphore, #tpu.memory_space<semaphore_mem>>) src(%arg12 : memref<128x128xf32, #tpu.memory_space<vmem>>) dst(%dma_wait3A_226 : memref<128x128xf32, #tpu.memory_space<vmem_shared>>)
      tpu.yield
    }) : () -> ()
    %add3A_120 = arith.constant 384 : i32
    %add3A_121 = arith.addi %multiple_of3A_9, %add3A_120 : i32
    "tpu.region"() ({
      %run_scoped3A_218 = tpu.sem_alloc : memref<!tpu.dma_semaphore, #tpu.memory_space<semaphore_mem>>
      %dma_start3A_219 = arith.constant 0 : i32
      %dma_start3A_220 = tpu.memref_slice %arg13[%add3A_121, %dma_start3A_219] : memref<10000x128xf32, #tpu.memory_space<vmem_shared>> -> memref<128x128xf32, #tpu.memory_space<vmem_shared>>
      %dma_start3A_221 = arith.constant 0 : i32
      %dma_start3A_222 = tpu.memref_slice %arg13[%add3A_121, %dma_start3A_221] : memref<10000x128xf32, #tpu.memory_space<vmem_shared>> -> memref<128x128xf32, #tpu.memory_space<vmem_shared>>
      tpu.enqueue_dma source(%arg12 : memref<128x128xf32, #tpu.memory_space<vmem>>) target(%dma_start3A_222 : memref<128x128xf32, #tpu.memory_space<vmem_shared>>) target_semaphore(%run_scoped3A_218 : memref<!tpu.dma_semaphore, #tpu.memory_space<semaphore_mem>>)
      %dma_wait3A_223 = arith.constant 0 : i32
      %dma_wait3A_224 = tpu.memref_slice %arg13[%add3A_121, %dma_wait3A_223] : memref<10000x128xf32, #tpu.memory_space<vmem_shared>> -> memref<128x128xf32, #tpu.memory_space<vmem_shared>>
      %dma_wait3A_225 = arith.constant 0 : i32
      %dma_wait3A_226 = tpu.memref_slice %arg13[%add3A_121, %dma_wait3A_225] : memref<10000x128xf32, #tpu.memory_space<vmem_shared>> -> memref<128x128xf32, #tpu.memory_space<vmem_shared>>
      tpu.wait_dma2 semaphore(%run_scoped3A_218 : memref<!tpu.dma_semaphore, #tpu.memory_space<semaphore_mem>>) src(%arg12 : memref<128x128xf32, #tpu.memory_space<vmem>>) dst(%dma_wait3A_226 : memref<128x128xf32, #tpu.memory_space<vmem_shared>>)
      tpu.yield
    }) : () -> ()
    %add3A_122 = arith.constant 512 : i32
    %add3A_123 = arith.addi %multiple_of3A_9, %add3A_122 : i32
    "tpu.region"() ({
      %run_scoped3A_218 = tpu.sem_alloc : memref<!tpu.dma_semaphore, #tpu.memory_space<semaphore_mem>>
      %dma_start3A_219 = arith.constant 0 : i32
      %dma_start3A_220 = arith.constant 0 : i32
      %dma_start3A_221 = tpu.memref_slice %arg12[%dma_start3A_219, %dma_start3A_220] : memref<128x128xf32, #tpu.memory_space<vmem>> -> memref<112x128xf32, #tpu.memory_space<vmem>>
      %dma_start3A_222 = arith.constant 0 : i32
      %dma_start3A_223 = tpu.memref_slice %arg13[%add3A_123, %dma_start3A_222] : memref<10000x128xf32, #tpu.memory_space<vmem_shared>> -> memref<112x128xf32, #tpu.memory_space<vmem_shared>>
      %dma_start3A_224 = arith.constant 0 : i32
      %dma_start3A_225 = tpu.memref_slice %arg13[%add3A_123, %dma_start3A_224] : memref<10000x128xf32, #tpu.memory_space<vmem_shared>> -> memref<112x128xf32, #tpu.memory_space<vmem_shared>>
      %dma_start3A_226 = arith.constant 0 : i32
      %dma_start3A_227 = arith.constant 0 : i32
      %dma_start3A_228 = tpu.memref_slice %arg12[%dma_start3A_226, %dma_start3A_227] : memref<128x128xf32, #tpu.memory_space<vmem>> -> memref<112x128xf32, #tpu.memory_space<vmem>>
      tpu.enqueue_dma source(%dma_start3A_228 : memref<112x128xf32, #tpu.memory_space<vmem>>) target(%dma_start3A_225 : memref<112x128xf32, #tpu.memory_space<vmem_shared>>) target_semaphore(%run_scoped3A_218 : memref<!tpu.dma_semaphore, #tpu.memory_space<semaphore_mem>>)
      %dma_wait3A_229 = arith.constant 0 : i32
      %dma_wait3A_230 = arith.constant 0 : i32
      %dma_wait3A_231 = tpu.memref_slice %arg12[%dma_wait3A_229, %dma_wait3A_230] : memref<128x128xf32, #tpu.memory_space<vmem>> -> memref<112x128xf32, #tpu.memory_space<vmem>>
      %dma_wait3A_232 = arith.constant 0 : i32
      %dma_wait3A_233 = tpu.memref_slice %arg13[%add3A_123, %dma_wait3A_232] : memref<10000x128xf32, #tpu.memory_space<vmem_shared>> -> memref<112x128xf32, #tpu.memory_space<vmem_shared>>
      %dma_wait3A_234 = arith.constant 0 : i32
      %dma_wait3A_235 = tpu.memref_slice %arg13[%add3A_123, %dma_wait3A_234] : memref<10000x128xf32, #tpu.memory_space<vmem_shared>> -> memref<112x128xf32, #tpu.memory_space<vmem_shared>>
      %dma_wait3A_236 = arith.constant 0 : i32
      %dma_wait3A_237 = arith.constant 0 : i32
      %dma_wait3A_238 = tpu.memref_slice %arg12[%dma_wait3A_236, %dma_wait3A_237] : memref<128x128xf32, #tpu.memory_space<vmem>> -> memref<112x128xf32, #tpu.memory_space<vmem>>
      tpu.wait_dma2 semaphore(%run_scoped3A_218 : memref<!tpu.dma_semaphore, #tpu.memory_space<semaphore_mem>>) src(%dma_wait3A_238 : memref<112x128xf32, #tpu.memory_space<vmem>>) dst(%dma_wait3A_235 : memref<112x128xf32, #tpu.memory_space<vmem_shared>>)
      tpu.yield
    }) : () -> ()
    %eq3A_124 = arith.constant 15 : i32
    %eq3A_125 = arith.cmpi eq, %arg1, %eq3A_124 : i32
    %convert_element_type3A_126 = arith.extui %eq3A_125 : i1 to i32
    %cond3A_127 = arith.constant 0 : i32
    %cond3A_128 = arith.cmpi ne, %convert_element_type3A_126, %cond3A_127 : i32
    scf.if %cond3A_128 {
      "tpu.region"() ({
        %run_scoped3A_218 = tpu.sem_alloc : memref<!tpu.dma_semaphore, #tpu.memory_space<semaphore_mem>>
        %dma_start3A_219 = arith.constant 0 : i32
        %dma_start3A_220 = arith.constant 0 : i32
        %dma_start3A_221 = tpu.memref_slice %arg12[%dma_start3A_219, %dma_start3A_220] : memref<128x128xf32, #tpu.memory_space<vmem>> -> memref<16x128xf32, #tpu.memory_space<vmem>>
        %dma_start3A_222 = arith.constant 9984 : i32
        %dma_start3A_223 = arith.constant 0 : i32
        %dma_start3A_224 = tpu.memref_slice %arg13[%dma_start3A_222, %dma_start3A_223] : memref<10000x128xf32, #tpu.memory_space<vmem_shared>> -> memref<16x128xf32, #tpu.memory_space<vmem_shared>>
        %dma_start3A_225 = arith.constant 9984 : i32
        %dma_start3A_226 = arith.constant 0 : i32
        %dma_start3A_227 = tpu.memref_slice %arg13[%dma_start3A_225, %dma_start3A_226] : memref<10000x128xf32, #tpu.memory_space<vmem_shared>> -> memref<16x128xf32, #tpu.memory_space<vmem_shared>>
        %dma_start3A_228 = arith.constant 0 : i32
        %dma_start3A_229 = arith.constant 0 : i32
        %dma_start3A_230 = tpu.memref_slice %arg12[%dma_start3A_228, %dma_start3A_229] : memref<128x128xf32, #tpu.memory_space<vmem>> -> memref<16x128xf32, #tpu.memory_space<vmem>>
        tpu.enqueue_dma source(%dma_start3A_230 : memref<16x128xf32, #tpu.memory_space<vmem>>) target(%dma_start3A_227 : memref<16x128xf32, #tpu.memory_space<vmem_shared>>) target_semaphore(%run_scoped3A_218 : memref<!tpu.dma_semaphore, #tpu.memory_space<semaphore_mem>>)
        %dma_wait3A_231 = arith.constant 0 : i32
        %dma_wait3A_232 = arith.constant 0 : i32
        %dma_wait3A_233 = tpu.memref_slice %arg12[%dma_wait3A_231, %dma_wait3A_232] : memref<128x128xf32, #tpu.memory_space<vmem>> -> memref<16x128xf32, #tpu.memory_space<vmem>>
        %dma_wait3A_234 = arith.constant 9984 : i32
        %dma_wait3A_235 = arith.constant 0 : i32
        %dma_wait3A_236 = tpu.memref_slice %arg13[%dma_wait3A_234, %dma_wait3A_235] : memref<10000x128xf32, #tpu.memory_space<vmem_shared>> -> memref<16x128xf32, #tpu.memory_space<vmem_shared>>
        %dma_wait3A_237 = arith.constant 9984 : i32
        %dma_wait3A_238 = arith.constant 0 : i32
        %dma_wait3A_239 = tpu.memref_slice %arg13[%dma_wait3A_237, %dma_wait3A_238] : memref<10000x128xf32, #tpu.memory_space<vmem_shared>> -> memref<16x128xf32, #tpu.memory_space<vmem_shared>>
        %dma_wait3A_240 = arith.constant 0 : i32
        %dma_wait3A_241 = arith.constant 0 : i32
        %dma_wait3A_242 = tpu.memref_slice %arg12[%dma_wait3A_240, %dma_wait3A_241] : memref<128x128xf32, #tpu.memory_space<vmem>> -> memref<16x128xf32, #tpu.memory_space<vmem>>
        tpu.wait_dma2 semaphore(%run_scoped3A_218 : memref<!tpu.dma_semaphore, #tpu.memory_space<semaphore_mem>>) src(%dma_wait3A_242 : memref<16x128xf32, #tpu.memory_space<vmem>>) dst(%dma_wait3A_239 : memref<16x128xf32, #tpu.memory_space<vmem_shared>>)
        tpu.yield
      }) : () -> ()
    } else {
    }
    %barrier3A_129 = arith.constant 0 : index
    tpu.barrier barrier_id(%barrier3A_129)
    %add3A_130 = arith.constant 0 : i32
    %add3A_131 = arith.addi %multiple_of3A, %add3A_130 : i32
    %multiple_of3A_132 = tpu.assume_multiple %add3A_131, 8 : i32
    %run_scoped3A_133 = arith.constant 0 : i32
    "tpu.region"() ({
      %run_scoped3A_218 = tpu.sem_alloc : memref<!tpu.dma_semaphore, #tpu.memory_space<semaphore_mem>>
      %dma_start3A_219 = arith.constant 0 : i32
      %dma_start3A_220 = tpu.memref_slice %arg6[%run_scoped3A_133, %dma_start3A_219] : memref<1x128xi32, #tpu.memory_space<vmem>> -> memref<1x128xi32, #tpu.memory_space<vmem>>
      %dma_start3A_221 = tpu.memref_squeeze %dma_start3A_220 : memref<1x128xi32, #tpu.memory_space<vmem>> -> memref<128xi32, #tpu.memory_space<vmem>>
      %dma_start3A_222 = tpu.memref_slice %arg2[%multiple_of3A_132] : memref<160000xi32, #tpu.memory_space<hbm>> -> memref<128xi32, #tpu.memory_space<hbm>>
      %dma_start3A_223 = arith.constant 0 : i32
      %dma_start3A_224 = tpu.memref_slice %arg6[%run_scoped3A_133, %dma_start3A_223] : memref<1x128xi32, #tpu.memory_space<vmem>> -> memref<1x128xi32, #tpu.memory_space<vmem>>
      %dma_start3A_225 = tpu.memref_squeeze %dma_start3A_224 : memref<1x128xi32, #tpu.memory_space<vmem>> -> memref<128xi32, #tpu.memory_space<vmem>>
      %dma_start3A_226 = tpu.memref_slice %arg2[%multiple_of3A_132] : memref<160000xi32, #tpu.memory_space<hbm>> -> memref<128xi32, #tpu.memory_space<hbm>>
      tpu.enqueue_dma source(%dma_start3A_226 : memref<128xi32, #tpu.memory_space<hbm>>) target(%dma_start3A_225 : memref<128xi32, #tpu.memory_space<vmem>>) target_semaphore(%run_scoped3A_218 : memref<!tpu.dma_semaphore, #tpu.memory_space<semaphore_mem>>)
      %dma_wait3A_227 = arith.constant 0 : i32
      %dma_wait3A_228 = tpu.memref_slice %arg6[%run_scoped3A_133, %dma_wait3A_227] : memref<1x128xi32, #tpu.memory_space<vmem>> -> memref<1x128xi32, #tpu.memory_space<vmem>>
      %dma_wait3A_229 = tpu.memref_squeeze %dma_wait3A_228 : memref<1x128xi32, #tpu.memory_space<vmem>> -> memref<128xi32, #tpu.memory_space<vmem>>
      %dma_wait3A_230 = tpu.memref_slice %arg2[%multiple_of3A_132] : memref<160000xi32, #tpu.memory_space<hbm>> -> memref<128xi32, #tpu.memory_space<hbm>>
      %dma_wait3A_231 = arith.constant 0 : i32
      %dma_wait3A_232 = tpu.memref_slice %arg6[%run_scoped3A_133, %dma_wait3A_231] : memref<1x128xi32, #tpu.memory_space<vmem>> -> memref<1x128xi32, #tpu.memory_space<vmem>>
      %dma_wait3A_233 = tpu.memref_squeeze %dma_wait3A_232 : memref<1x128xi32, #tpu.memory_space<vmem>> -> memref<128xi32, #tpu.memory_space<vmem>>
      %dma_wait3A_234 = tpu.memref_slice %arg2[%multiple_of3A_132] : memref<160000xi32, #tpu.memory_space<hbm>> -> memref<128xi32, #tpu.memory_space<hbm>>
      tpu.wait_dma2 semaphore(%run_scoped3A_218 : memref<!tpu.dma_semaphore, #tpu.memory_space<semaphore_mem>>) src(%dma_wait3A_234 : memref<128xi32, #tpu.memory_space<hbm>>) dst(%dma_wait3A_233 : memref<128xi32, #tpu.memory_space<vmem>>)
      tpu.yield
    }) : () -> ()
    %run_scoped3A_134 = arith.constant 0 : i32
    "tpu.region"() ({
      %run_scoped3A_218 = tpu.sem_alloc : memref<!tpu.dma_semaphore, #tpu.memory_space<semaphore_mem>>
      %dma_start3A_219 = arith.constant 0 : i32
      %dma_start3A_220 = tpu.memref_slice %arg7[%run_scoped3A_134, %dma_start3A_219] : memref<1x128xi32, #tpu.memory_space<vmem>> -> memref<1x128xi32, #tpu.memory_space<vmem>>
      %dma_start3A_221 = tpu.memref_squeeze %dma_start3A_220 : memref<1x128xi32, #tpu.memory_space<vmem>> -> memref<128xi32, #tpu.memory_space<vmem>>
      %dma_start3A_222 = tpu.memref_slice %arg3[%multiple_of3A_132] : memref<160000xi32, #tpu.memory_space<hbm>> -> memref<128xi32, #tpu.memory_space<hbm>>
      %dma_start3A_223 = arith.constant 0 : i32
      %dma_start3A_224 = tpu.memref_slice %arg7[%run_scoped3A_134, %dma_start3A_223] : memref<1x128xi32, #tpu.memory_space<vmem>> -> memref<1x128xi32, #tpu.memory_space<vmem>>
      %dma_start3A_225 = tpu.memref_squeeze %dma_start3A_224 : memref<1x128xi32, #tpu.memory_space<vmem>> -> memref<128xi32, #tpu.memory_space<vmem>>
      %dma_start3A_226 = tpu.memref_slice %arg3[%multiple_of3A_132] : memref<160000xi32, #tpu.memory_space<hbm>> -> memref<128xi32, #tpu.memory_space<hbm>>
      tpu.enqueue_dma source(%dma_start3A_226 : memref<128xi32, #tpu.memory_space<hbm>>) target(%dma_start3A_225 : memref<128xi32, #tpu.memory_space<vmem>>) target_semaphore(%run_scoped3A_218 : memref<!tpu.dma_semaphore, #tpu.memory_space<semaphore_mem>>)
      %dma_wait3A_227 = arith.constant 0 : i32
      %dma_wait3A_228 = tpu.memref_slice %arg7[%run_scoped3A_134, %dma_wait3A_227] : memref<1x128xi32, #tpu.memory_space<vmem>> -> memref<1x128xi32, #tpu.memory_space<vmem>>
      %dma_wait3A_229 = tpu.memref_squeeze %dma_wait3A_228 : memref<1x128xi32, #tpu.memory_space<vmem>> -> memref<128xi32, #tpu.memory_space<vmem>>
      %dma_wait3A_230 = tpu.memref_slice %arg3[%multiple_of3A_132] : memref<160000xi32, #tpu.memory_space<hbm>> -> memref<128xi32, #tpu.memory_space<hbm>>
      %dma_wait3A_231 = arith.constant 0 : i32
      %dma_wait3A_232 = tpu.memref_slice %arg7[%run_scoped3A_134, %dma_wait3A_231] : memref<1x128xi32, #tpu.memory_space<vmem>> -> memref<1x128xi32, #tpu.memory_space<vmem>>
      %dma_wait3A_233 = tpu.memref_squeeze %dma_wait3A_232 : memref<1x128xi32, #tpu.memory_space<vmem>> -> memref<128xi32, #tpu.memory_space<vmem>>
      %dma_wait3A_234 = tpu.memref_slice %arg3[%multiple_of3A_132] : memref<160000xi32, #tpu.memory_space<hbm>> -> memref<128xi32, #tpu.memory_space<hbm>>
      tpu.wait_dma2 semaphore(%run_scoped3A_218 : memref<!tpu.dma_semaphore, #tpu.memory_space<semaphore_mem>>) src(%dma_wait3A_234 : memref<128xi32, #tpu.memory_space<hbm>>) dst(%dma_wait3A_233 : memref<128xi32, #tpu.memory_space<vmem>>)
      tpu.yield
    }) : () -> ()
    %add3A_135 = arith.constant 128 : i32
    %add3A_136 = arith.addi %multiple_of3A, %add3A_135 : i32
    %multiple_of3A_137 = tpu.assume_multiple %add3A_136, 8 : i32
    %run_scoped3A_138 = arith.constant 0 : i32
    "tpu.region"() ({
      %run_scoped3A_218 = tpu.sem_alloc : memref<!tpu.dma_semaphore, #tpu.memory_space<semaphore_mem>>
      %dma_start3A_219 = arith.constant 0 : i32
      %dma_start3A_220 = tpu.memref_slice %arg8[%run_scoped3A_138, %dma_start3A_219] : memref<1x128xi32, #tpu.memory_space<vmem>> -> memref<1x128xi32, #tpu.memory_space<vmem>>
      %dma_start3A_221 = tpu.memref_squeeze %dma_start3A_220 : memref<1x128xi32, #tpu.memory_space<vmem>> -> memref<128xi32, #tpu.memory_space<vmem>>
      %dma_start3A_222 = tpu.memref_slice %arg2[%multiple_of3A_137] : memref<160000xi32, #tpu.memory_space<hbm>> -> memref<128xi32, #tpu.memory_space<hbm>>
      %dma_start3A_223 = arith.constant 0 : i32
      %dma_start3A_224 = tpu.memref_slice %arg8[%run_scoped3A_138, %dma_start3A_223] : memref<1x128xi32, #tpu.memory_space<vmem>> -> memref<1x128xi32, #tpu.memory_space<vmem>>
      %dma_start3A_225 = tpu.memref_squeeze %dma_start3A_224 : memref<1x128xi32, #tpu.memory_space<vmem>> -> memref<128xi32, #tpu.memory_space<vmem>>
      %dma_start3A_226 = tpu.memref_slice %arg2[%multiple_of3A_137] : memref<160000xi32, #tpu.memory_space<hbm>> -> memref<128xi32, #tpu.memory_space<hbm>>
      tpu.enqueue_dma source(%dma_start3A_226 : memref<128xi32, #tpu.memory_space<hbm>>) target(%dma_start3A_225 : memref<128xi32, #tpu.memory_space<vmem>>) target_semaphore(%run_scoped3A_218 : memref<!tpu.dma_semaphore, #tpu.memory_space<semaphore_mem>>)
      %dma_wait3A_227 = arith.constant 0 : i32
      %dma_wait3A_228 = tpu.memref_slice %arg8[%run_scoped3A_138, %dma_wait3A_227] : memref<1x128xi32, #tpu.memory_space<vmem>> -> memref<1x128xi32, #tpu.memory_space<vmem>>
      %dma_wait3A_229 = tpu.memref_squeeze %dma_wait3A_228 : memref<1x128xi32, #tpu.memory_space<vmem>> -> memref<128xi32, #tpu.memory_space<vmem>>
      %dma_wait3A_230 = tpu.memref_slice %arg2[%multiple_of3A_137] : memref<160000xi32, #tpu.memory_space<hbm>> -> memref<128xi32, #tpu.memory_space<hbm>>
      %dma_wait3A_231 = arith.constant 0 : i32
      %dma_wait3A_232 = tpu.memref_slice %arg8[%run_scoped3A_138, %dma_wait3A_231] : memref<1x128xi32, #tpu.memory_space<vmem>> -> memref<1x128xi32, #tpu.memory_space<vmem>>
      %dma_wait3A_233 = tpu.memref_squeeze %dma_wait3A_232 : memref<1x128xi32, #tpu.memory_space<vmem>> -> memref<128xi32, #tpu.memory_space<vmem>>
      %dma_wait3A_234 = tpu.memref_slice %arg2[%multiple_of3A_137] : memref<160000xi32, #tpu.memory_space<hbm>> -> memref<128xi32, #tpu.memory_space<hbm>>
      tpu.wait_dma2 semaphore(%run_scoped3A_218 : memref<!tpu.dma_semaphore, #tpu.memory_space<semaphore_mem>>) src(%dma_wait3A_234 : memref<128xi32, #tpu.memory_space<hbm>>) dst(%dma_wait3A_233 : memref<128xi32, #tpu.memory_space<vmem>>)
      tpu.yield
    }) : () -> ()
    %run_scoped3A_139 = arith.constant 0 : i32
    "tpu.region"() ({
      %run_scoped3A_218 = tpu.sem_alloc : memref<!tpu.dma_semaphore, #tpu.memory_space<semaphore_mem>>
      %dma_start3A_219 = arith.constant 0 : i32
      %dma_start3A_220 = tpu.memref_slice %arg9[%run_scoped3A_139, %dma_start3A_219] : memref<1x128xi32, #tpu.memory_space<vmem>> -> memref<1x128xi32, #tpu.memory_space<vmem>>
      %dma_start3A_221 = tpu.memref_squeeze %dma_start3A_220 : memref<1x128xi32, #tpu.memory_space<vmem>> -> memref<128xi32, #tpu.memory_space<vmem>>
      %dma_start3A_222 = tpu.memref_slice %arg3[%multiple_of3A_137] : memref<160000xi32, #tpu.memory_space<hbm>> -> memref<128xi32, #tpu.memory_space<hbm>>
      %dma_start3A_223 = arith.constant 0 : i32
      %dma_start3A_224 = tpu.memref_slice %arg9[%run_scoped3A_139, %dma_start3A_223] : memref<1x128xi32, #tpu.memory_space<vmem>> -> memref<1x128xi32, #tpu.memory_space<vmem>>
      %dma_start3A_225 = tpu.memref_squeeze %dma_start3A_224 : memref<1x128xi32, #tpu.memory_space<vmem>> -> memref<128xi32, #tpu.memory_space<vmem>>
      %dma_start3A_226 = tpu.memref_slice %arg3[%multiple_of3A_137] : memref<160000xi32, #tpu.memory_space<hbm>> -> memref<128xi32, #tpu.memory_space<hbm>>
      tpu.enqueue_dma source(%dma_start3A_226 : memref<128xi32, #tpu.memory_space<hbm>>) target(%dma_start3A_225 : memref<128xi32, #tpu.memory_space<vmem>>) target_semaphore(%run_scoped3A_218 : memref<!tpu.dma_semaphore, #tpu.memory_space<semaphore_mem>>)
      %dma_wait3A_227 = arith.constant 0 : i32
      %dma_wait3A_228 = tpu.memref_slice %arg9[%run_scoped3A_139, %dma_wait3A_227] : memref<1x128xi32, #tpu.memory_space<vmem>> -> memref<1x128xi32, #tpu.memory_space<vmem>>
      %dma_wait3A_229 = tpu.memref_squeeze %dma_wait3A_228 : memref<1x128xi32, #tpu.memory_space<vmem>> -> memref<128xi32, #tpu.memory_space<vmem>>
      %dma_wait3A_230 = tpu.memref_slice %arg3[%multiple_of3A_137] : memref<160000xi32, #tpu.memory_space<hbm>> -> memref<128xi32, #tpu.memory_space<hbm>>
      %dma_wait3A_231 = arith.constant 0 : i32
      %dma_wait3A_232 = tpu.memref_slice %arg9[%run_scoped3A_139, %dma_wait3A_231] : memref<1x128xi32, #tpu.memory_space<vmem>> -> memref<1x128xi32, #tpu.memory_space<vmem>>
      %dma_wait3A_233 = tpu.memref_squeeze %dma_wait3A_232 : memref<1x128xi32, #tpu.memory_space<vmem>> -> memref<128xi32, #tpu.memory_space<vmem>>
      %dma_wait3A_234 = tpu.memref_slice %arg3[%multiple_of3A_137] : memref<160000xi32, #tpu.memory_space<hbm>> -> memref<128xi32, #tpu.memory_space<hbm>>
      tpu.wait_dma2 semaphore(%run_scoped3A_218 : memref<!tpu.dma_semaphore, #tpu.memory_space<semaphore_mem>>) src(%dma_wait3A_234 : memref<128xi32, #tpu.memory_space<hbm>>) dst(%dma_wait3A_233 : memref<128xi32, #tpu.memory_space<vmem>>)
      tpu.yield
    }) : () -> ()
    %dma_start3A_140 = arith.constant 0 : i32
    %dma_start3A_141 = arith.constant 0 : i32
    %dma_start3A_142 = tpu.memref_slice %arg6[%dma_start3A_140, %dma_start3A_141] : memref<1x128xi32, #tpu.memory_space<vmem>> -> memref<1x128xi32, #tpu.memory_space<vmem>>
    %dma_start3A_143 = tpu.memref_squeeze %dma_start3A_142 : memref<1x128xi32, #tpu.memory_space<vmem>> -> memref<128xi32, #tpu.memory_space<vmem>>
    %dma_start3A_144 = arith.constant 0 : i32
    %dma_start3A_145 = arith.constant 0 : i32
    %dma_start3A_146 = tpu.memref_slice %arg4[%add3A_113, %dma_start3A_144, %dma_start3A_145] : memref<4x10000x128xf32, #tpu.memory_space<hbm>> -> memref<1x10000x128xf32, #tpu.memory_space<hbm>>
    %dma_start3A_147 = tpu.memref_squeeze %dma_start3A_146 : memref<1x10000x128xf32, #tpu.memory_space<hbm>> -> memref<10000x128xf32, #tpu.memory_space<hbm>>
    %dma_start3A_148 = arith.constant 0 : i32
    %dma_start3A_149 = arith.constant 0 : i32
    %dma_start3A_150 = tpu.memref_slice %dma_start3A_147[%dma_start3A_148, %dma_start3A_149] : memref<10000x128xf32, #tpu.memory_space<hbm>> -> memref<10000x128xf32, #tpu.memory_space<hbm>>
    tpu.enqueue_indirect_dma source(%dma_start3A_150 : memref<10000x128xf32, #tpu.memory_space<hbm>>) target(%arg10 : memref<128x128xf32, #tpu.memory_space<vmem>>) offsets(%dma_start3A_143 : memref<128xi32, #tpu.memory_space<vmem>>) semaphore(%arg14 : memref<!tpu.dma_semaphore, #tpu.memory_space<semaphore_mem>>)
    %scan3A_151 = arith.constant 0 : i32
    %scan3A_152 = arith.constant 0 : i32
    %scan3A_153 = arith.constant 39 : i32
    %scan3A_154 = arith.addi %scan3A_152, %scan3A_153 : i32
    %scan3A_155 = arith.constant 1 : i32
    %scan3A_156 = scf.for %scan3A_218 = %scan3A_152 to %scan3A_154 step %scan3A_155 iter_args(%scan3A_219 = %scan3A_151) -> (i32)  : i32 {
      %mul3A_220 = arith.constant 2 : i32
      %mul3A_221 = arith.muli %scan3A_218, %mul3A_220 : i32
      %add3A_222 = arith.constant 0 : i32
      %add3A_223 = arith.addi %mul3A_221, %add3A_222 : i32
      %dma_wait3A_224 = arith.constant 0 : i32
      %dma_wait3A_225 = arith.constant 0 : i32
      %dma_wait3A_226 = tpu.memref_slice %arg6[%dma_wait3A_224, %dma_wait3A_225] : memref<1x128xi32, #tpu.memory_space<vmem>> -> memref<1x128xi32, #tpu.memory_space<vmem>>
      %dma_wait3A_227 = tpu.memref_squeeze %dma_wait3A_226 : memref<1x128xi32, #tpu.memory_space<vmem>> -> memref<128xi32, #tpu.memory_space<vmem>>
      %dma_wait3A_228 = arith.constant 0 : i32
      %dma_wait3A_229 = arith.constant 0 : i32
      %dma_wait3A_230 = tpu.memref_slice %arg4[%add3A_113, %dma_wait3A_228, %dma_wait3A_229] : memref<4x10000x128xf32, #tpu.memory_space<hbm>> -> memref<1x10000x128xf32, #tpu.memory_space<hbm>>
      %dma_wait3A_231 = tpu.memref_squeeze %dma_wait3A_230 : memref<1x10000x128xf32, #tpu.memory_space<hbm>> -> memref<10000x128xf32, #tpu.memory_space<hbm>>
      %dma_wait3A_232 = arith.constant 0 : i32
      %dma_wait3A_233 = arith.constant 0 : i32
      %dma_wait3A_234 = tpu.memref_slice %dma_wait3A_231[%dma_wait3A_232, %dma_wait3A_233] : memref<10000x128xf32, #tpu.memory_space<hbm>> -> memref<10000x128xf32, #tpu.memory_space<hbm>>
      tpu.wait_indirect_dma semaphore(%arg14 : memref<!tpu.dma_semaphore, #tpu.memory_space<semaphore_mem>>) src(%dma_wait3A_234 : memref<10000x128xf32, #tpu.memory_space<hbm>>) dst(%arg10 : memref<128x128xf32, #tpu.memory_space<vmem>>)
      %add3A_235 = arith.constant 1 : i32
      %add3A_236 = arith.addi %add3A_223, %add3A_235 : i32
      %lt3A = arith.constant 78 : i32
      %lt3A_237 = arith.cmpi slt, %add3A_236, %lt3A : i32
      %convert_element_type3A_238 = arith.extui %lt3A_237 : i1 to i32
      %cond3A_239 = arith.constant 0 : i32
      %cond3A_240 = arith.cmpi ne, %convert_element_type3A_238, %cond3A_239 : i32
      scf.if %cond3A_240 {
        %dma_start3A_280 = arith.constant 0 : i32
        %dma_start3A_281 = arith.constant 0 : i32
        %dma_start3A_282 = tpu.memref_slice %arg8[%dma_start3A_280, %dma_start3A_281] : memref<1x128xi32, #tpu.memory_space<vmem>> -> memref<1x128xi32, #tpu.memory_space<vmem>>
        %dma_start3A_283 = tpu.memref_squeeze %dma_start3A_282 : memref<1x128xi32, #tpu.memory_space<vmem>> -> memref<128xi32, #tpu.memory_space<vmem>>
        %dma_start3A_284 = arith.constant 0 : i32
        %dma_start3A_285 = arith.constant 0 : i32
        %dma_start3A_286 = tpu.memref_slice %arg4[%add3A_113, %dma_start3A_284, %dma_start3A_285] : memref<4x10000x128xf32, #tpu.memory_space<hbm>> -> memref<1x10000x128xf32, #tpu.memory_space<hbm>>
        %dma_start3A_287 = tpu.memref_squeeze %dma_start3A_286 : memref<1x10000x128xf32, #tpu.memory_space<hbm>> -> memref<10000x128xf32, #tpu.memory_space<hbm>>
        %dma_start3A_288 = arith.constant 0 : i32
        %dma_start3A_289 = arith.constant 0 : i32
        %dma_start3A_290 = tpu.memref_slice %dma_start3A_287[%dma_start3A_288, %dma_start3A_289] : memref<10000x128xf32, #tpu.memory_space<hbm>> -> memref<10000x128xf32, #tpu.memory_space<hbm>>
        tpu.enqueue_indirect_dma source(%dma_start3A_290 : memref<10000x128xf32, #tpu.memory_space<hbm>>) target(%arg11 : memref<128x128xf32, #tpu.memory_space<vmem>>) offsets(%dma_start3A_283 : memref<128xi32, #tpu.memory_space<vmem>>) semaphore(%arg15 : memref<!tpu.dma_semaphore, #tpu.memory_space<semaphore_mem>>)
      } else {
      }
      %run_scoped3A_241 = arith.constant 0 : i32
      "tpu.region"() ({
        %run_scoped3A_280 = tpu.sem_alloc : memref<!tpu.dma_semaphore, #tpu.memory_space<semaphore_mem>>
        %dma_start3A_281 = arith.constant 0 : i32
        %dma_start3A_282 = tpu.memref_slice %arg7[%run_scoped3A_241, %dma_start3A_281] : memref<1x128xi32, #tpu.memory_space<vmem>> -> memref<1x128xi32, #tpu.memory_space<vmem>>
        %dma_start3A_283 = tpu.memref_squeeze %dma_start3A_282 : memref<1x128xi32, #tpu.memory_space<vmem>> -> memref<128xi32, #tpu.memory_space<vmem>>
        %dma_start3A_284 = arith.constant 0 : i32
        %dma_start3A_285 = arith.constant 0 : i32
        %dma_start3A_286 = tpu.memref_slice %arg13[%dma_start3A_284, %dma_start3A_285] : memref<10000x128xf32, #tpu.memory_space<vmem_shared>> -> memref<10000x128xf32, #tpu.memory_space<vmem_shared>>
        tpu.enqueue_indirect_dma source(%arg10 : memref<128x128xf32, #tpu.memory_space<vmem>>) target(%dma_start3A_286 : memref<10000x128xf32, #tpu.memory_space<vmem_shared>>) offsets(%dma_start3A_283 : memref<128xi32, #tpu.memory_space<vmem>>) semaphore(%run_scoped3A_280 : memref<!tpu.dma_semaphore, #tpu.memory_space<semaphore_mem>>) {add = true}
        %dma_wait3A_287 = arith.constant 0 : i32
        %dma_wait3A_288 = tpu.memref_slice %arg7[%run_scoped3A_241, %dma_wait3A_287] : memref<1x128xi32, #tpu.memory_space<vmem>> -> memref<1x128xi32, #tpu.memory_space<vmem>>
        %dma_wait3A_289 = tpu.memref_squeeze %dma_wait3A_288 : memref<1x128xi32, #tpu.memory_space<vmem>> -> memref<128xi32, #tpu.memory_space<vmem>>
        %dma_wait3A_290 = arith.constant 0 : i32
        %dma_wait3A_291 = arith.constant 0 : i32
        %dma_wait3A_292 = tpu.memref_slice %arg13[%dma_wait3A_290, %dma_wait3A_291] : memref<10000x128xf32, #tpu.memory_space<vmem_shared>> -> memref<10000x128xf32, #tpu.memory_space<vmem_shared>>
        tpu.wait_indirect_dma semaphore(%run_scoped3A_280 : memref<!tpu.dma_semaphore, #tpu.memory_space<semaphore_mem>>) src(%arg10 : memref<128x128xf32, #tpu.memory_space<vmem>>) dst(%dma_wait3A_292 : memref<10000x128xf32, #tpu.memory_space<vmem_shared>>)
        tpu.yield
      }) : () -> ()
      %add3A_242 = arith.constant 2 : i32
      %add3A_243 = arith.addi %add3A_223, %add3A_242 : i32
      %lt3A_244 = arith.constant 78 : i32
      %lt3A_245 = arith.cmpi slt, %add3A_243, %lt3A_244 : i32
      %convert_element_type3A_246 = arith.extui %lt3A_245 : i1 to i32
      %cond3A_247 = arith.constant 0 : i32
      %cond3A_248 = arith.cmpi ne, %convert_element_type3A_246, %cond3A_247 : i32
      scf.if %cond3A_248 {
        %add3A_280 = arith.constant 2 : i32
        %add3A_281 = arith.addi %add3A_223, %add3A_280 : i32
        %mul3A_282 = arith.constant 128 : i32
        %mul3A_283 = arith.muli %add3A_281, %mul3A_282 : i32
        %add3A_284 = arith.addi %multiple_of3A, %mul3A_283 : i32
        %multiple_of3A_285 = tpu.assume_multiple %add3A_284, 8 : i32
        %run_scoped3A_286 = arith.constant 0 : i32
        "tpu.region"() ({
          %run_scoped3A_288 = tpu.sem_alloc : memref<!tpu.dma_semaphore, #tpu.memory_space<semaphore_mem>>
          %dma_start3A_289 = arith.constant 0 : i32
          %dma_start3A_290 = tpu.memref_slice %arg6[%run_scoped3A_286, %dma_start3A_289] : memref<1x128xi32, #tpu.memory_space<vmem>> -> memref<1x128xi32, #tpu.memory_space<vmem>>
          %dma_start3A_291 = tpu.memref_squeeze %dma_start3A_290 : memref<1x128xi32, #tpu.memory_space<vmem>> -> memref<128xi32, #tpu.memory_space<vmem>>
          %dma_start3A_292 = tpu.memref_slice %arg2[%multiple_of3A_285] : memref<160000xi32, #tpu.memory_space<hbm>> -> memref<128xi32, #tpu.memory_space<hbm>>
          %dma_start3A_293 = arith.constant 0 : i32
          %dma_start3A_294 = tpu.memref_slice %arg6[%run_scoped3A_286, %dma_start3A_293] : memref<1x128xi32, #tpu.memory_space<vmem>> -> memref<1x128xi32, #tpu.memory_space<vmem>>
          %dma_start3A_295 = tpu.memref_squeeze %dma_start3A_294 : memref<1x128xi32, #tpu.memory_space<vmem>> -> memref<128xi32, #tpu.memory_space<vmem>>
          %dma_start3A_296 = tpu.memref_slice %arg2[%multiple_of3A_285] : memref<160000xi32, #tpu.memory_space<hbm>> -> memref<128xi32, #tpu.memory_space<hbm>>
          tpu.enqueue_dma source(%dma_start3A_296 : memref<128xi32, #tpu.memory_space<hbm>>) target(%dma_start3A_295 : memref<128xi32, #tpu.memory_space<vmem>>) target_semaphore(%run_scoped3A_288 : memref<!tpu.dma_semaphore, #tpu.memory_space<semaphore_mem>>)
          %dma_wait3A_297 = arith.constant 0 : i32
          %dma_wait3A_298 = tpu.memref_slice %arg6[%run_scoped3A_286, %dma_wait3A_297] : memref<1x128xi32, #tpu.memory_space<vmem>> -> memref<1x128xi32, #tpu.memory_space<vmem>>
          %dma_wait3A_299 = tpu.memref_squeeze %dma_wait3A_298 : memref<1x128xi32, #tpu.memory_space<vmem>> -> memref<128xi32, #tpu.memory_space<vmem>>
          %dma_wait3A_300 = tpu.memref_slice %arg2[%multiple_of3A_285] : memref<160000xi32, #tpu.memory_space<hbm>> -> memref<128xi32, #tpu.memory_space<hbm>>
          %dma_wait3A_301 = arith.constant 0 : i32
          %dma_wait3A_302 = tpu.memref_slice %arg6[%run_scoped3A_286, %dma_wait3A_301] : memref<1x128xi32, #tpu.memory_space<vmem>> -> memref<1x128xi32, #tpu.memory_space<vmem>>
          %dma_wait3A_303 = tpu.memref_squeeze %dma_wait3A_302 : memref<1x128xi32, #tpu.memory_space<vmem>> -> memref<128xi32, #tpu.memory_space<vmem>>
          %dma_wait3A_304 = tpu.memref_slice %arg2[%multiple_of3A_285] : memref<160000xi32, #tpu.memory_space<hbm>> -> memref<128xi32, #tpu.memory_space<hbm>>
          tpu.wait_dma2 semaphore(%run_scoped3A_288 : memref<!tpu.dma_semaphore, #tpu.memory_space<semaphore_mem>>) src(%dma_wait3A_304 : memref<128xi32, #tpu.memory_space<hbm>>) dst(%dma_wait3A_303 : memref<128xi32, #tpu.memory_space<vmem>>)
          tpu.yield
        }) : () -> ()
        %run_scoped3A_287 = arith.constant 0 : i32
        "tpu.region"() ({
          %run_scoped3A_288 = tpu.sem_alloc : memref<!tpu.dma_semaphore, #tpu.memory_space<semaphore_mem>>
          %dma_start3A_289 = arith.constant 0 : i32
          %dma_start3A_290 = tpu.memref_slice %arg7[%run_scoped3A_287, %dma_start3A_289] : memref<1x128xi32, #tpu.memory_space<vmem>> -> memref<1x128xi32, #tpu.memory_space<vmem>>
          %dma_start3A_291 = tpu.memref_squeeze %dma_start3A_290 : memref<1x128xi32, #tpu.memory_space<vmem>> -> memref<128xi32, #tpu.memory_space<vmem>>
          %dma_start3A_292 = tpu.memref_slice %arg3[%multiple_of3A_285] : memref<160000xi32, #tpu.memory_space<hbm>> -> memref<128xi32, #tpu.memory_space<hbm>>
          %dma_start3A_293 = arith.constant 0 : i32
          %dma_start3A_294 = tpu.memref_slice %arg7[%run_scoped3A_287, %dma_start3A_293] : memref<1x128xi32, #tpu.memory_space<vmem>> -> memref<1x128xi32, #tpu.memory_space<vmem>>
          %dma_start3A_295 = tpu.memref_squeeze %dma_start3A_294 : memref<1x128xi32, #tpu.memory_space<vmem>> -> memref<128xi32, #tpu.memory_space<vmem>>
          %dma_start3A_296 = tpu.memref_slice %arg3[%multiple_of3A_285] : memref<160000xi32, #tpu.memory_space<hbm>> -> memref<128xi32, #tpu.memory_space<hbm>>
          tpu.enqueue_dma source(%dma_start3A_296 : memref<128xi32, #tpu.memory_space<hbm>>) target(%dma_start3A_295 : memref<128xi32, #tpu.memory_space<vmem>>) target_semaphore(%run_scoped3A_288 : memref<!tpu.dma_semaphore, #tpu.memory_space<semaphore_mem>>)
          %dma_wait3A_297 = arith.constant 0 : i32
          %dma_wait3A_298 = tpu.memref_slice %arg7[%run_scoped3A_287, %dma_wait3A_297] : memref<1x128xi32, #tpu.memory_space<vmem>> -> memref<1x128xi32, #tpu.memory_space<vmem>>
          %dma_wait3A_299 = tpu.memref_squeeze %dma_wait3A_298 : memref<1x128xi32, #tpu.memory_space<vmem>> -> memref<128xi32, #tpu.memory_space<vmem>>
          %dma_wait3A_300 = tpu.memref_slice %arg3[%multiple_of3A_285] : memref<160000xi32, #tpu.memory_space<hbm>> -> memref<128xi32, #tpu.memory_space<hbm>>
          %dma_wait3A_301 = arith.constant 0 : i32
          %dma_wait3A_302 = tpu.memref_slice %arg7[%run_scoped3A_287, %dma_wait3A_301] : memref<1x128xi32, #tpu.memory_space<vmem>> -> memref<1x128xi32, #tpu.memory_space<vmem>>
          %dma_wait3A_303 = tpu.memref_squeeze %dma_wait3A_302 : memref<1x128xi32, #tpu.memory_space<vmem>> -> memref<128xi32, #tpu.memory_space<vmem>>
          %dma_wait3A_304 = tpu.memref_slice %arg3[%multiple_of3A_285] : memref<160000xi32, #tpu.memory_space<hbm>> -> memref<128xi32, #tpu.memory_space<hbm>>
          tpu.wait_dma2 semaphore(%run_scoped3A_288 : memref<!tpu.dma_semaphore, #tpu.memory_space<semaphore_mem>>) src(%dma_wait3A_304 : memref<128xi32, #tpu.memory_space<hbm>>) dst(%dma_wait3A_303 : memref<128xi32, #tpu.memory_space<vmem>>)
          tpu.yield
        }) : () -> ()
      } else {
      }
      %mul3A_249 = arith.constant 2 : i32
      %mul3A_250 = arith.muli %scan3A_218, %mul3A_249 : i32
      %add3A_251 = arith.constant 1 : i32
      %add3A_252 = arith.addi %mul3A_250, %add3A_251 : i32
      %dma_wait3A_253 = arith.constant 0 : i32
      %dma_wait3A_254 = arith.constant 0 : i32
      %dma_wait3A_255 = tpu.memref_slice %arg8[%dma_wait3A_253, %dma_wait3A_254] : memref<1x128xi32, #tpu.memory_space<vmem>> -> memref<1x128xi32, #tpu.memory_space<vmem>>
      %dma_wait3A_256 = tpu.memref_squeeze %dma_wait3A_255 : memref<1x128xi32, #tpu.memory_space<vmem>> -> memref<128xi32, #tpu.memory_space<vmem>>
      %dma_wait3A_257 = arith.constant 0 : i32
      %dma_wait3A_258 = arith.constant 0 : i32
      %dma_wait3A_259 = tpu.memref_slice %arg4[%add3A_113, %dma_wait3A_257, %dma_wait3A_258] : memref<4x10000x128xf32, #tpu.memory_space<hbm>> -> memref<1x10000x128xf32, #tpu.memory_space<hbm>>
      %dma_wait3A_260 = tpu.memref_squeeze %dma_wait3A_259 : memref<1x10000x128xf32, #tpu.memory_space<hbm>> -> memref<10000x128xf32, #tpu.memory_space<hbm>>
      %dma_wait3A_261 = arith.constant 0 : i32
      %dma_wait3A_262 = arith.constant 0 : i32
      %dma_wait3A_263 = tpu.memref_slice %dma_wait3A_260[%dma_wait3A_261, %dma_wait3A_262] : memref<10000x128xf32, #tpu.memory_space<hbm>> -> memref<10000x128xf32, #tpu.memory_space<hbm>>
      tpu.wait_indirect_dma semaphore(%arg15 : memref<!tpu.dma_semaphore, #tpu.memory_space<semaphore_mem>>) src(%dma_wait3A_263 : memref<10000x128xf32, #tpu.memory_space<hbm>>) dst(%arg11 : memref<128x128xf32, #tpu.memory_space<vmem>>)
      %add3A_264 = arith.constant 1 : i32
      %add3A_265 = arith.addi %add3A_252, %add3A_264 : i32
      %lt3A_266 = arith.constant 78 : i32
      %lt3A_267 = arith.cmpi slt, %add3A_265, %lt3A_266 : i32
      %convert_element_type3A_268 = arith.extui %lt3A_267 : i1 to i32
      %cond3A_269 = arith.constant 0 : i32
      %cond3A_270 = arith.cmpi ne, %convert_element_type3A_268, %cond3A_269 : i32
      scf.if %cond3A_270 {
        %dma_start3A_280 = arith.constant 0 : i32
        %dma_start3A_281 = arith.constant 0 : i32
        %dma_start3A_282 = tpu.memref_slice %arg6[%dma_start3A_280, %dma_start3A_281] : memref<1x128xi32, #tpu.memory_space<vmem>> -> memref<1x128xi32, #tpu.memory_space<vmem>>
        %dma_start3A_283 = tpu.memref_squeeze %dma_start3A_282 : memref<1x128xi32, #tpu.memory_space<vmem>> -> memref<128xi32, #tpu.memory_space<vmem>>
        %dma_start3A_284 = arith.constant 0 : i32
        %dma_start3A_285 = arith.constant 0 : i32
        %dma_start3A_286 = tpu.memref_slice %arg4[%add3A_113, %dma_start3A_284, %dma_start3A_285] : memref<4x10000x128xf32, #tpu.memory_space<hbm>> -> memref<1x10000x128xf32, #tpu.memory_space<hbm>>
        %dma_start3A_287 = tpu.memref_squeeze %dma_start3A_286 : memref<1x10000x128xf32, #tpu.memory_space<hbm>> -> memref<10000x128xf32, #tpu.memory_space<hbm>>
        %dma_start3A_288 = arith.constant 0 : i32
        %dma_start3A_289 = arith.constant 0 : i32
        %dma_start3A_290 = tpu.memref_slice %dma_start3A_287[%dma_start3A_288, %dma_start3A_289] : memref<10000x128xf32, #tpu.memory_space<hbm>> -> memref<10000x128xf32, #tpu.memory_space<hbm>>
        tpu.enqueue_indirect_dma source(%dma_start3A_290 : memref<10000x128xf32, #tpu.memory_space<hbm>>) target(%arg10 : memref<128x128xf32, #tpu.memory_space<vmem>>) offsets(%dma_start3A_283 : memref<128xi32, #tpu.memory_space<vmem>>) semaphore(%arg14 : memref<!tpu.dma_semaphore, #tpu.memory_space<semaphore_mem>>)
      } else {
      }
      %run_scoped3A_271 = arith.constant 0 : i32
      "tpu.region"() ({
        %run_scoped3A_280 = tpu.sem_alloc : memref<!tpu.dma_semaphore, #tpu.memory_space<semaphore_mem>>
        %dma_start3A_281 = arith.constant 0 : i32
        %dma_start3A_282 = tpu.memref_slice %arg9[%run_scoped3A_271, %dma_start3A_281] : memref<1x128xi32, #tpu.memory_space<vmem>> -> memref<1x128xi32, #tpu.memory_space<vmem>>
        %dma_start3A_283 = tpu.memref_squeeze %dma_start3A_282 : memref<1x128xi32, #tpu.memory_space<vmem>> -> memref<128xi32, #tpu.memory_space<vmem>>
        %dma_start3A_284 = arith.constant 0 : i32
        %dma_start3A_285 = arith.constant 0 : i32
        %dma_start3A_286 = tpu.memref_slice %arg13[%dma_start3A_284, %dma_start3A_285] : memref<10000x128xf32, #tpu.memory_space<vmem_shared>> -> memref<10000x128xf32, #tpu.memory_space<vmem_shared>>
        tpu.enqueue_indirect_dma source(%arg11 : memref<128x128xf32, #tpu.memory_space<vmem>>) target(%dma_start3A_286 : memref<10000x128xf32, #tpu.memory_space<vmem_shared>>) offsets(%dma_start3A_283 : memref<128xi32, #tpu.memory_space<vmem>>) semaphore(%run_scoped3A_280 : memref<!tpu.dma_semaphore, #tpu.memory_space<semaphore_mem>>) {add = true}
        %dma_wait3A_287 = arith.constant 0 : i32
        %dma_wait3A_288 = tpu.memref_slice %arg9[%run_scoped3A_271, %dma_wait3A_287] : memref<1x128xi32, #tpu.memory_space<vmem>> -> memref<1x128xi32, #tpu.memory_space<vmem>>
        %dma_wait3A_289 = tpu.memref_squeeze %dma_wait3A_288 : memref<1x128xi32, #tpu.memory_space<vmem>> -> memref<128xi32, #tpu.memory_space<vmem>>
        %dma_wait3A_290 = arith.constant 0 : i32
        %dma_wait3A_291 = arith.constant 0 : i32
        %dma_wait3A_292 = tpu.memref_slice %arg13[%dma_wait3A_290, %dma_wait3A_291] : memref<10000x128xf32, #tpu.memory_space<vmem_shared>> -> memref<10000x128xf32, #tpu.memory_space<vmem_shared>>
        tpu.wait_indirect_dma semaphore(%run_scoped3A_280 : memref<!tpu.dma_semaphore, #tpu.memory_space<semaphore_mem>>) src(%arg11 : memref<128x128xf32, #tpu.memory_space<vmem>>) dst(%dma_wait3A_292 : memref<10000x128xf32, #tpu.memory_space<vmem_shared>>)
        tpu.yield
      }) : () -> ()
      %add3A_272 = arith.constant 2 : i32
      %add3A_273 = arith.addi %add3A_252, %add3A_272 : i32
      %lt3A_274 = arith.constant 78 : i32
      %lt3A_275 = arith.cmpi slt, %add3A_273, %lt3A_274 : i32
      %convert_element_type3A_276 = arith.extui %lt3A_275 : i1 to i32
      %cond3A_277 = arith.constant 0 : i32
      %cond3A_278 = arith.cmpi ne, %convert_element_type3A_276, %cond3A_277 : i32
      scf.if %cond3A_278 {
        %add3A_280 = arith.constant 2 : i32
        %add3A_281 = arith.addi %add3A_252, %add3A_280 : i32
        %mul3A_282 = arith.constant 128 : i32
        %mul3A_283 = arith.muli %add3A_281, %mul3A_282 : i32
        %add3A_284 = arith.addi %multiple_of3A, %mul3A_283 : i32
        %multiple_of3A_285 = tpu.assume_multiple %add3A_284, 8 : i32
        %run_scoped3A_286 = arith.constant 0 : i32
        "tpu.region"() ({
          %run_scoped3A_288 = tpu.sem_alloc : memref<!tpu.dma_semaphore, #tpu.memory_space<semaphore_mem>>
          %dma_start3A_289 = arith.constant 0 : i32
          %dma_start3A_290 = tpu.memref_slice %arg8[%run_scoped3A_286, %dma_start3A_289] : memref<1x128xi32, #tpu.memory_space<vmem>> -> memref<1x128xi32, #tpu.memory_space<vmem>>
          %dma_start3A_291 = tpu.memref_squeeze %dma_start3A_290 : memref<1x128xi32, #tpu.memory_space<vmem>> -> memref<128xi32, #tpu.memory_space<vmem>>
          %dma_start3A_292 = tpu.memref_slice %arg2[%multiple_of3A_285] : memref<160000xi32, #tpu.memory_space<hbm>> -> memref<128xi32, #tpu.memory_space<hbm>>
          %dma_start3A_293 = arith.constant 0 : i32
          %dma_start3A_294 = tpu.memref_slice %arg8[%run_scoped3A_286, %dma_start3A_293] : memref<1x128xi32, #tpu.memory_space<vmem>> -> memref<1x128xi32, #tpu.memory_space<vmem>>
          %dma_start3A_295 = tpu.memref_squeeze %dma_start3A_294 : memref<1x128xi32, #tpu.memory_space<vmem>> -> memref<128xi32, #tpu.memory_space<vmem>>
          %dma_start3A_296 = tpu.memref_slice %arg2[%multiple_of3A_285] : memref<160000xi32, #tpu.memory_space<hbm>> -> memref<128xi32, #tpu.memory_space<hbm>>
          tpu.enqueue_dma source(%dma_start3A_296 : memref<128xi32, #tpu.memory_space<hbm>>) target(%dma_start3A_295 : memref<128xi32, #tpu.memory_space<vmem>>) target_semaphore(%run_scoped3A_288 : memref<!tpu.dma_semaphore, #tpu.memory_space<semaphore_mem>>)
          %dma_wait3A_297 = arith.constant 0 : i32
          %dma_wait3A_298 = tpu.memref_slice %arg8[%run_scoped3A_286, %dma_wait3A_297] : memref<1x128xi32, #tpu.memory_space<vmem>> -> memref<1x128xi32, #tpu.memory_space<vmem>>
          %dma_wait3A_299 = tpu.memref_squeeze %dma_wait3A_298 : memref<1x128xi32, #tpu.memory_space<vmem>> -> memref<128xi32, #tpu.memory_space<vmem>>
          %dma_wait3A_300 = tpu.memref_slice %arg2[%multiple_of3A_285] : memref<160000xi32, #tpu.memory_space<hbm>> -> memref<128xi32, #tpu.memory_space<hbm>>
          %dma_wait3A_301 = arith.constant 0 : i32
          %dma_wait3A_302 = tpu.memref_slice %arg8[%run_scoped3A_286, %dma_wait3A_301] : memref<1x128xi32, #tpu.memory_space<vmem>> -> memref<1x128xi32, #tpu.memory_space<vmem>>
          %dma_wait3A_303 = tpu.memref_squeeze %dma_wait3A_302 : memref<1x128xi32, #tpu.memory_space<vmem>> -> memref<128xi32, #tpu.memory_space<vmem>>
          %dma_wait3A_304 = tpu.memref_slice %arg2[%multiple_of3A_285] : memref<160000xi32, #tpu.memory_space<hbm>> -> memref<128xi32, #tpu.memory_space<hbm>>
          tpu.wait_dma2 semaphore(%run_scoped3A_288 : memref<!tpu.dma_semaphore, #tpu.memory_space<semaphore_mem>>) src(%dma_wait3A_304 : memref<128xi32, #tpu.memory_space<hbm>>) dst(%dma_wait3A_303 : memref<128xi32, #tpu.memory_space<vmem>>)
          tpu.yield
        }) : () -> ()
        %run_scoped3A_287 = arith.constant 0 : i32
        "tpu.region"() ({
          %run_scoped3A_288 = tpu.sem_alloc : memref<!tpu.dma_semaphore, #tpu.memory_space<semaphore_mem>>
          %dma_start3A_289 = arith.constant 0 : i32
          %dma_start3A_290 = tpu.memref_slice %arg9[%run_scoped3A_287, %dma_start3A_289] : memref<1x128xi32, #tpu.memory_space<vmem>> -> memref<1x128xi32, #tpu.memory_space<vmem>>
          %dma_start3A_291 = tpu.memref_squeeze %dma_start3A_290 : memref<1x128xi32, #tpu.memory_space<vmem>> -> memref<128xi32, #tpu.memory_space<vmem>>
          %dma_start3A_292 = tpu.memref_slice %arg3[%multiple_of3A_285] : memref<160000xi32, #tpu.memory_space<hbm>> -> memref<128xi32, #tpu.memory_space<hbm>>
          %dma_start3A_293 = arith.constant 0 : i32
          %dma_start3A_294 = tpu.memref_slice %arg9[%run_scoped3A_287, %dma_start3A_293] : memref<1x128xi32, #tpu.memory_space<vmem>> -> memref<1x128xi32, #tpu.memory_space<vmem>>
          %dma_start3A_295 = tpu.memref_squeeze %dma_start3A_294 : memref<1x128xi32, #tpu.memory_space<vmem>> -> memref<128xi32, #tpu.memory_space<vmem>>
          %dma_start3A_296 = tpu.memref_slice %arg3[%multiple_of3A_285] : memref<160000xi32, #tpu.memory_space<hbm>> -> memref<128xi32, #tpu.memory_space<hbm>>
          tpu.enqueue_dma source(%dma_start3A_296 : memref<128xi32, #tpu.memory_space<hbm>>) target(%dma_start3A_295 : memref<128xi32, #tpu.memory_space<vmem>>) target_semaphore(%run_scoped3A_288 : memref<!tpu.dma_semaphore, #tpu.memory_space<semaphore_mem>>)
          %dma_wait3A_297 = arith.constant 0 : i32
          %dma_wait3A_298 = tpu.memref_slice %arg9[%run_scoped3A_287, %dma_wait3A_297] : memref<1x128xi32, #tpu.memory_space<vmem>> -> memref<1x128xi32, #tpu.memory_space<vmem>>
          %dma_wait3A_299 = tpu.memref_squeeze %dma_wait3A_298 : memref<1x128xi32, #tpu.memory_space<vmem>> -> memref<128xi32, #tpu.memory_space<vmem>>
          %dma_wait3A_300 = tpu.memref_slice %arg3[%multiple_of3A_285] : memref<160000xi32, #tpu.memory_space<hbm>> -> memref<128xi32, #tpu.memory_space<hbm>>
          %dma_wait3A_301 = arith.constant 0 : i32
          %dma_wait3A_302 = tpu.memref_slice %arg9[%run_scoped3A_287, %dma_wait3A_301] : memref<1x128xi32, #tpu.memory_space<vmem>> -> memref<1x128xi32, #tpu.memory_space<vmem>>
          %dma_wait3A_303 = tpu.memref_squeeze %dma_wait3A_302 : memref<1x128xi32, #tpu.memory_space<vmem>> -> memref<128xi32, #tpu.memory_space<vmem>>
          %dma_wait3A_304 = tpu.memref_slice %arg3[%multiple_of3A_285] : memref<160000xi32, #tpu.memory_space<hbm>> -> memref<128xi32, #tpu.memory_space<hbm>>
          tpu.wait_dma2 semaphore(%run_scoped3A_288 : memref<!tpu.dma_semaphore, #tpu.memory_space<semaphore_mem>>) src(%dma_wait3A_304 : memref<128xi32, #tpu.memory_space<hbm>>) dst(%dma_wait3A_303 : memref<128xi32, #tpu.memory_space<vmem>>)
          tpu.yield
        }) : () -> ()
      } else {
      }
      %scan3A_279 = arith.constant 0 : i32
      scf.yield %scan3A_279 : i32
    }
    %scan3A_157 = arith.constant 39 : i32
    %add3A_158 = arith.constant 9984 : i32
    %add3A_159 = arith.addi %multiple_of3A, %add3A_158 : i32
    %run_scoped3A_160 = arith.constant 0 : i32
    "tpu.region"() ({
      %run_scoped3A_218 = tpu.sem_alloc : memref<!tpu.dma_semaphore, #tpu.memory_space<semaphore_mem>>
      %dma_start3A_219 = arith.constant 0 : i32
      %dma_start3A_220 = tpu.memref_slice %arg6[%run_scoped3A_160, %dma_start3A_219] : memref<1x128xi32, #tpu.memory_space<vmem>> -> memref<1x16xi32, #tpu.memory_space<vmem>>
      %dma_start3A_221 = tpu.memref_squeeze %dma_start3A_220 : memref<1x16xi32, #tpu.memory_space<vmem>> -> memref<16xi32, #tpu.memory_space<vmem>>
      %dma_start3A_222 = tpu.memref_slice %arg2[%add3A_159] : memref<160000xi32, #tpu.memory_space<hbm>> -> memref<16xi32, #tpu.memory_space<hbm>>
      %dma_start3A_223 = arith.constant 0 : i32
      %dma_start3A_224 = tpu.memref_slice %arg6[%run_scoped3A_160, %dma_start3A_223] : memref<1x128xi32, #tpu.memory_space<vmem>> -> memref<1x16xi32, #tpu.memory_space<vmem>>
      %dma_start3A_225 = tpu.memref_squeeze %dma_start3A_224 : memref<1x16xi32, #tpu.memory_space<vmem>> -> memref<16xi32, #tpu.memory_space<vmem>>
      %dma_start3A_226 = tpu.memref_slice %arg2[%add3A_159] : memref<160000xi32, #tpu.memory_space<hbm>> -> memref<16xi32, #tpu.memory_space<hbm>>
      tpu.enqueue_dma source(%dma_start3A_226 : memref<16xi32, #tpu.memory_space<hbm>>) target(%dma_start3A_225 : memref<16xi32, #tpu.memory_space<vmem>>) target_semaphore(%run_scoped3A_218 : memref<!tpu.dma_semaphore, #tpu.memory_space<semaphore_mem>>)
      %dma_wait3A_227 = arith.constant 0 : i32
      %dma_wait3A_228 = tpu.memref_slice %arg6[%run_scoped3A_160, %dma_wait3A_227] : memref<1x128xi32, #tpu.memory_space<vmem>> -> memref<1x16xi32, #tpu.memory_space<vmem>>
      %dma_wait3A_229 = tpu.memref_squeeze %dma_wait3A_228 : memref<1x16xi32, #tpu.memory_space<vmem>> -> memref<16xi32, #tpu.memory_space<vmem>>
      %dma_wait3A_230 = tpu.memref_slice %arg2[%add3A_159] : memref<160000xi32, #tpu.memory_space<hbm>> -> memref<16xi32, #tpu.memory_space<hbm>>
      %dma_wait3A_231 = arith.constant 0 : i32
      %dma_wait3A_232 = tpu.memref_slice %arg6[%run_scoped3A_160, %dma_wait3A_231] : memref<1x128xi32, #tpu.memory_space<vmem>> -> memref<1x16xi32, #tpu.memory_space<vmem>>
      %dma_wait3A_233 = tpu.memref_squeeze %dma_wait3A_232 : memref<1x16xi32, #tpu.memory_space<vmem>> -> memref<16xi32, #tpu.memory_space<vmem>>
      %dma_wait3A_234 = tpu.memref_slice %arg2[%add3A_159] : memref<160000xi32, #tpu.memory_space<hbm>> -> memref<16xi32, #tpu.memory_space<hbm>>
      tpu.wait_dma2 semaphore(%run_scoped3A_218 : memref<!tpu.dma_semaphore, #tpu.memory_space<semaphore_mem>>) src(%dma_wait3A_234 : memref<16xi32, #tpu.memory_space<hbm>>) dst(%dma_wait3A_233 : memref<16xi32, #tpu.memory_space<vmem>>)
      tpu.yield
    }) : () -> ()
    %run_scoped3A_161 = arith.constant 0 : i32
    "tpu.region"() ({
      %run_scoped3A_218 = tpu.sem_alloc : memref<!tpu.dma_semaphore, #tpu.memory_space<semaphore_mem>>
      %dma_start3A_219 = arith.constant 0 : i32
      %dma_start3A_220 = tpu.memref_slice %arg7[%run_scoped3A_161, %dma_start3A_219] : memref<1x128xi32, #tpu.memory_space<vmem>> -> memref<1x16xi32, #tpu.memory_space<vmem>>
      %dma_start3A_221 = tpu.memref_squeeze %dma_start3A_220 : memref<1x16xi32, #tpu.memory_space<vmem>> -> memref<16xi32, #tpu.memory_space<vmem>>
      %dma_start3A_222 = tpu.memref_slice %arg3[%add3A_159] : memref<160000xi32, #tpu.memory_space<hbm>> -> memref<16xi32, #tpu.memory_space<hbm>>
      %dma_start3A_223 = arith.constant 0 : i32
      %dma_start3A_224 = tpu.memref_slice %arg7[%run_scoped3A_161, %dma_start3A_223] : memref<1x128xi32, #tpu.memory_space<vmem>> -> memref<1x16xi32, #tpu.memory_space<vmem>>
      %dma_start3A_225 = tpu.memref_squeeze %dma_start3A_224 : memref<1x16xi32, #tpu.memory_space<vmem>> -> memref<16xi32, #tpu.memory_space<vmem>>
      %dma_start3A_226 = tpu.memref_slice %arg3[%add3A_159] : memref<160000xi32, #tpu.memory_space<hbm>> -> memref<16xi32, #tpu.memory_space<hbm>>
      tpu.enqueue_dma source(%dma_start3A_226 : memref<16xi32, #tpu.memory_space<hbm>>) target(%dma_start3A_225 : memref<16xi32, #tpu.memory_space<vmem>>) target_semaphore(%run_scoped3A_218 : memref<!tpu.dma_semaphore, #tpu.memory_space<semaphore_mem>>)
      %dma_wait3A_227 = arith.constant 0 : i32
      %dma_wait3A_228 = tpu.memref_slice %arg7[%run_scoped3A_161, %dma_wait3A_227] : memref<1x128xi32, #tpu.memory_space<vmem>> -> memref<1x16xi32, #tpu.memory_space<vmem>>
      %dma_wait3A_229 = tpu.memref_squeeze %dma_wait3A_228 : memref<1x16xi32, #tpu.memory_space<vmem>> -> memref<16xi32, #tpu.memory_space<vmem>>
      %dma_wait3A_230 = tpu.memref_slice %arg3[%add3A_159] : memref<160000xi32, #tpu.memory_space<hbm>> -> memref<16xi32, #tpu.memory_space<hbm>>
      %dma_wait3A_231 = arith.constant 0 : i32
      %dma_wait3A_232 = tpu.memref_slice %arg7[%run_scoped3A_161, %dma_wait3A_231] : memref<1x128xi32, #tpu.memory_space<vmem>> -> memref<1x16xi32, #tpu.memory_space<vmem>>
      %dma_wait3A_233 = tpu.memref_squeeze %dma_wait3A_232 : memref<1x16xi32, #tpu.memory_space<vmem>> -> memref<16xi32, #tpu.memory_space<vmem>>
      %dma_wait3A_234 = tpu.memref_slice %arg3[%add3A_159] : memref<160000xi32, #tpu.memory_space<hbm>> -> memref<16xi32, #tpu.memory_space<hbm>>
      tpu.wait_dma2 semaphore(%run_scoped3A_218 : memref<!tpu.dma_semaphore, #tpu.memory_space<semaphore_mem>>) src(%dma_wait3A_234 : memref<16xi32, #tpu.memory_space<hbm>>) dst(%dma_wait3A_233 : memref<16xi32, #tpu.memory_space<vmem>>)
      tpu.yield
    }) : () -> ()
    %dma_start3A_162 = arith.constant 0 : i32
    %dma_start3A_163 = arith.constant 0 : i32
    %dma_start3A_164 = arith.constant 0 : i32
    %dma_start3A_165 = tpu.memref_slice %arg10[%dma_start3A_163, %dma_start3A_164] : memref<128x128xf32, #tpu.memory_space<vmem>> -> memref<16x128xf32, #tpu.memory_space<vmem>>
    %dma_start3A_166 = arith.constant 0 : i32
    %dma_start3A_167 = tpu.memref_slice %arg6[%dma_start3A_162, %dma_start3A_166] : memref<1x128xi32, #tpu.memory_space<vmem>> -> memref<1x16xi32, #tpu.memory_space<vmem>>
    %dma_start3A_168 = tpu.memref_squeeze %dma_start3A_167 : memref<1x16xi32, #tpu.memory_space<vmem>> -> memref<16xi32, #tpu.memory_space<vmem>>
    %dma_start3A_169 = arith.constant 0 : i32
    %dma_start3A_170 = arith.constant 0 : i32
    %dma_start3A_171 = tpu.memref_slice %arg4[%add3A_113, %dma_start3A_169, %dma_start3A_170] : memref<4x10000x128xf32, #tpu.memory_space<hbm>> -> memref<1x10000x128xf32, #tpu.memory_space<hbm>>
    %dma_start3A_172 = tpu.memref_squeeze %dma_start3A_171 : memref<1x10000x128xf32, #tpu.memory_space<hbm>> -> memref<10000x128xf32, #tpu.memory_space<hbm>>
    %dma_start3A_173 = arith.constant 0 : i32
    %dma_start3A_174 = arith.constant 0 : i32
    %dma_start3A_175 = tpu.memref_slice %dma_start3A_172[%dma_start3A_173, %dma_start3A_174] : memref<10000x128xf32, #tpu.memory_space<hbm>> -> memref<10000x128xf32, #tpu.memory_space<hbm>>
    tpu.enqueue_indirect_dma source(%dma_start3A_175 : memref<10000x128xf32, #tpu.memory_space<hbm>>) target(%dma_start3A_165 : memref<16x128xf32, #tpu.memory_space<vmem>>) offsets(%dma_start3A_168 : memref<16xi32, #tpu.memory_space<vmem>>) semaphore(%arg14 : memref<!tpu.dma_semaphore, #tpu.memory_space<semaphore_mem>>)
    %dma_wait3A_176 = arith.constant 0 : i32
    %dma_wait3A_177 = arith.constant 0 : i32
    %dma_wait3A_178 = arith.constant 0 : i32
    %dma_wait3A_179 = tpu.memref_slice %arg10[%dma_wait3A_177, %dma_wait3A_178] : memref<128x128xf32, #tpu.memory_space<vmem>> -> memref<16x128xf32, #tpu.memory_space<vmem>>
    %dma_wait3A_180 = arith.constant 0 : i32
    %dma_wait3A_181 = tpu.memref_slice %arg6[%dma_wait3A_176, %dma_wait3A_180] : memref<1x128xi32, #tpu.memory_space<vmem>> -> memref<1x16xi32, #tpu.memory_space<vmem>>
    %dma_wait3A_182 = tpu.memref_squeeze %dma_wait3A_181 : memref<1x16xi32, #tpu.memory_space<vmem>> -> memref<16xi32, #tpu.memory_space<vmem>>
    %dma_wait3A_183 = arith.constant 0 : i32
    %dma_wait3A_184 = arith.constant 0 : i32
    %dma_wait3A_185 = tpu.memref_slice %arg4[%add3A_113, %dma_wait3A_183, %dma_wait3A_184] : memref<4x10000x128xf32, #tpu.memory_space<hbm>> -> memref<1x10000x128xf32, #tpu.memory_space<hbm>>
    %dma_wait3A_186 = tpu.memref_squeeze %dma_wait3A_185 : memref<1x10000x128xf32, #tpu.memory_space<hbm>> -> memref<10000x128xf32, #tpu.memory_space<hbm>>
    %dma_wait3A_187 = arith.constant 0 : i32
    %dma_wait3A_188 = arith.constant 0 : i32
    %dma_wait3A_189 = tpu.memref_slice %dma_wait3A_186[%dma_wait3A_187, %dma_wait3A_188] : memref<10000x128xf32, #tpu.memory_space<hbm>> -> memref<10000x128xf32, #tpu.memory_space<hbm>>
    tpu.wait_indirect_dma semaphore(%arg14 : memref<!tpu.dma_semaphore, #tpu.memory_space<semaphore_mem>>) src(%dma_wait3A_189 : memref<10000x128xf32, #tpu.memory_space<hbm>>) dst(%dma_wait3A_179 : memref<16x128xf32, #tpu.memory_space<vmem>>)
    %run_scoped3A_190 = arith.constant 0 : i32
    "tpu.region"() ({
      %run_scoped3A_218 = tpu.sem_alloc : memref<!tpu.dma_semaphore, #tpu.memory_space<semaphore_mem>>
      %dma_start3A_219 = arith.constant 0 : i32
      %dma_start3A_220 = arith.constant 0 : i32
      %dma_start3A_221 = tpu.memref_slice %arg10[%dma_start3A_219, %dma_start3A_220] : memref<128x128xf32, #tpu.memory_space<vmem>> -> memref<16x128xf32, #tpu.memory_space<vmem>>
      %dma_start3A_222 = arith.constant 0 : i32
      %dma_start3A_223 = tpu.memref_slice %arg7[%run_scoped3A_190, %dma_start3A_222] : memref<1x128xi32, #tpu.memory_space<vmem>> -> memref<1x16xi32, #tpu.memory_space<vmem>>
      %dma_start3A_224 = tpu.memref_squeeze %dma_start3A_223 : memref<1x16xi32, #tpu.memory_space<vmem>> -> memref<16xi32, #tpu.memory_space<vmem>>
      %dma_start3A_225 = arith.constant 0 : i32
      %dma_start3A_226 = arith.constant 0 : i32
      %dma_start3A_227 = tpu.memref_slice %arg13[%dma_start3A_225, %dma_start3A_226] : memref<10000x128xf32, #tpu.memory_space<vmem_shared>> -> memref<10000x128xf32, #tpu.memory_space<vmem_shared>>
      tpu.enqueue_indirect_dma source(%dma_start3A_221 : memref<16x128xf32, #tpu.memory_space<vmem>>) target(%dma_start3A_227 : memref<10000x128xf32, #tpu.memory_space<vmem_shared>>) offsets(%dma_start3A_224 : memref<16xi32, #tpu.memory_space<vmem>>) semaphore(%run_scoped3A_218 : memref<!tpu.dma_semaphore, #tpu.memory_space<semaphore_mem>>) {add = true}
      %dma_wait3A_228 = arith.constant 0 : i32
      %dma_wait3A_229 = arith.constant 0 : i32
      %dma_wait3A_230 = tpu.memref_slice %arg10[%dma_wait3A_228, %dma_wait3A_229] : memref<128x128xf32, #tpu.memory_space<vmem>> -> memref<16x128xf32, #tpu.memory_space<vmem>>
      %dma_wait3A_231 = arith.constant 0 : i32
      %dma_wait3A_232 = tpu.memref_slice %arg7[%run_scoped3A_190, %dma_wait3A_231] : memref<1x128xi32, #tpu.memory_space<vmem>> -> memref<1x16xi32, #tpu.memory_space<vmem>>
      %dma_wait3A_233 = tpu.memref_squeeze %dma_wait3A_232 : memref<1x16xi32, #tpu.memory_space<vmem>> -> memref<16xi32, #tpu.memory_space<vmem>>
      %dma_wait3A_234 = arith.constant 0 : i32
      %dma_wait3A_235 = arith.constant 0 : i32
      %dma_wait3A_236 = tpu.memref_slice %arg13[%dma_wait3A_234, %dma_wait3A_235] : memref<10000x128xf32, #tpu.memory_space<vmem_shared>> -> memref<10000x128xf32, #tpu.memory_space<vmem_shared>>
      tpu.wait_indirect_dma semaphore(%run_scoped3A_218 : memref<!tpu.dma_semaphore, #tpu.memory_space<semaphore_mem>>) src(%dma_wait3A_230 : memref<16x128xf32, #tpu.memory_space<vmem>>) dst(%dma_wait3A_236 : memref<10000x128xf32, #tpu.memory_space<vmem_shared>>)
      tpu.yield
    }) : () -> ()
    %barrier3A_191 = arith.constant 0 : index
    tpu.barrier barrier_id(%barrier3A_191)
    %add3A_192 = arith.constant 0 : i32
    %add3A_193 = arith.addi %multiple_of3A_9, %add3A_192 : i32
    %add3A_194 = arith.constant 0 : i32
    %add3A_195 = arith.addi %multiple_of3A_9, %add3A_194 : i32
    "tpu.region"() ({
      %run_scoped3A_218 = tpu.sem_alloc : memref<!tpu.dma_semaphore, #tpu.memory_space<semaphore_mem>>
      %dma_start3A_219 = arith.constant 0 : i32
      %dma_start3A_220 = arith.constant 0 : i32
      %dma_start3A_221 = tpu.memref_slice %arg5[%add3A_113, %dma_start3A_219, %dma_start3A_220] : memref<4x10000x128xf32, #tpu.memory_space<hbm>> -> memref<1x10000x128xf32, #tpu.memory_space<hbm>>
      %dma_start3A_222 = tpu.memref_squeeze %dma_start3A_221 : memref<1x10000x128xf32, #tpu.memory_space<hbm>> -> memref<10000x128xf32, #tpu.memory_space<hbm>>
      %dma_start3A_223 = arith.constant 0 : i32
      %dma_start3A_224 = tpu.memref_slice %dma_start3A_222[%add3A_195, %dma_start3A_223] : memref<10000x128xf32, #tpu.memory_space<hbm>> -> memref<128x128xf32, #tpu.memory_space<hbm>>
      %dma_start3A_225 = arith.constant 0 : i32
      %dma_start3A_226 = tpu.memref_slice %arg13[%add3A_193, %dma_start3A_225] : memref<10000x128xf32, #tpu.memory_space<vmem_shared>> -> memref<128x128xf32, #tpu.memory_space<vmem_shared>>
      tpu.enqueue_dma source(%dma_start3A_226 : memref<128x128xf32, #tpu.memory_space<vmem_shared>>) target(%dma_start3A_224 : memref<128x128xf32, #tpu.memory_space<hbm>>) target_semaphore(%run_scoped3A_218 : memref<!tpu.dma_semaphore, #tpu.memory_space<semaphore_mem>>)
      %dma_wait3A_227 = arith.constant 0 : i32
      %dma_wait3A_228 = arith.constant 0 : i32
      %dma_wait3A_229 = tpu.memref_slice %arg5[%add3A_113, %dma_wait3A_227, %dma_wait3A_228] : memref<4x10000x128xf32, #tpu.memory_space<hbm>> -> memref<1x10000x128xf32, #tpu.memory_space<hbm>>
      %dma_wait3A_230 = tpu.memref_squeeze %dma_wait3A_229 : memref<1x10000x128xf32, #tpu.memory_space<hbm>> -> memref<10000x128xf32, #tpu.memory_space<hbm>>
      %dma_wait3A_231 = arith.constant 0 : i32
      %dma_wait3A_232 = tpu.memref_slice %dma_wait3A_230[%add3A_195, %dma_wait3A_231] : memref<10000x128xf32, #tpu.memory_space<hbm>> -> memref<128x128xf32, #tpu.memory_space<hbm>>
      %dma_wait3A_233 = arith.constant 0 : i32
      %dma_wait3A_234 = tpu.memref_slice %arg13[%add3A_193, %dma_wait3A_233] : memref<10000x128xf32, #tpu.memory_space<vmem_shared>> -> memref<128x128xf32, #tpu.memory_space<vmem_shared>>
      tpu.wait_dma2 semaphore(%run_scoped3A_218 : memref<!tpu.dma_semaphore, #tpu.memory_space<semaphore_mem>>) src(%dma_wait3A_234 : memref<128x128xf32, #tpu.memory_space<vmem_shared>>) dst(%dma_wait3A_232 : memref<128x128xf32, #tpu.memory_space<hbm>>)
      tpu.yield
    }) : () -> ()
    %add3A_196 = arith.constant 128 : i32
    %add3A_197 = arith.addi %multiple_of3A_9, %add3A_196 : i32
    %add3A_198 = arith.constant 128 : i32
    %add3A_199 = arith.addi %multiple_of3A_9, %add3A_198 : i32
    "tpu.region"() ({
      %run_scoped3A_218 = tpu.sem_alloc : memref<!tpu.dma_semaphore, #tpu.memory_space<semaphore_mem>>
      %dma_start3A_219 = arith.constant 0 : i32
      %dma_start3A_220 = arith.constant 0 : i32
      %dma_start3A_221 = tpu.memref_slice %arg5[%add3A_113, %dma_start3A_219, %dma_start3A_220] : memref<4x10000x128xf32, #tpu.memory_space<hbm>> -> memref<1x10000x128xf32, #tpu.memory_space<hbm>>
      %dma_start3A_222 = tpu.memref_squeeze %dma_start3A_221 : memref<1x10000x128xf32, #tpu.memory_space<hbm>> -> memref<10000x128xf32, #tpu.memory_space<hbm>>
      %dma_start3A_223 = arith.constant 0 : i32
      %dma_start3A_224 = tpu.memref_slice %dma_start3A_222[%add3A_199, %dma_start3A_223] : memref<10000x128xf32, #tpu.memory_space<hbm>> -> memref<128x128xf32, #tpu.memory_space<hbm>>
      %dma_start3A_225 = arith.constant 0 : i32
      %dma_start3A_226 = tpu.memref_slice %arg13[%add3A_197, %dma_start3A_225] : memref<10000x128xf32, #tpu.memory_space<vmem_shared>> -> memref<128x128xf32, #tpu.memory_space<vmem_shared>>
      tpu.enqueue_dma source(%dma_start3A_226 : memref<128x128xf32, #tpu.memory_space<vmem_shared>>) target(%dma_start3A_224 : memref<128x128xf32, #tpu.memory_space<hbm>>) target_semaphore(%run_scoped3A_218 : memref<!tpu.dma_semaphore, #tpu.memory_space<semaphore_mem>>)
      %dma_wait3A_227 = arith.constant 0 : i32
      %dma_wait3A_228 = arith.constant 0 : i32
      %dma_wait3A_229 = tpu.memref_slice %arg5[%add3A_113, %dma_wait3A_227, %dma_wait3A_228] : memref<4x10000x128xf32, #tpu.memory_space<hbm>> -> memref<1x10000x128xf32, #tpu.memory_space<hbm>>
      %dma_wait3A_230 = tpu.memref_squeeze %dma_wait3A_229 : memref<1x10000x128xf32, #tpu.memory_space<hbm>> -> memref<10000x128xf32, #tpu.memory_space<hbm>>
      %dma_wait3A_231 = arith.constant 0 : i32
      %dma_wait3A_232 = tpu.memref_slice %dma_wait3A_230[%add3A_199, %dma_wait3A_231] : memref<10000x128xf32, #tpu.memory_space<hbm>> -> memref<128x128xf32, #tpu.memory_space<hbm>>
      %dma_wait3A_233 = arith.constant 0 : i32
      %dma_wait3A_234 = tpu.memref_slice %arg13[%add3A_197, %dma_wait3A_233] : memref<10000x128xf32, #tpu.memory_space<vmem_shared>> -> memref<128x128xf32, #tpu.memory_space<vmem_shared>>
      tpu.wait_dma2 semaphore(%run_scoped3A_218 : memref<!tpu.dma_semaphore, #tpu.memory_space<semaphore_mem>>) src(%dma_wait3A_234 : memref<128x128xf32, #tpu.memory_space<vmem_shared>>) dst(%dma_wait3A_232 : memref<128x128xf32, #tpu.memory_space<hbm>>)
      tpu.yield
    }) : () -> ()
    %add3A_200 = arith.constant 256 : i32
    %add3A_201 = arith.addi %multiple_of3A_9, %add3A_200 : i32
    %add3A_202 = arith.constant 256 : i32
    %add3A_203 = arith.addi %multiple_of3A_9, %add3A_202 : i32
    "tpu.region"() ({
      %run_scoped3A_218 = tpu.sem_alloc : memref<!tpu.dma_semaphore, #tpu.memory_space<semaphore_mem>>
      %dma_start3A_219 = arith.constant 0 : i32
      %dma_start3A_220 = arith.constant 0 : i32
      %dma_start3A_221 = tpu.memref_slice %arg5[%add3A_113, %dma_start3A_219, %dma_start3A_220] : memref<4x10000x128xf32, #tpu.memory_space<hbm>> -> memref<1x10000x128xf32, #tpu.memory_space<hbm>>
      %dma_start3A_222 = tpu.memref_squeeze %dma_start3A_221 : memref<1x10000x128xf32, #tpu.memory_space<hbm>> -> memref<10000x128xf32, #tpu.memory_space<hbm>>
      %dma_start3A_223 = arith.constant 0 : i32
      %dma_start3A_224 = tpu.memref_slice %dma_start3A_222[%add3A_203, %dma_start3A_223] : memref<10000x128xf32, #tpu.memory_space<hbm>> -> memref<128x128xf32, #tpu.memory_space<hbm>>
      %dma_start3A_225 = arith.constant 0 : i32
      %dma_start3A_226 = tpu.memref_slice %arg13[%add3A_201, %dma_start3A_225] : memref<10000x128xf32, #tpu.memory_space<vmem_shared>> -> memref<128x128xf32, #tpu.memory_space<vmem_shared>>
      tpu.enqueue_dma source(%dma_start3A_226 : memref<128x128xf32, #tpu.memory_space<vmem_shared>>) target(%dma_start3A_224 : memref<128x128xf32, #tpu.memory_space<hbm>>) target_semaphore(%run_scoped3A_218 : memref<!tpu.dma_semaphore, #tpu.memory_space<semaphore_mem>>)
      %dma_wait3A_227 = arith.constant 0 : i32
      %dma_wait3A_228 = arith.constant 0 : i32
      %dma_wait3A_229 = tpu.memref_slice %arg5[%add3A_113, %dma_wait3A_227, %dma_wait3A_228] : memref<4x10000x128xf32, #tpu.memory_space<hbm>> -> memref<1x10000x128xf32, #tpu.memory_space<hbm>>
      %dma_wait3A_230 = tpu.memref_squeeze %dma_wait3A_229 : memref<1x10000x128xf32, #tpu.memory_space<hbm>> -> memref<10000x128xf32, #tpu.memory_space<hbm>>
      %dma_wait3A_231 = arith.constant 0 : i32
      %dma_wait3A_232 = tpu.memref_slice %dma_wait3A_230[%add3A_203, %dma_wait3A_231] : memref<10000x128xf32, #tpu.memory_space<hbm>> -> memref<128x128xf32, #tpu.memory_space<hbm>>
      %dma_wait3A_233 = arith.constant 0 : i32
      %dma_wait3A_234 = tpu.memref_slice %arg13[%add3A_201, %dma_wait3A_233] : memref<10000x128xf32, #tpu.memory_space<vmem_shared>> -> memref<128x128xf32, #tpu.memory_space<vmem_shared>>
      tpu.wait_dma2 semaphore(%run_scoped3A_218 : memref<!tpu.dma_semaphore, #tpu.memory_space<semaphore_mem>>) src(%dma_wait3A_234 : memref<128x128xf32, #tpu.memory_space<vmem_shared>>) dst(%dma_wait3A_232 : memref<128x128xf32, #tpu.memory_space<hbm>>)
      tpu.yield
    }) : () -> ()
    %add3A_204 = arith.constant 384 : i32
    %add3A_205 = arith.addi %multiple_of3A_9, %add3A_204 : i32
    %add3A_206 = arith.constant 384 : i32
    %add3A_207 = arith.addi %multiple_of3A_9, %add3A_206 : i32
    "tpu.region"() ({
      %run_scoped3A_218 = tpu.sem_alloc : memref<!tpu.dma_semaphore, #tpu.memory_space<semaphore_mem>>
      %dma_start3A_219 = arith.constant 0 : i32
      %dma_start3A_220 = arith.constant 0 : i32
      %dma_start3A_221 = tpu.memref_slice %arg5[%add3A_113, %dma_start3A_219, %dma_start3A_220] : memref<4x10000x128xf32, #tpu.memory_space<hbm>> -> memref<1x10000x128xf32, #tpu.memory_space<hbm>>
      %dma_start3A_222 = tpu.memref_squeeze %dma_start3A_221 : memref<1x10000x128xf32, #tpu.memory_space<hbm>> -> memref<10000x128xf32, #tpu.memory_space<hbm>>
      %dma_start3A_223 = arith.constant 0 : i32
      %dma_start3A_224 = tpu.memref_slice %dma_start3A_222[%add3A_207, %dma_start3A_223] : memref<10000x128xf32, #tpu.memory_space<hbm>> -> memref<128x128xf32, #tpu.memory_space<hbm>>
      %dma_start3A_225 = arith.constant 0 : i32
      %dma_start3A_226 = tpu.memref_slice %arg13[%add3A_205, %dma_start3A_225] : memref<10000x128xf32, #tpu.memory_space<vmem_shared>> -> memref<128x128xf32, #tpu.memory_space<vmem_shared>>
      tpu.enqueue_dma source(%dma_start3A_226 : memref<128x128xf32, #tpu.memory_space<vmem_shared>>) target(%dma_start3A_224 : memref<128x128xf32, #tpu.memory_space<hbm>>) target_semaphore(%run_scoped3A_218 : memref<!tpu.dma_semaphore, #tpu.memory_space<semaphore_mem>>)
      %dma_wait3A_227 = arith.constant 0 : i32
      %dma_wait3A_228 = arith.constant 0 : i32
      %dma_wait3A_229 = tpu.memref_slice %arg5[%add3A_113, %dma_wait3A_227, %dma_wait3A_228] : memref<4x10000x128xf32, #tpu.memory_space<hbm>> -> memref<1x10000x128xf32, #tpu.memory_space<hbm>>
      %dma_wait3A_230 = tpu.memref_squeeze %dma_wait3A_229 : memref<1x10000x128xf32, #tpu.memory_space<hbm>> -> memref<10000x128xf32, #tpu.memory_space<hbm>>
      %dma_wait3A_231 = arith.constant 0 : i32
      %dma_wait3A_232 = tpu.memref_slice %dma_wait3A_230[%add3A_207, %dma_wait3A_231] : memref<10000x128xf32, #tpu.memory_space<hbm>> -> memref<128x128xf32, #tpu.memory_space<hbm>>
      %dma_wait3A_233 = arith.constant 0 : i32
      %dma_wait3A_234 = tpu.memref_slice %arg13[%add3A_205, %dma_wait3A_233] : memref<10000x128xf32, #tpu.memory_space<vmem_shared>> -> memref<128x128xf32, #tpu.memory_space<vmem_shared>>
      tpu.wait_dma2 semaphore(%run_scoped3A_218 : memref<!tpu.dma_semaphore, #tpu.memory_space<semaphore_mem>>) src(%dma_wait3A_234 : memref<128x128xf32, #tpu.memory_space<vmem_shared>>) dst(%dma_wait3A_232 : memref<128x128xf32, #tpu.memory_space<hbm>>)
      tpu.yield
    }) : () -> ()
    %add3A_208 = arith.constant 512 : i32
    %add3A_209 = arith.addi %multiple_of3A_9, %add3A_208 : i32
    %add3A_210 = arith.constant 512 : i32
    %add3A_211 = arith.addi %multiple_of3A_9, %add3A_210 : i32
    "tpu.region"() ({
      %run_scoped3A_218 = tpu.sem_alloc : memref<!tpu.dma_semaphore, #tpu.memory_space<semaphore_mem>>
      %dma_start3A_219 = arith.constant 0 : i32
      %dma_start3A_220 = arith.constant 0 : i32
      %dma_start3A_221 = tpu.memref_slice %arg5[%add3A_113, %dma_start3A_219, %dma_start3A_220] : memref<4x10000x128xf32, #tpu.memory_space<hbm>> -> memref<1x10000x128xf32, #tpu.memory_space<hbm>>
      %dma_start3A_222 = tpu.memref_squeeze %dma_start3A_221 : memref<1x10000x128xf32, #tpu.memory_space<hbm>> -> memref<10000x128xf32, #tpu.memory_space<hbm>>
      %dma_start3A_223 = arith.constant 0 : i32
      %dma_start3A_224 = tpu.memref_slice %dma_start3A_222[%add3A_211, %dma_start3A_223] : memref<10000x128xf32, #tpu.memory_space<hbm>> -> memref<112x128xf32, #tpu.memory_space<hbm>>
      %dma_start3A_225 = arith.constant 0 : i32
      %dma_start3A_226 = tpu.memref_slice %arg13[%add3A_209, %dma_start3A_225] : memref<10000x128xf32, #tpu.memory_space<vmem_shared>> -> memref<112x128xf32, #tpu.memory_space<vmem_shared>>
      tpu.enqueue_dma source(%dma_start3A_226 : memref<112x128xf32, #tpu.memory_space<vmem_shared>>) target(%dma_start3A_224 : memref<112x128xf32, #tpu.memory_space<hbm>>) target_semaphore(%run_scoped3A_218 : memref<!tpu.dma_semaphore, #tpu.memory_space<semaphore_mem>>)
      %dma_wait3A_227 = arith.constant 0 : i32
      %dma_wait3A_228 = arith.constant 0 : i32
      %dma_wait3A_229 = tpu.memref_slice %arg5[%add3A_113, %dma_wait3A_227, %dma_wait3A_228] : memref<4x10000x128xf32, #tpu.memory_space<hbm>> -> memref<1x10000x128xf32, #tpu.memory_space<hbm>>
      %dma_wait3A_230 = tpu.memref_squeeze %dma_wait3A_229 : memref<1x10000x128xf32, #tpu.memory_space<hbm>> -> memref<10000x128xf32, #tpu.memory_space<hbm>>
      %dma_wait3A_231 = arith.constant 0 : i32
      %dma_wait3A_232 = tpu.memref_slice %dma_wait3A_230[%add3A_211, %dma_wait3A_231] : memref<10000x128xf32, #tpu.memory_space<hbm>> -> memref<112x128xf32, #tpu.memory_space<hbm>>
      %dma_wait3A_233 = arith.constant 0 : i32
      %dma_wait3A_234 = tpu.memref_slice %arg13[%add3A_209, %dma_wait3A_233] : memref<10000x128xf32, #tpu.memory_space<vmem_shared>> -> memref<112x128xf32, #tpu.memory_space<vmem_shared>>
      tpu.wait_dma2 semaphore(%run_scoped3A_218 : memref<!tpu.dma_semaphore, #tpu.memory_space<semaphore_mem>>) src(%dma_wait3A_234 : memref<112x128xf32, #tpu.memory_space<vmem_shared>>) dst(%dma_wait3A_232 : memref<112x128xf32, #tpu.memory_space<hbm>>)
      tpu.yield
    }) : () -> ()
    %eq3A_212 = arith.constant 15 : i32
    %eq3A_213 = arith.cmpi eq, %arg1, %eq3A_212 : i32
    %convert_element_type3A_214 = arith.extui %eq3A_213 : i1 to i32
    %cond3A_215 = arith.constant 0 : i32
    %cond3A_216 = arith.cmpi ne, %convert_element_type3A_214, %cond3A_215 : i32
    scf.if %cond3A_216 {
      "tpu.region"() ({
        %run_scoped3A_218 = tpu.sem_alloc : memref<!tpu.dma_semaphore, #tpu.memory_space<semaphore_mem>>
        %dma_start3A_219 = arith.constant 0 : i32
        %dma_start3A_220 = arith.constant 0 : i32
        %dma_start3A_221 = tpu.memref_slice %arg5[%add3A_113, %dma_start3A_219, %dma_start3A_220] : memref<4x10000x128xf32, #tpu.memory_space<hbm>> -> memref<1x10000x128xf32, #tpu.memory_space<hbm>>
        %dma_start3A_222 = tpu.memref_squeeze %dma_start3A_221 : memref<1x10000x128xf32, #tpu.memory_space<hbm>> -> memref<10000x128xf32, #tpu.memory_space<hbm>>
        %dma_start3A_223 = arith.constant 9984 : i32
        %dma_start3A_224 = arith.constant 0 : i32
        %dma_start3A_225 = tpu.memref_slice %dma_start3A_222[%dma_start3A_223, %dma_start3A_224] : memref<10000x128xf32, #tpu.memory_space<hbm>> -> memref<16x128xf32, #tpu.memory_space<hbm>>
        %dma_start3A_226 = arith.constant 9984 : i32
        %dma_start3A_227 = arith.constant 0 : i32
        %dma_start3A_228 = tpu.memref_slice %arg13[%dma_start3A_226, %dma_start3A_227] : memref<10000x128xf32, #tpu.memory_space<vmem_shared>> -> memref<16x128xf32, #tpu.memory_space<vmem_shared>>
        tpu.enqueue_dma source(%dma_start3A_228 : memref<16x128xf32, #tpu.memory_space<vmem_shared>>) target(%dma_start3A_225 : memref<16x128xf32, #tpu.memory_space<hbm>>) target_semaphore(%run_scoped3A_218 : memref<!tpu.dma_semaphore, #tpu.memory_space<semaphore_mem>>)
        %dma_wait3A_229 = arith.constant 0 : i32
        %dma_wait3A_230 = arith.constant 0 : i32
        %dma_wait3A_231 = tpu.memref_slice %arg5[%add3A_113, %dma_wait3A_229, %dma_wait3A_230] : memref<4x10000x128xf32, #tpu.memory_space<hbm>> -> memref<1x10000x128xf32, #tpu.memory_space<hbm>>
        %dma_wait3A_232 = tpu.memref_squeeze %dma_wait3A_231 : memref<1x10000x128xf32, #tpu.memory_space<hbm>> -> memref<10000x128xf32, #tpu.memory_space<hbm>>
        %dma_wait3A_233 = arith.constant 9984 : i32
        %dma_wait3A_234 = arith.constant 0 : i32
        %dma_wait3A_235 = tpu.memref_slice %dma_wait3A_232[%dma_wait3A_233, %dma_wait3A_234] : memref<10000x128xf32, #tpu.memory_space<hbm>> -> memref<16x128xf32, #tpu.memory_space<hbm>>
        %dma_wait3A_236 = arith.constant 9984 : i32
        %dma_wait3A_237 = arith.constant 0 : i32
        %dma_wait3A_238 = tpu.memref_slice %arg13[%dma_wait3A_236, %dma_wait3A_237] : memref<10000x128xf32, #tpu.memory_space<vmem_shared>> -> memref<16x128xf32, #tpu.memory_space<vmem_shared>>
        tpu.wait_dma2 semaphore(%run_scoped3A_218 : memref<!tpu.dma_semaphore, #tpu.memory_space<semaphore_mem>>) src(%dma_wait3A_238 : memref<16x128xf32, #tpu.memory_space<vmem_shared>>) dst(%dma_wait3A_235 : memref<16x128xf32, #tpu.memory_space<hbm>>)
        tpu.yield
      }) : () -> ()
    } else {
    }
    %barrier3A_217 = arith.constant 0 : index
    tpu.barrier barrier_id(%barrier3A_217)
    return
  }
}

module attributes {stable_mosaic.version = 14 : i64} {
  func.func @_prep_body(%arg0: i32, %arg1: memref<1280x256xf32, #tpu.memory_space<vmem>>, %arg2: memref<256x256xf32, #tpu.memory_space<vmem>>, %arg3: memref<256x256xf32, #tpu.memory_space<vmem>>, %arg4: memref<256x1xf32, #tpu.memory_space<vmem>>, %arg5: memref<1xf32, #tpu.memory_space<smem>>, %arg6: memref<2x10240xf32, #tpu.memory_space<vmem>>, %arg7: memref<4x1280x128xf32, #tpu.memory_space<vmem>>, %arg8: memref<2x10240xf32, #tpu.memory_space<vmem>>) attributes {dimension_semantics = [#tpu.dimension_semantics<arbitrary>], iteration_bounds = array<i64: 8>, scalar_prefetch = 0 : i64, scratch_operands = 0 : i64, tpu.core_type = #tpu.core_type<tc>, window_params = [{transform_indices = @transform_0, window_bounds = array<i64: 1280, 256>}, {pipeline_mode = #tpu.pipeline_mode<synchronous>, transform_indices = @transform_1, window_bounds = array<i64: 256, 256>}, {pipeline_mode = #tpu.pipeline_mode<synchronous>, transform_indices = @transform_2, window_bounds = array<i64: 256, 256>}, {pipeline_mode = #tpu.pipeline_mode<synchronous>, transform_indices = @transform_3, window_bounds = array<i64: 256, 1>}, {transform_indices = @transform_4, window_bounds = array<i64: 1>}, {pipeline_mode = #tpu.pipeline_mode<synchronous>, transform_indices = @transform_5, window_bounds = array<i64: 2, 10240>}, {transform_indices = @transform_6, window_bounds = array<i64: 4, 1280, 128>}, {pipeline_mode = #tpu.pipeline_mode<synchronous>, transform_indices = @transform_7, window_bounds = array<i64: 2, 10240>}]} {
    %get3A = arith.constant 0 : index
    %get3A_0 = arith.constant 0 : index
    %get3A_1 = vector.load %arg1[%get3A, %get3A_0] : memref<1280x256xf32, #tpu.memory_space<vmem>>, vector<1280x256xf32>
    %get3A_2 = arith.constant 0 : index
    %get3A_3 = arith.constant 0 : index
    %get3A_4 = vector.load %arg2[%get3A_2, %get3A_3] : memref<256x256xf32, #tpu.memory_space<vmem>>, vector<256x256xf32>
    %dot_general3A = arith.constant dense<0.000000e+00> : vector<1280x256xf32>
    %dot_general3A_5 = tpu.matmul %get3A_1, %get3A_4, %dot_general3A {dimension_numbers = #tpu.dot_dimension_numbers<[1], [0], [0], [1], [0, 0, 1, 1], [], []>, transpose_lhs_hint = false} : vector<1280x256xf32>, vector<256x256xf32>, vector<1280x256xf32> -> vector<1280x256xf32>
    %get3A_6 = arith.constant 0 : index
    %get3A_7 = arith.constant 0 : index
    %get3A_8 = vector.load %arg3[%get3A_6, %get3A_7] : memref<256x256xf32, #tpu.memory_space<vmem>>, vector<256x256xf32>
    %dot_general3A_9 = arith.constant dense<0.000000e+00> : vector<1280x256xf32>
    %dot_general3A_10 = tpu.matmul %get3A_1, %get3A_8, %dot_general3A_9 {dimension_numbers = #tpu.dot_dimension_numbers<[1], [0], [0], [1], [0, 0, 1, 1], [], []>, transpose_lhs_hint = false} : vector<1280x256xf32>, vector<256x256xf32>, vector<1280x256xf32> -> vector<1280x256xf32>
    %get3A_11 = arith.constant 0 : index
    %get3A_12 = arith.constant 0 : index
    %get3A_13 = vector.load %arg4[%get3A_11, %get3A_12] : memref<256x1xf32, #tpu.memory_space<vmem>>, vector<256x1xf32>
    %dot_general3A_14 = arith.constant dense<0.000000e+00> : vector<1280x1xf32>
    %dot_general3A_15 = tpu.matmul %get3A_1, %get3A_13, %dot_general3A_14 {dimension_numbers = #tpu.dot_dimension_numbers<[1], [0], [0], [1], [0, 0, 1, 1], [], []>, transpose_lhs_hint = false} : vector<1280x256xf32>, vector<256x1xf32>, vector<1280x1xf32> -> vector<1280x1xf32>
    %squeeze3A = vector.shape_cast %dot_general3A_15 : vector<1280x1xf32> to vector<1280xf32>
    %get3A_16 = arith.constant 0 : index
    %get3A_17 = memref.load %arg5[%get3A_16] : memref<1xf32, #tpu.memory_space<smem>>
    %add3A = vector.broadcast %get3A_17 : f32 to vector<1280xf32>
    %add3A_18 = arith.addf %squeeze3A, %add3A : vector<1280xf32>
    %mul3A = arith.constant 1280 : i32
    %mul3A_19 = arith.muli %arg0, %mul3A : i32
    %get3A_20 = arith.constant 0 : index
    %get3A_21 = arith.index_cast %mul3A_19 : i32 to index
    %get3A_22 = vector.load %arg6[%get3A_20, %get3A_21] : memref<2x10240xf32, #tpu.memory_space<vmem>>, vector<1x1280xf32>
    %get3A_23 = vector.shape_cast %get3A_22 : vector<1x1280xf32> to vector<1280xf32>
    %mul3A_24 = arith.constant 1280 : i32
    %mul3A_25 = arith.muli %arg0, %mul3A_24 : i32
    %get3A_26 = arith.constant 1 : index
    %get3A_27 = arith.index_cast %mul3A_25 : i32 to index
    %get3A_28 = vector.load %arg6[%get3A_26, %get3A_27] : memref<2x10240xf32, #tpu.memory_space<vmem>>, vector<1x1280xf32>
    %get3A_29 = vector.shape_cast %get3A_28 : vector<1x1280xf32> to vector<1280xf32>
    %add3A_30 = arith.addf %get3A_23, %get3A_29 : vector<1280xf32>
    %add3A_31 = arith.constant 1.000000e+00 : f32
    %add3A_32 = vector.broadcast %add3A_31 : f32 to vector<1280xf32>
    %add3A_33 = arith.addf %add3A_30, %add3A_32 : vector<1280xf32>
    %rsqrt3A = math.rsqrt %add3A_33 : vector<1280xf32>
    %mul3A_34 = arith.mulf %dot_general3A_10, %dot_general3A_10 : vector<1280x256xf32>
    %reduce_sum3A = arith.constant dense<0.000000e+00> : vector<1280xf32>
    %reduce_sum3A_35 = vector.multi_reduction <add>, %mul3A_34, %reduce_sum3A [1] : vector<1280x256xf32> to vector<1280xf32>
    %sqrt3A = math.sqrt %reduce_sum3A_35 : vector<1280xf32>
    %broadcast_in_dim3A = vector.shape_cast %rsqrt3A : vector<1280xf32> to vector<1280x1xf32>
    %mul3A_36 = vector.broadcast %broadcast_in_dim3A : vector<1280x1xf32> to vector<1280x256xf32>
    %mul3A_37 = arith.mulf %dot_general3A_5, %mul3A_36 : vector<1280x256xf32>
    %broadcast_in_dim3A_38 = vector.shape_cast %sqrt3A : vector<1280xf32> to vector<1280x1xf32>
    %div3A = vector.broadcast %broadcast_in_dim3A_38 : vector<1280x1xf32> to vector<1280x256xf32>
    %div3A_39 = arith.divf %dot_general3A_10, %div3A : vector<1280x256xf32>
    %slice3A = vector.extract_strided_slice %mul3A_37 {offsets = [0, 0], sizes = [1280, 128], strides = [1, 1]} : vector<1280x256xf32> to vector<1280x128xf32>
    %swap3A = arith.constant 0 : index
    %swap3A_40 = arith.constant 0 : index
    %swap3A_41 = arith.constant 0 : index
    %swap3A_42 = vector.load %arg7[%swap3A, %swap3A_40, %swap3A_41] : memref<4x1280x128xf32, #tpu.memory_space<vmem>>, vector<1x1280x128xf32>
    %swap3A_43 = vector.shape_cast %swap3A_42 : vector<1x1280x128xf32> to vector<1280x128xf32>
    %swap3A_44 = vector.shape_cast %slice3A : vector<1280x128xf32> to vector<1x1280x128xf32>
    tpu.vector_store %arg7[%swap3A, %swap3A_40, %swap3A_41], %swap3A_44 {strides = array<i32>} : memref<4x1280x128xf32, #tpu.memory_space<vmem>>, vector<1x1280x128xf32>,
    %slice3A_45 = vector.extract_strided_slice %mul3A_37 {offsets = [0, 128], sizes = [1280, 128], strides = [1, 1]} : vector<1280x256xf32> to vector<1280x128xf32>
    %swap3A_46 = arith.constant 1 : index
    %swap3A_47 = arith.constant 0 : index
    %swap3A_48 = arith.constant 0 : index
    %swap3A_49 = vector.load %arg7[%swap3A_46, %swap3A_47, %swap3A_48] : memref<4x1280x128xf32, #tpu.memory_space<vmem>>, vector<1x1280x128xf32>
    %swap3A_50 = vector.shape_cast %swap3A_49 : vector<1x1280x128xf32> to vector<1280x128xf32>
    %swap3A_51 = vector.shape_cast %slice3A_45 : vector<1280x128xf32> to vector<1x1280x128xf32>
    tpu.vector_store %arg7[%swap3A_46, %swap3A_47, %swap3A_48], %swap3A_51 {strides = array<i32>} : memref<4x1280x128xf32, #tpu.memory_space<vmem>>, vector<1x1280x128xf32>,
    %slice3A_52 = vector.extract_strided_slice %div3A_39 {offsets = [0, 0], sizes = [1280, 128], strides = [1, 1]} : vector<1280x256xf32> to vector<1280x128xf32>
    %swap3A_53 = arith.constant 2 : index
    %swap3A_54 = arith.constant 0 : index
    %swap3A_55 = arith.constant 0 : index
    %swap3A_56 = vector.load %arg7[%swap3A_53, %swap3A_54, %swap3A_55] : memref<4x1280x128xf32, #tpu.memory_space<vmem>>, vector<1x1280x128xf32>
    %swap3A_57 = vector.shape_cast %swap3A_56 : vector<1x1280x128xf32> to vector<1280x128xf32>
    %swap3A_58 = vector.shape_cast %slice3A_52 : vector<1280x128xf32> to vector<1x1280x128xf32>
    tpu.vector_store %arg7[%swap3A_53, %swap3A_54, %swap3A_55], %swap3A_58 {strides = array<i32>} : memref<4x1280x128xf32, #tpu.memory_space<vmem>>, vector<1x1280x128xf32>,
    %slice3A_59 = vector.extract_strided_slice %div3A_39 {offsets = [0, 128], sizes = [1280, 128], strides = [1, 1]} : vector<1280x256xf32> to vector<1280x128xf32>
    %swap3A_60 = arith.constant 3 : index
    %swap3A_61 = arith.constant 0 : index
    %swap3A_62 = arith.constant 0 : index
    %swap3A_63 = vector.load %arg7[%swap3A_60, %swap3A_61, %swap3A_62] : memref<4x1280x128xf32, #tpu.memory_space<vmem>>, vector<1x1280x128xf32>
    %swap3A_64 = vector.shape_cast %swap3A_63 : vector<1x1280x128xf32> to vector<1280x128xf32>
    %swap3A_65 = vector.shape_cast %slice3A_59 : vector<1280x128xf32> to vector<1x1280x128xf32>
    tpu.vector_store %arg7[%swap3A_60, %swap3A_61, %swap3A_62], %swap3A_65 {strides = array<i32>} : memref<4x1280x128xf32, #tpu.memory_space<vmem>>, vector<1x1280x128xf32>,
    %mul3A_66 = arith.constant 1280 : i32
    %mul3A_67 = arith.muli %arg0, %mul3A_66 : i32
    %swap3A_68 = arith.constant 0 : index
    %swap3A_69 = arith.index_cast %mul3A_67 : i32 to index
    %swap3A_70 = vector.load %arg8[%swap3A_68, %swap3A_69] : memref<2x10240xf32, #tpu.memory_space<vmem>>, vector<1x1280xf32>
    %swap3A_71 = vector.shape_cast %swap3A_70 : vector<1x1280xf32> to vector<1280xf32>
    %swap3A_72 = vector.shape_cast %rsqrt3A : vector<1280xf32> to vector<1x1280xf32>
    tpu.vector_store %arg8[%swap3A_68, %swap3A_69], %swap3A_72 {strides = array<i32>} : memref<2x10240xf32, #tpu.memory_space<vmem>>, vector<1x1280xf32>,
    %mul3A_73 = arith.constant 1280 : i32
    %mul3A_74 = arith.muli %arg0, %mul3A_73 : i32
    %swap3A_75 = arith.constant 1 : index
    %swap3A_76 = arith.index_cast %mul3A_74 : i32 to index
    %swap3A_77 = vector.load %arg8[%swap3A_75, %swap3A_76] : memref<2x10240xf32, #tpu.memory_space<vmem>>, vector<1x1280xf32>
    %swap3A_78 = vector.shape_cast %swap3A_77 : vector<1x1280xf32> to vector<1280xf32>
    %swap3A_79 = vector.shape_cast %add3A_18 : vector<1280xf32> to vector<1x1280xf32>
    tpu.vector_store %arg8[%swap3A_75, %swap3A_76], %swap3A_79 {strides = array<i32>} : memref<2x10240xf32, #tpu.memory_space<vmem>>, vector<1x1280xf32>,
    return
  }
  func.func @transform_0(%arg0: i32) -> (i32, i32) {
    %c0_i32 = arith.constant 0 : i32
    %c0_i32_0 = arith.constant 0 : i32
    return %arg0, %c0_i32 : i32, i32
  }
  func.func @transform_1(%arg0: i32) -> (i32, i32) {
    %c0_i32 = arith.constant 0 : i32
    %c0_i32_0 = arith.constant 0 : i32
    %c0_i32_1 = arith.constant 0 : i32
    return %c0_i32, %c0_i32_0 : i32, i32
  }
  func.func @transform_2(%arg0: i32) -> (i32, i32) {
    %c0_i32 = arith.constant 0 : i32
    %c0_i32_0 = arith.constant 0 : i32
    %c0_i32_1 = arith.constant 0 : i32
    return %c0_i32, %c0_i32_0 : i32, i32
  }
  func.func @transform_3(%arg0: i32) -> (i32, i32) {
    %c0_i32 = arith.constant 0 : i32
    %c0_i32_0 = arith.constant 0 : i32
    %c0_i32_1 = arith.constant 0 : i32
    return %c0_i32, %c0_i32_0 : i32, i32
  }
  func.func @transform_4(%arg0: i32) -> i32 {
    %c0_i32 = arith.constant 0 : i32
    %c0_i32_0 = arith.constant 0 : i32
    return %c0_i32 : i32
  }
  func.func @transform_5(%arg0: i32) -> (i32, i32) {
    %c0_i32 = arith.constant 0 : i32
    %c0_i32_0 = arith.constant 0 : i32
    %c0_i32_1 = arith.constant 0 : i32
    return %c0_i32, %c0_i32_0 : i32, i32
  }
  func.func @transform_6(%arg0: i32) -> (i32, i32, i32) {
    %c0_i32 = arith.constant 0 : i32
    %c0_i32_0 = arith.constant 0 : i32
    %c0_i32_1 = arith.constant 0 : i32
    return %c0_i32, %arg0, %c0_i32_0 : i32, i32, i32
  }
  func.func @transform_7(%arg0: i32) -> (i32, i32) {
    %c0_i32 = arith.constant 0 : i32
    %c0_i32_0 = arith.constant 0 : i32
    %c0_i32_1 = arith.constant 0 : i32
    return %c0_i32, %c0_i32_0 : i32, i32
  }
}

module attributes {stable_mosaic.version = 14 : i64} {
  func.func @_final_body(%arg0: i32, %arg1: memref<4x1280x128xf32, #tpu.memory_space<vmem>>, %arg2: memref<4x1280x128xf32, #tpu.memory_space<vmem>>, %arg3: memref<2x10240xf32, #tpu.memory_space<vmem>>, %arg4: memref<1x256xf32, #tpu.memory_space<vmem>>, %arg5: memref<100x256xf32, #tpu.memory_space<vmem>>, %arg6: memref<10240xf32, #tpu.memory_space<vmem>>, %arg7: memref<10240x256xf32, #tpu.memory_space<vmem>>, %arg8: memref<100xf32, #tpu.memory_space<smem>>, %arg9: memref<100xi32, #tpu.memory_space<smem>>) attributes {dimension_semantics = [#tpu.dimension_semantics<arbitrary>], iteration_bounds = array<i64: 9>, scalar_prefetch = 0 : i64, scratch_operands = 4 : i64, tpu.core_type = #tpu.core_type<tc>, window_params = [{transform_indices = @transform_0, window_bounds = array<i64: 4, 1280, 128>}, {transform_indices = @transform_1, window_bounds = array<i64: 4, 1280, 128>}, {pipeline_mode = #tpu.pipeline_mode<synchronous>, transform_indices = @transform_2, window_bounds = array<i64: 2, 10240>}, {pipeline_mode = #tpu.pipeline_mode<synchronous>, transform_indices = @transform_3, window_bounds = array<i64: 1, 256>}, {pipeline_mode = #tpu.pipeline_mode<synchronous>, transform_indices = @transform_4, window_bounds = array<i64: 100, 256>}]} {
    %lt3A = arith.constant 8 : i32
    %lt3A_0 = arith.cmpi slt, %arg0, %lt3A : i32
    %convert_element_type3A = arith.extui %lt3A_0 : i1 to i32
    %cond3A = arith.constant 0 : i32
    %cond3A_1 = arith.cmpi ne, %convert_element_type3A, %cond3A : i32
    scf.if %cond3A_1 {
      %get3A = arith.constant 0 : index
      %get3A_6 = arith.constant 0 : index
      %get3A_7 = arith.constant 0 : index
      %get3A_8 = vector.load %arg1[%get3A, %get3A_6, %get3A_7] : memref<4x1280x128xf32, #tpu.memory_space<vmem>>, vector<4x1280x128xf32>
      %get3A_9 = arith.constant 0 : index
      %get3A_10 = arith.constant 0 : index
      %get3A_11 = arith.constant 0 : index
      %get3A_12 = vector.load %arg2[%get3A_9, %get3A_10, %get3A_11] : memref<4x1280x128xf32, #tpu.memory_space<vmem>>, vector<4x1280x128xf32>
      %mul3A = arith.constant 1280 : i32
      %mul3A_13 = arith.muli %arg0, %mul3A : i32
      %get3A_14 = arith.constant 0 : index
      %get3A_15 = arith.index_cast %mul3A_13 : i32 to index
      %get3A_16 = vector.load %arg3[%get3A_14, %get3A_15] : memref<2x10240xf32, #tpu.memory_space<vmem>>, vector<1x1280xf32>
      %get3A_17 = vector.shape_cast %get3A_16 : vector<1x1280xf32> to vector<1280xf32>
      %mul3A_18 = arith.constant 1280 : i32
      %mul3A_19 = arith.muli %arg0, %mul3A_18 : i32
      %get3A_20 = arith.constant 1 : index
      %get3A_21 = arith.index_cast %mul3A_19 : i32 to index
      %get3A_22 = vector.load %arg3[%get3A_20, %get3A_21] : memref<2x10240xf32, #tpu.memory_space<vmem>>, vector<1x1280xf32>
      %get3A_23 = vector.shape_cast %get3A_22 : vector<1x1280xf32> to vector<1280xf32>
      %broadcast_in_dim3A = vector.shape_cast %get3A_17 : vector<1280xf32> to vector<1280x1xf32>
      %slice3A = vector.extract_strided_slice %get3A_12 {offsets = [0, 0, 0], sizes = [1, 1280, 128], strides = [1, 1, 1]} : vector<4x1280x128xf32> to vector<1x1280x128xf32>
      %squeeze3A = vector.shape_cast %slice3A : vector<1x1280x128xf32> to vector<1280x128xf32>
      %slice3A_24 = vector.extract_strided_slice %get3A_8 {offsets = [0, 0, 0], sizes = [1, 1280, 128], strides = [1, 1, 1]} : vector<4x1280x128xf32> to vector<1x1280x128xf32>
      %squeeze3A_25 = vector.shape_cast %slice3A_24 : vector<1x1280x128xf32> to vector<1280x128xf32>
      %add3A = arith.addf %squeeze3A, %squeeze3A_25 : vector<1280x128xf32>
      %mul3A_26 = vector.broadcast %broadcast_in_dim3A : vector<1280x1xf32> to vector<1280x128xf32>
      %mul3A_27 = arith.mulf %mul3A_26, %add3A : vector<1280x128xf32>
      %get3A_28 = arith.constant 0 : index
      %get3A_29 = arith.constant 0 : index
      %get3A_30 = vector.load %arg4[%get3A_28, %get3A_29] : memref<1x256xf32, #tpu.memory_space<vmem>>, vector<1x128xf32>
      %get3A_31 = vector.shape_cast %get3A_30 : vector<1x128xf32> to vector<128xf32>
      %broadcast_in_dim3A_32 = vector.shape_cast %get3A_31 : vector<128xf32> to vector<1x128xf32>
      %add3A_33 = vector.broadcast %broadcast_in_dim3A_32 : vector<1x128xf32> to vector<1280x128xf32>
      %add3A_34 = arith.addf %mul3A_27, %add3A_33 : vector<1280x128xf32>
      %broadcast_in_dim3A_35 = vector.shape_cast %get3A_17 : vector<1280xf32> to vector<1280x1xf32>
      %slice3A_36 = vector.extract_strided_slice %get3A_12 {offsets = [1, 0, 0], sizes = [1, 1280, 128], strides = [1, 1, 1]} : vector<4x1280x128xf32> to vector<1x1280x128xf32>
      %squeeze3A_37 = vector.shape_cast %slice3A_36 : vector<1x1280x128xf32> to vector<1280x128xf32>
      %slice3A_38 = vector.extract_strided_slice %get3A_8 {offsets = [1, 0, 0], sizes = [1, 1280, 128], strides = [1, 1, 1]} : vector<4x1280x128xf32> to vector<1x1280x128xf32>
      %squeeze3A_39 = vector.shape_cast %slice3A_38 : vector<1x1280x128xf32> to vector<1280x128xf32>
      %add3A_40 = arith.addf %squeeze3A_37, %squeeze3A_39 : vector<1280x128xf32>
      %mul3A_41 = vector.broadcast %broadcast_in_dim3A_35 : vector<1280x1xf32> to vector<1280x128xf32>
      %mul3A_42 = arith.mulf %mul3A_41, %add3A_40 : vector<1280x128xf32>
      %get3A_43 = arith.constant 0 : index
      %get3A_44 = arith.constant 128 : index
      %get3A_45 = vector.load %arg4[%get3A_43, %get3A_44] : memref<1x256xf32, #tpu.memory_space<vmem>>, vector<1x128xf32>
      %get3A_46 = vector.shape_cast %get3A_45 : vector<1x128xf32> to vector<128xf32>
      %broadcast_in_dim3A_47 = vector.shape_cast %get3A_46 : vector<128xf32> to vector<1x128xf32>
      %add3A_48 = vector.broadcast %broadcast_in_dim3A_47 : vector<1x128xf32> to vector<1280x128xf32>
      %add3A_49 = arith.addf %mul3A_42, %add3A_48 : vector<1280x128xf32>
      %mul3A_50 = arith.constant 1280 : i32
      %mul3A_51 = arith.muli %arg0, %mul3A_50 : i32
      %swap3A = arith.index_cast %mul3A_51 : i32 to index
      %swap3A_52 = arith.constant 0 : index
      %swap3A_53 = vector.load %arg7[%swap3A, %swap3A_52] : memref<10240x256xf32, #tpu.memory_space<vmem>>, vector<1280x128xf32>
      tpu.vector_store %arg7[%swap3A, %swap3A_52], %add3A_34 {strides = array<i32>} : memref<10240x256xf32, #tpu.memory_space<vmem>>, vector<1280x128xf32>,
      %mul3A_54 = arith.constant 1280 : i32
      %mul3A_55 = arith.muli %arg0, %mul3A_54 : i32
      %swap3A_56 = arith.index_cast %mul3A_55 : i32 to index
      %swap3A_57 = arith.constant 128 : index
      %swap3A_58 = vector.load %arg7[%swap3A_56, %swap3A_57] : memref<10240x256xf32, #tpu.memory_space<vmem>>, vector<1280x128xf32>
      tpu.vector_store %arg7[%swap3A_56, %swap3A_57], %add3A_49 {strides = array<i32>} : memref<10240x256xf32, #tpu.memory_space<vmem>>, vector<1280x128xf32>,
      %slice3A_59 = vector.extract_strided_slice %get3A_8 {offsets = [2, 0, 0], sizes = [1, 1280, 128], strides = [1, 1, 1]} : vector<4x1280x128xf32> to vector<1x1280x128xf32>
      %squeeze3A_60 = vector.shape_cast %slice3A_59 : vector<1x1280x128xf32> to vector<1280x128xf32>
      %slice3A_61 = vector.extract_strided_slice %get3A_12 {offsets = [2, 0, 0], sizes = [1, 1280, 128], strides = [1, 1, 1]} : vector<4x1280x128xf32> to vector<1x1280x128xf32>
      %squeeze3A_62 = vector.shape_cast %slice3A_61 : vector<1x1280x128xf32> to vector<1280x128xf32>
      %mul3A_63 = arith.mulf %squeeze3A_60, %squeeze3A_62 : vector<1280x128xf32>
      %reduce_sum3A = arith.constant dense<0.000000e+00> : vector<1280xf32>
      %reduce_sum3A_64 = vector.multi_reduction <add>, %mul3A_63, %reduce_sum3A [1] : vector<1280x128xf32> to vector<1280xf32>
      %slice3A_65 = vector.extract_strided_slice %get3A_8 {offsets = [3, 0, 0], sizes = [1, 1280, 128], strides = [1, 1, 1]} : vector<4x1280x128xf32> to vector<1x1280x128xf32>
      %squeeze3A_66 = vector.shape_cast %slice3A_65 : vector<1x1280x128xf32> to vector<1280x128xf32>
      %slice3A_67 = vector.extract_strided_slice %get3A_12 {offsets = [3, 0, 0], sizes = [1, 1280, 128], strides = [1, 1, 1]} : vector<4x1280x128xf32> to vector<1x1280x128xf32>
      %squeeze3A_68 = vector.shape_cast %slice3A_67 : vector<1x1280x128xf32> to vector<1280x128xf32>
      %mul3A_69 = arith.mulf %squeeze3A_66, %squeeze3A_68 : vector<1280x128xf32>
      %reduce_sum3A_70 = arith.constant dense<0.000000e+00> : vector<1280xf32>
      %reduce_sum3A_71 = vector.multi_reduction <add>, %mul3A_69, %reduce_sum3A_70 [1] : vector<1280x128xf32> to vector<1280xf32>
      %add3A_72 = arith.addf %reduce_sum3A_64, %reduce_sum3A_71 : vector<1280xf32>
      %add3A_73 = arith.constant 1.000000e+00 : f32
      %add3A_74 = vector.broadcast %add3A_73 : f32 to vector<1280xf32>
      %add3A_75 = arith.addf %add3A_72, %add3A_74 : vector<1280xf32>
      %mul3A_76 = arith.mulf %get3A_23, %add3A_75 : vector<1280xf32>
      %logistic3A = arith.negf %mul3A_76 : vector<1280xf32>
      %logistic3A_77 = math.exp %logistic3A : vector<1280xf32>
      %logistic3A_78 = arith.constant 1.000000e+00 : f32
      %logistic3A_79 = vector.broadcast %logistic3A_78 : f32 to vector<1280xf32>
      %logistic3A_80 = arith.addf %logistic3A_79, %logistic3A_77 : vector<1280xf32>
      %logistic3A_81 = arith.divf %logistic3A_79, %logistic3A_80 : vector<1280xf32>
      %mul3A_82 = arith.constant 1280 : i32
      %mul3A_83 = arith.muli %arg0, %mul3A_82 : i32
      %swap3A_84 = arith.index_cast %mul3A_83 : i32 to index
      %swap3A_85 = vector.load %arg6[%swap3A_84] : memref<10240xf32, #tpu.memory_space<vmem>>, vector<1280xf32>
      tpu.vector_store %arg6[%swap3A_84], %logistic3A_81 {strides = array<i32>} : memref<10240xf32, #tpu.memory_space<vmem>>, vector<1280xf32>,
    } else {
    }
    %eq3A = arith.constant 8 : i32
    %eq3A_2 = arith.cmpi eq, %arg0, %eq3A : i32
    %convert_element_type3A_3 = arith.extui %eq3A_2 : i1 to i32
    %cond3A_4 = arith.constant 0 : i32
    %cond3A_5 = arith.cmpi ne, %convert_element_type3A_3, %cond3A_4 : i32
    scf.if %cond3A_5 {
      %iota3A = tpu.iota {dimensions = array<i32: 0>} : vector<80x128xi32>
      %iota3A_6 = tpu.iota {dimensions = array<i32: 1>} : vector<80x128xi32>
      %mul3A = arith.constant 128 : i32
      %mul3A_7 = vector.broadcast %mul3A : i32 to vector<80x128xi32>
      %mul3A_8 = arith.muli %iota3A, %mul3A_7 : vector<80x128xi32>
      %add3A = arith.addi %mul3A_8, %iota3A_6 : vector<80x128xi32>
      %lt3A_9 = arith.constant 10000 : i32
      %lt3A_10 = vector.broadcast %lt3A_9 : i32 to vector<80x128xi32>
      %lt3A_11 = arith.cmpi slt, %add3A, %lt3A_10 : vector<80x128xi32>
      %get3A = arith.constant 0 : index
      %get3A_12 = vector.load %arg6[%get3A] : memref<10240xf32, #tpu.memory_space<vmem>>, vector<10240xf32>
      %reshape3A = vector.shape_cast %get3A_12 : vector<10240xf32> to vector<80x128xf32>
      %jit3A = arith.constant -1.000000e+00 : f32
      %broadcast_in_dim3A = vector.broadcast %jit3A : f32 to vector<80x128xf32>
      %select_n3A = arith.select %lt3A_11, %reshape3A, %broadcast_in_dim3A : vector<80x128xi1>, vector<80x128xf32>
      %scan3A = arith.constant 1073741824 : i32
      %scan3A_13 = arith.constant 0 : i32
      %scan3A_14 = arith.constant 100 : i32
      %scan3A_15 = arith.addi %scan3A_13, %scan3A_14 : i32
      %scan3A_16 = arith.constant 1 : i32
      %scan3A_17 = scf.for %scan3A_24 = %scan3A_13 to %scan3A_15 step %scan3A_16 iter_args(%scan3A_25 = %select_n3A) -> (vector<80x128xf32>)  : i32 {
        %reduce_max3A = vector.shape_cast %scan3A_25 : vector<80x128xf32> to vector<1x80x128xf32>
        %reduce_max3A_26 = arith.constant dense<0xFF800000> : vector<1xf32>
        %reduce_max3A_27 = vector.multi_reduction <maximumf>, %reduce_max3A, %reduce_max3A_26 [1, 2] : vector<1x80x128xf32> to vector<1xf32>
        %reduce_max3A_28 = vector.shape_cast %reduce_max3A_27 : vector<1xf32> to vector<1x1x1xf32>
        %reduce_max3A_29 = vector.extract %reduce_max3A_28[0, 0, 0] : f32 from vector<1x1x1xf32>
        %ge3A = vector.broadcast %reduce_max3A_29 : f32 to vector<80x128xf32>
        %ge3A_30 = arith.cmpf oge, %scan3A_25, %ge3A : vector<80x128xf32>
        %broadcast_in_dim3A_31 = vector.broadcast %scan3A : i32 to vector<80x128xi32>
        %select_n3A_32 = arith.select %ge3A_30, %add3A, %broadcast_in_dim3A_31 : vector<80x128xi1>, vector<80x128xi32>
        %reduce_min3A = vector.shape_cast %select_n3A_32 : vector<80x128xi32> to vector<1x80x128xi32>
        %reduce_min3A_33 = arith.constant dense<2147483647> : vector<1xi32>
        %reduce_min3A_34 = vector.multi_reduction <minsi>, %reduce_min3A, %reduce_min3A_33 [1, 2] : vector<1x80x128xi32> to vector<1xi32>
        %reduce_min3A_35 = vector.shape_cast %reduce_min3A_34 : vector<1xi32> to vector<1x1x1xi32>
        %reduce_min3A_36 = vector.extract %reduce_min3A_35[0, 0, 0] : i32 from vector<1x1x1xi32>
        %swap3A = arith.index_cast %scan3A_24 : i32 to index
        %swap3A_37 = memref.load %arg8[%swap3A] : memref<100xf32, #tpu.memory_space<smem>>
        memref.store %reduce_max3A_29, %arg8[%swap3A] : memref<100xf32, #tpu.memory_space<smem>>
        %swap3A_38 = arith.index_cast %scan3A_24 : i32 to index
        %swap3A_39 = memref.load %arg9[%swap3A_38] : memref<100xi32, #tpu.memory_space<smem>>
        memref.store %reduce_min3A_36, %arg9[%swap3A_38] : memref<100xi32, #tpu.memory_space<smem>>
        %eq3A_40 = vector.broadcast %reduce_min3A_36 : i32 to vector<80x128xi32>
        %eq3A_41 = arith.cmpi eq, %add3A, %eq3A_40 : vector<80x128xi32>
        %jit3A_42 = arith.constant -1.000000e+00 : f32
        %broadcast_in_dim3A_43 = vector.broadcast %jit3A_42 : f32 to vector<80x128xf32>
        %select_n3A_44 = arith.select %eq3A_41, %broadcast_in_dim3A_43, %scan3A_25 : vector<80x128xi1>, vector<80x128xf32>
        scf.yield %select_n3A_44 : vector<80x128xf32>
      }
      %scan3A_18 = arith.constant 100 : i32
      %scan3A_19 = arith.constant 0 : i32
      %scan3A_20 = arith.constant 100 : i32
      %scan3A_21 = arith.addi %scan3A_19, %scan3A_20 : i32
      %scan3A_22 = arith.constant 1 : i32
      scf.for %scan3A_24 = %scan3A_19 to %scan3A_21 step %scan3A_22  : i32 {
        %get3A_25 = arith.index_cast %scan3A_24 : i32 to index
        %get3A_26 = memref.load %arg9[%get3A_25] : memref<100xi32, #tpu.memory_space<smem>>
        %get3A_27 = arith.index_cast %scan3A_24 : i32 to index
        %get3A_28 = memref.load %arg8[%get3A_27] : memref<100xf32, #tpu.memory_space<smem>>
        %get3A_29 = arith.index_cast %get3A_26 : i32 to index
        %get3A_30 = arith.constant 0 : index
        %get3A_31 = vector.load %arg7[%get3A_29, %get3A_30] : memref<10240x256xf32, #tpu.memory_space<vmem>>, vector<1x256xf32>
        %get3A_32 = vector.shape_cast %get3A_31 : vector<1x256xf32> to vector<256xf32>
        %mul3A_33 = vector.broadcast %get3A_28 : f32 to vector<256xf32>
        %mul3A_34 = arith.mulf %get3A_32, %mul3A_33 : vector<256xf32>
        %swap3A = arith.index_cast %scan3A_24 : i32 to index
        %swap3A_35 = arith.constant 0 : index
        %swap3A_36 = vector.load %arg5[%swap3A, %swap3A_35] : memref<100x256xf32, #tpu.memory_space<vmem>>, vector<1x256xf32>
        %swap3A_37 = vector.shape_cast %swap3A_36 : vector<1x256xf32> to vector<256xf32>
        %swap3A_38 = vector.shape_cast %mul3A_34 : vector<256xf32> to vector<1x256xf32>
        tpu.vector_store %arg5[%swap3A, %swap3A_35], %swap3A_38 {strides = array<i32>} : memref<100x256xf32, #tpu.memory_space<vmem>>, vector<1x256xf32>,
      }
      %scan3A_23 = arith.constant 100 : i32
    } else {
    }
    return
  }
  func.func @transform_0(%arg0: i32) -> (i32, i32, i32) {
    %min3A = arith.constant 7 : i32
    %min3A_0 = arith.minsi %arg0, %min3A : i32
    %c0_i32 = arith.constant 0 : i32
    %c0_i32_1 = arith.constant 0 : i32
    %c0_i32_2 = arith.constant 0 : i32
    return %c0_i32, %min3A_0, %c0_i32_1 : i32, i32, i32
  }
  func.func @transform_1(%arg0: i32) -> (i32, i32, i32) {
    %min3A = arith.constant 7 : i32
    %min3A_0 = arith.minsi %arg0, %min3A : i32
    %c0_i32 = arith.constant 0 : i32
    %c0_i32_1 = arith.constant 0 : i32
    %c0_i32_2 = arith.constant 0 : i32
    return %c0_i32, %min3A_0, %c0_i32_1 : i32, i32, i32
  }
  func.func @transform_2(%arg0: i32) -> (i32, i32) {
    %c0_i32 = arith.constant 0 : i32
    %c0_i32_0 = arith.constant 0 : i32
    %c0_i32_1 = arith.constant 0 : i32
    return %c0_i32, %c0_i32_0 : i32, i32
  }
  func.func @transform_3(%arg0: i32) -> (i32, i32) {
    %c0_i32 = arith.constant 0 : i32
    %c0_i32_0 = arith.constant 0 : i32
    %c0_i32_1 = arith.constant 0 : i32
    return %c0_i32, %c0_i32_0 : i32, i32
  }
  func.func @transform_4(%arg0: i32) -> (i32, i32) {
    %c0_i32 = arith.constant 0 : i32
    %c0_i32_0 = arith.constant 0 : i32
    %c0_i32_1 = arith.constant 0 : i32
    return %c0_i32, %c0_i32_0 : i32, i32
  }
}

</mosaic_0001>

<sc_bundles>
// kernel: kernel.6.cloned.1.call-start
scs
__scs_entry_jumppad:
0x0: {  	(pc) =	sbr.rel $0x88, $3  }
0x1: {  	(tag) =	ssettag $0x0;
	lr =	simm.s32 $0x1  }
0x2: {  	[smem:$0x3F9A] =	sst lr;
	_ =	strace $0xD0000000  }
0x3: {  	_ = 	snop  }
0x4: {  	_ = 	snop  }
0x5: {  	_ = 	snop  }
0x6: {  	_ = 	snop  }
0x7: {  	_ = 	snop  }
__scs_overlays_trampoline_lowered:
0x8: {  	[smem:$0x3FA9] =	sst s0  }
0x9: {  	[smem:$0x3FAA] =	sst s1  }
0xa: {  	[smem:$0x3FAB] =	sst s2  }
0xb: {  	[smem:$0x3FAC] =	sst s3  }
0xc: {  	[smem:$0x3FAD] =	sst s4  }
0xd: {  	[smem:$0x3FAE] =	sst s5  }
0xe: {  	[smem:$0x3FAF] =	sst s6  }
0xf: {  	[smem:$0x3FB0] =	sst s7  }
0x10: {  	[smem:$0x3FB1] =	sst s8  }
0x11: {  	[smem:$0x3FB2] =	sst s9;
	s0 =	simm.s32 @!p0 $0x0  }
0x12: {  	s1 =	sld [smem:$0x3F98];
	s0 =	simm.s32 @p0 $0x1  }
0x13: {  	[smem:$0x3FB3] =	sst s0;
	s0 =	simm.s32 @!p1 $0x0  }
0x14: {  	s2 =	sld [smem:$0x3F97];
	s0 =	simm.s32 @p1 $0x1  }
0x15: {  	[smem:$0x3FB4] =	sst s0;
	s0 =	simm.s32 @!p2 $0x0  }
0x16: {  	s3 =	sld [smem:$0x3FDB];
	s0 =	simm.s32 @p2 $0x1  }
0x17: {  	s4 =	simm.s32 $0x1BF5;
	[smem:$0x3FB6] =	sst s0  }
0x18: {  	s0 =	sld [smem:$0x3F99];
	_ =	swait.ge [sflag:s4], $0x0  }
0x19: {  	s7 =	sld [smem:$0x3F9A]  }
0x1a: {  	s8 =	sadd.s32 $0xFFFFE003, lr  }
0x1b: {  	s9 =	sadd.s32 $0xFFFFFEF7, lr;
	s5 =	simm.s32 $0xFFFFFFFF;
	p2 =	slt.u32 s8, $0xFFFFF086  }
0x1c: {  	p1 =	slt.u32 s9, $0xF7A;
	s5 =	simm.s32 @!p2 $0x0  }
0x1d: {  	s5 =	simm.s32 @p1 $0x1;
	p0 =	seq.s32 s7, s2  }
0x1e: {  	s7 =	smul.u32 @!p0 $0xF7A, s2;
	p2 =	seq.s32 @!p0 s5, $0x0  }
0x1f: {  	s9 =	smul.u32 $0xF7A, s1;
	s8 =	simm.s32 @!p0 $0x1BF5;
	p2 =	por !p2, p0  }
0x20: {  	[sflag:s8] =	ssyncset.s32 @!p0 $0xFFFFF086;
	s6 =	sadd.s32 @!p0 s3, s7;
	s7 =	simm.s32 @!p0 $0x108  }
0x21: {  	s3 =	sadd.s32 s3, s9;
	s6 =	sadd.s32 @!p0 $0x88, s6;
	s7 =	simm.s32 @p2 $0x1082  }
0x22: {  	[simem:s7], [sflag:s8] =	dma.local @!p0 [hbm:s6], $0xF7A  }
0x23: {  	s9 =	sor.u32 $0xD0000000, s2;
	s6 =	simm.s32 $0x108;
	_ =	swait.ge @!p0 [sflag:s8], $0x0  }
0x24: {  	s3 =	sadd.s32 $0x88, s3;
	s6 =	simm.s32 @!p1 $0x1082;
	[sflag:s4] =	ssyncset.s32 $0xFFFFF086  }
0x25: {  	[simem:s6], [sflag:s4] =	dma.local [hbm:s3], $0xF7A  }
0x26: {  	[smem:$0x3F9A] =	sst s1;
	(tag) =	ssettag s2;
	_ =	strace s9  }
0x27: {  	s1 =	sld [smem:$0x3FAA]  }
0x28: {  	s2 =	sld [smem:$0x3FAB]  }
0x29: {  	s4 =	sld [smem:$0x3FAD]  }
0x2a: {  	p0 =	seq.s32 s5, $0x0;
	s5 =	sld [smem:$0x3FAE]  }
0x2b: {  	s6 =	sld [smem:$0x3FAF]  }
0x2c: {  	s7 =	sld [smem:$0x3FB0]  }
0x2d: {  	s3 =	simm.s32 $0x108;
	s8 =	sld [smem:$0x3FB1]  }
0x2e: {  	s3 =	simm.s32 @!p0 $0x1082;
	s9 =	sld [smem:$0x3FB2]  }
0x2f: {  	lr =	sadd.s32 s0, s3;
	s0 =	sld [smem:$0x3FA9]  }
0x30: {  	s3 =	sld [smem:$0x3FAC]  }
0x31: {  	[smem:$0x3FB5] =	sst s10  }
0x32: {  	s10 =	sld [smem:$0x3FB3];
	_ =	sdelay $0x3  }
0x33: {  	p0 =	seq.s32 s10, $0x1;
	s10 =	sld [smem:$0x3FB5];
	_ =	sdelay $0x3  }
0x34: {  	[smem:$0x3FB5] =	sst s10  }
0x35: {  	s10 =	sld [smem:$0x3FB4];
	_ =	sdelay $0x3  }
0x36: {  	p1 =	seq.s32 s10, $0x1;
	s10 =	sld [smem:$0x3FB5];
	_ =	sdelay $0x3  }
0x37: {  	[smem:$0x3FB5] =	sst s10  }
0x38: {  	s10 =	sld [smem:$0x3FB6]  }
0x39: {  	_ = 	snop;
	(pc) =	sbr.ind lr, $3  }
0x3a: {  	_ = 	snop  }
0x3b: {  	_ = 	snop  }
0x3c: {  	p2 =	seq.s32 s10, $0x1;
	s10 =	sld [smem:$0x3FB5]  }
0x3d: {  	_ =	shalt  }
0x3e: {  	_ =	shalt  }
0x3f: {  	_ =	shalt  }
0x40: {  	_ =	shalt  }
0x41: {  	_ =	shalt  }
0x42: {  	_ =	shalt  }
0x43: {  	_ =	shalt  }
0x44: {  	_ =	shalt  }
0x45: {  	_ =	shalt  }
0x46: {  	_ =	shalt  }
0x47: {  	_ =	shalt  }
0x48: {  	_ =	shalt  }
0x49: {  	_ =	shalt  }
0x4a: {  	_ =	shalt  }
0x4b: {  	_ =	shalt  }
0x4c: {  	_ =	shalt  }
0x4d: {  	_ =	shalt  }
0x4e: {  	_ =	shalt  }
0x4f: {  	_ =	shalt  }
0x50: {  	_ =	shalt  }
0x51: {  	_ =	shalt  }
0x52: {  	_ =	shalt  }
0x53: {  	_ =	shalt  }
0x54: {  	_ =	shalt  }
0x55: {  	_ =	shalt  }
0x56: {  	_ =	shalt  }
0x57: {  	_ =	shalt  }
0x58: {  	_ =	shalt  }
0x59: {  	_ =	shalt  }
0x5a: {  	_ =	shalt  }
0x5b: {  	_ =	shalt  }
0x5c: {  	_ =	shalt  }
0x5d: {  	_ =	shalt  }
0x5e: {  	_ =	shalt  }
0x5f: {  	_ =	shalt  }
0x60: {  	_ =	shalt  }
0x61: {  	_ =	shalt  }
0x62: {  	_ =	shalt  }
0x63: {  	_ =	shalt  }
0x64: {  	_ =	shalt  }
0x65: {  	_ =	shalt  }
0x66: {  	_ =	shalt  }
0x67: {  	_ =	shalt  }
0x68: {  	_ =	shalt  }
0x69: {  	_ =	shalt  }
0x6a: {  	_ =	shalt  }
0x6b: {  	_ =	shalt  }
0x6c: {  	_ =	shalt  }
0x6d: {  	_ =	shalt  }
0x6e: {  	_ =	shalt  }
0x6f: {  	_ =	shalt  }
0x70: {  	_ =	shalt  }
0x71: {  	_ =	shalt  }
0x72: {  	_ =	shalt  }
0x73: {  	_ =	shalt  }
0x74: {  	_ =	shalt  }
0x75: {  	_ =	shalt  }
0x76: {  	_ =	shalt  }
0x77: {  	_ =	shalt  }
0x78: {  	_ =	shalt  }
0x79: {  	_ =	shalt  }
0x7a: {  	_ =	shalt  }
0x7b: {  	_ =	shalt  }
0x7c: {  	_ =	shalt  }
0x7d: {  	_ =	shalt  }
0x7e: {  	_ =	shalt  }
0x7f: {  	_ =	shalt  }
0x80: {  	_ =	shalt  }
0x81: {  	_ =	shalt  }
0x82: {  	_ =	shalt  }
0x83: {  	_ =	shalt  }
0x84: {  	_ =	shalt  }
0x85: {  	_ =	shalt  }
0x86: {  	_ =	shalt  }
0x87: {  	_ =	shalt  }
.Lfunc_end0:
.L_simem_size_0:
called_computation_lowered:
.L_overlay_start_0:
0x88: {  	s2 =	sld [smem:$0x3FD9]  }
0x89: {  	s3 =	sld [smem:$0x3FFE];
	_ =	sdelay $0x1  }
0x8a: {  	s1 =	srdreg.scid  }
0x8b: {  	s0 =	sand.u32 $0x1, s1  }
0x8c: {  	s17 =	sshll.u32 s0, $0xA;
	s2 =	sadd.s32 s3, s2  }
0x8d: {  	s2 =	sadd.s32 s2, s17  }
0x8e: {  	[smem:$0x3FC1] =	sst s2  }
0x8f: {  	_ = 	snop  }
0x90: {  	s2 =	sld [smem:$0x3FD0];
	(tm) =	ssettm $0x1  }
0x91: {  	s18 =	sld [smem:$0x3FFB];
	_ =	sdelay $0x3  }
0x92: {  	_ =	strace s18  }
0x93: {  	s3 =	sld [smem:$0x3FFC];
	_ =	sdelay $0x3  }
0x94: {  	_ =	strace s3  }
0x95: {  	s3 =	sld [smem:$0x3FFD];
	_ =	sdelay $0x3  }
0x96: {  	_ =	strace s3  }
0x97: {  	_ =	strace $0x8FFFFFFF  }
0x98: {  	s19 =	sld [smem:$0x3FDB];
	_ =	sdelay $0x1  }
0x99: {  	s4 =	simm.s32 $_scs_section_size  }
0x9a: {  	s5 =	simm.s32 $_size__tile_overlayer_lowered;
	s6 =	simm.s32 $_tile_overlayer_lowered  }
0x9b: {  	s22 =	simm.s32 $0x1BFF;
	s21 =	sshll.u32 s6, $0x1;
	s3 =	sadd.s32 s4, s19  }
0x9c: {  	s7 =	simm.s32 $0x0;
	s20 =	sshll.u32 s5, $0x1;
	s5 =	sadd.s32 s21, s3  }
0x9d: {  	[timem:s7], [sflag:s22] =	dma.local [hbm:s5], s20  }
0x9e: {  	_ =	swait.ge [sflag:s22], s20  }
0x9f: {  	s4 =	ssub.s32 $0x0, s20;
	[sflag:s22] =	ssyncset.done $0x0  }
0xa0: {  	[sflag:s22] =	ssyncadd.s32 s4;
	_ =	sdelay $0x1  }
0xa1: {  	s23 =	simm.s32 $0x1B8B  }
0xa2: {  	_ =	swait.ge [sflag:s23], $0x1  }
0xa3: {  	[sflag:s23] =	ssyncset.done $0x0  }
0xa4: {  	s25 =	simm.s32 $0x1B8E;
	s24 =	sld [smem:$0x3FFE];
	[sflag:s23] =	ssyncadd.s32 $0xFFFFFFFF  }
0xa5: {  	s26 =	simm.s32 $execute0_lowered;
	[smem:$0x3FD2] =	sst s25  }
0xa6: {  	s5 =	sshll.u32 s26, $0x1;
	_ =	strace $0x80000046;
	[dreg:$0x1] =	wrdreg $0xFFFFFFFF  }
0xa7: {  	s28 =	simm.s32 $_size_execute0_lowered;
	s3 =	sadd.s32 s3, s5;
	[dreg:$0x0] =	wrdreg $0x0  }
0xa8: {  	s5 =	sshll.u32 s28, $0x1;
	[dreg:$0x2] =	wrdreg s3  }
0xa9: {  	[dreg:$0x3] =	wrdreg s5  }
0xaa: {  	[dreg:$0x4] =	wrdreg $0xC0  }
0xab: {  	_ =	task [dreg:s7], $0x5FFFF  }
0xac: {  	[dreg:$0x1] =	wrdreg $0xFFFFFFFF  }
0xad: {  	[dreg:$0x0] =	wrdreg $0x60  }
0xae: {  	[dreg:$0x2] =	wrdreg s24  }
0xaf: {  	[dreg:$0x3] =	wrdreg s2  }
0xb0: {  	[dreg:$0x4] =	wrdreg $0x17000  }
0xb1: {  	[dreg:$0x5] =	wrdreg $0x9  }
0xb2: {  	_ =	task.clear_ibuf [dreg:s7], $0x6FFFF;
	_ =	strace $0x90000046  }
0xb3: {  	s29 =	simm.s32 $0x9;
	_ =	strace $0x80000048  }
0xb4: {  	_ =	swait.ge [sflag:s29], $0x1  }
0xb5: {  	[sflag:s29] =	ssyncadd.s32 $0xFFFFFFFF  }
0xb6: {  	_ =	strace $0x90000048  }
0xb7: {  	_ =	sfence  }
0xb8: {  	s30 =	sld [smem:$0x0];
	_ =	sdelay $0x2  }
0xb9: {  	s31 =	sshll.u32 s1, $0xD;
	s1 =	sshrl.u32 s1, $0x2  }
0xba: {  	s3 =	sand.u32 $0x4000, s31;
	s1 =	sadd.s32 s1, s30  }
0xbb: {  	s0 =	sor.u32 s3, s0;
	s1 =	sshll.u32 s1, $0x11  }
0xbc: {  	s0 =	sor.u32 s1, s0  }
0xbd: {  	s0 =	sadd.s32 $0x8F2B, s0  }
0xbe: {  	[sflag:s0] =	ssyncadd.remote.s32 $0x1  }
0xbf: {  	_ =	sfence.sel $0xFFFF  }
0xc0: {  	[dreg:$0x0] =	wrdreg $0xFFFFFFFF;
	(pc) =	sbr.abs _section_cstart, $3  }
0xc1: {  	[dreg:$0x1] =	wrdreg $0xFFFFFFFF  }
0xc2: {  	_ =	task.clear_ibuf [dreg:s7], $0x2FFFF;
	_ =	strace $0x9FFFFFFF  }
0xc3: {  	(tm) =	ssettm $0x7FFFFFFF  }
tec
execute0_lowered:
.L_overlay_start_1:
0x0: {  	(tag) =	ssettag $0x1  }
0x1: {  	s4 =	rddreg [dreg:$0x0]  }
0x2: {  	s6 =	rddreg [dreg:$0x1];
	s0 =	srdreg.scid  }
0x3: {  	s2 =	rddreg [dreg:$0x2];
	s1 =	stileid.u32;
	s3 =	simm.s32 $0x0  }
0x4: {  	s11 =	simm.s32 $0x1400;
	s5 =	sand.u32 $0x1, s0;
	s0 =	rddreg [dreg:$0x3]  }
0x5: {  	s14 =	simm.s32 $0x0;
	s8 =	smul.u32 $0x280, s1;
	[smem:$0x7FF] =	sst s3  }
0x6: {  	s12 =	sshll.u32 s1, $0x6;
	s7 =	sshll.u32 s5, $0x4;
	s9 =	smul.u32 $0x2800, s5  }
0x7: {  	s5 =	ssub.s32 $0x2, s5;
	_ =	strace $0x80000047;
	s7 =	sor.u32 s1, s7  }
0x8: {  	s10 =	sshrl.u32 s5, $0x1;
	s7 =	smul.u32 $0x280, s7;
	s9 =	sadd.s32 s8, s9  }
0x9: {  	s12 =	sor.u32 $0x1C01, s12;
	s10 =	ssub.s32 s5, s10;
	s9 =	sshrl.u32 s9, $0x3  }
0xa: {  	s7 =	sadd.s32 s7, s4;
	s4 =	sadd.s32 s8, s2;
	s6 =	sadd.s32 s6, s9  }
0xb: {  	s8 =	simm.s32 $0x1480;
	s9 =	simm.s32 $0x1;
	s5 =	sadd.s32 $0xC000, s7  }
0xc: {  	v0 =	vimm.f32 $1.000000000e+00;
	v1 =	vimm.f32 $0.0e+00;
	s7 =	smax.u32 s10, $0x1;
	s10 =	simm.s32 $0x80;
	s13 =	sshrl.u32 s4, $0x3  }
.LBB2_1:
0xd: {  	[tilespmem:$0x1400] =	vst v0  }
0xe: {  	[tilespmem:$0x1410] =	vst v0  }
0xf: {  	[tilespmem:$0x1420] =	vst v0  }
0x10: {  	[tilespmem:$0x1430] =	vst v0  }
0x11: {  	[tilespmem:$0x1440] =	vst v0  }
0x12: {  	[tilespmem:$0x1450] =	vst v0  }
0x13: {  	[tilespmem:$0x1460] =	vst v0  }
0x14: {  	[tilespmem:$0x1470] =	vst v0  }
0x15: {  	[tilespmem:$0x1480] =	vst v1  }
0x16: {  	[tilespmem:$0x1490] =	vst v1  }
0x17: {  	[tilespmem:$0x14A0] =	vst v1  }
0x18: {  	[tilespmem:$0x14B0] =	vst v1  }
0x19: {  	[tilespmem:$0x14C0] =	vst v1  }
0x1a: {  	[tilespmem:$0x14D0] =	vst v1  }
0x1b: {  	[tilespmem:$0x14E0] =	vst v1  }
0x1c: {  	[tilespmem:$0x14F0] =	vst v1  }
0x1d: {  	[tilespmem:$0x1500] =	vst v1  }
0x1e: {  	[tilespmem:$0x1510] =	vst v1  }
0x1f: {  	[tilespmem:$0x1520] =	vst v1  }
0x20: {  	[tilespmem:$0x1530] =	vst v1  }
0x21: {  	[tilespmem:$0x1540] =	vst v1  }
0x22: {  	[tilespmem:$0x1550] =	vst v1  }
0x23: {  	[tilespmem:$0x1560] =	vst v1  }
0x24: {  	[tilespmem:$0x1570] =	vst v1  }
0x25: {  	[tilespmem:$0x1580] =	vst v1  }
0x26: {  	[tilespmem:$0x1590] =	vst v1  }
0x27: {  	[tilespmem:$0x15A0] =	vst v1  }
0x28: {  	[tilespmem:$0x15B0] =	vst v1  }
0x29: {  	[tilespmem:$0x15C0] =	vst v1  }
0x2a: {  	[tilespmem:$0x15D0] =	vst v1  }
0x2b: {  	[tilespmem:$0x15E0] =	vst v1  }
0x2c: {  	[tilespmem:$0x15F0] =	vst v1  }
0x2d: {  	[tilespmem:$0x1600] =	vst v1  }
0x2e: {  	[tilespmem:$0x1610] =	vst v1  }
0x2f: {  	[tilespmem:$0x1620] =	vst v1  }
0x30: {  	[tilespmem:$0x1630] =	vst v1  }
0x31: {  	[tilespmem:$0x1640] =	vst v1  }
0x32: {  	[tilespmem:$0x1650] =	vst v1  }
0x33: {  	[tilespmem:$0x1660] =	vst v1  }
0x34: {  	[tilespmem:$0x1670] =	vst v1  }
0x35: {  	[tilespmem:$0x1680] =	vst v1  }
0x36: {  	[tilespmem:$0x1690] =	vst v1  }
0x37: {  	[tilespmem:$0x16A0] =	vst v1  }
0x38: {  	[tilespmem:$0x16B0] =	vst v1  }
0x39: {  	[tilespmem:$0x16C0] =	vst v1  }
0x3a: {  	[tilespmem:$0x16D0] =	vst v1  }
0x3b: {  	[tilespmem:$0x16E0] =	vst v1  }
0x3c: {  	[tilespmem:$0x16F0] =	vst v1  }
0x3d: {  	[spmem:s4] =	stream.linear.scatter [tilespmem:s8], [sflag:$0x1], $0x280, $0x38;
	[tilespmem:$0x1980] =	vst v63  }
0x3e: {  	_ =	swait.ge [sflag:s9], $0x280  }
0x3f: {  	[sflag:s9] =	ssyncset.done $0x0  }
0x40: {  	[sflag:s9] =	ssyncadd.s32 $0xFFFFFD80  }
0x41: {  	[tilespmem:s3], [sflag:$0x1] =	stream.linear.gather [hbm4b:s5+s3], $0x1400, $0x38;
	[tilespmem:$0x1980] =	vst v63  }
0x42: {  	_ =	swait.ge [sflag:s9], $0x1400  }
0x43: {  	[sflag:s9] =	ssyncset.done $0x0  }
0x44: {  	[sflag:s9] =	ssyncadd.s32 $0xFFFFEC00  }
0x45: {  	s15 =	simm.s32 $0x0;
	[bflag:$0x0] =	sbarrier.arrive $0xFFFF  }
0x46: {  	[spmem:s2] =	stream.indirect.scatter.add.f32 [tilespmem:s11], [sflag:$0x1], $0x1, s15, s10, $0xb8;
	[tilespmem:$0x1980] =	vst v63  }
0x47: {  	_ =	swait.ge [sflag:s9], $0x80  }
0x48: {  	s15 =	simm.s32 $0x200;
	[sflag:s9] =	ssyncset.done $0x0  }
.LBB2_2:
0x49: {  	s16 =	sshra.s32 s15, $0x2;
	[sflag:s9] =	ssyncadd.s32 $0xFFFFFF80;
	p0 =	sne.s32 s15, $0x4E00  }
0x4a: {  	[spmem:s2] =	stream.indirect.scatter.add.f32 [tilespmem:s11], [sflag:$0x1], $0x1, s16, s10, $0xb8;
	[tilespmem:$0x1980] =	vst v63  }
.Ltmp0:
0x4b: {  	_ = 	snop;
	(pc) =	sbr.rel @p0 .LBB2_2-.Ltmp0, $4  }
0x4c: {  	_ = 	snop  }
0x4d: {  	s15 =	sadd.s32 $0x200, s15  }
0x4e: {  	_ =	swait.ge [sflag:s9], $0x80  }
0x4f: {  	[sflag:s9] =	ssyncset.done $0x0  }
0x50: {  	s14 =	sadd.s32 $0x1, s14  }
0x51: {  	[sflag:s9] =	ssyncadd.s32 $0xFFFFFF80;
	p0 =	sne.s32 s14, s7  }
.Ltmp1:
0x52: {  	[bflag:$0x0] =	sbarrier.arrive $0xFFFF;
	(pc) =	sbr.rel @p0 .LBB2_1-.Ltmp1, $4  }
0x53: {  	[hbm:s6], [sflag:s12] =	dma.local [spmem:s13], $0x50  }
0x54: {  	_ =	swait.ge [sflag:s9], $0x50  }
0x55: {  	[sflag:s9] =	ssyncset.done $0x0  }
0x56: {  	[sflag:s9] =	ssyncadd.s32 $0xFFFFFFB0  }
0x57: {  	_ =	sfence.sel $0x180000  }
0x58: {  	[bflag:$0x0] =	sbarrier.arrive $0xFFFF  }
0x59: {  	p0 =	sne.s32 s1, $0x0;
	_ =	strace $0x90000047  }
0x5a: {  	s0 =	sadd.s32 @!p0 $0x100000, s0;
	[bflag:$0x2] =	sbarrier.arrive $0xFFFF  }
0x5b: {  	[sflag:s0] =	ssyncadd.tile.s32 @!p0 $0x1;
	_ =	shalt  }
.Lfunc_end2:
_tile_overlayer_lowered:
.L_overlay_start_2:
0x5c: {  	(tag) =	ssettag $0x2  }
0x5d: {  	s0 =	rddreg [dreg:$0x0];
	s2 =	stileid.u32  }
0x5e: {  	s1 =	rddreg [dreg:$0x1];
	p0 =	sne.s32 s2, $0x0  }
0x5f: {  	s3 =	rddreg [dreg:$0x2];
	[bflag:$0x3] =	sbarrier.arrive $0xFFFF;
	s2 =	simm.s32 @!p0 $0x1C01  }
0x60: {  	[timem:s3], [sflag:s2] =	dma.local @!p0 [hbm:s0], s1  }
0x61: {  	s0 =	simm.s32 @!p0 $0x1  }
0x62: {  	_ =	swait.ge @!p0 [sflag:s0], s1  }
0x63: {  	s1 =	ssub.s32 @!p0 $0x0, s1;
	[sflag:s0] =	ssyncset.done @!p0 $0x0  }
0x64: {  	[sflag:s0] =	ssyncadd.s32 @!p0 s1  }
0x65: {  	[bflag:$0x3] =	sbarrier.arrive $0xFFFF  }
0x66: {  	_ =	shalt  }

// kernel: kernel.9.cloned.1.call-start
scs
__scs_entry_jumppad:
0x0: {  	(pc) =	sbr.rel $0x88, $3  }
0x1: {  	(tag) =	ssettag $0x0;
	lr =	simm.s32 $0x1  }
0x2: {  	[smem:$0x3F9A] =	sst lr;
	_ =	strace $0xD0000000  }
0x3: {  	_ = 	snop  }
0x4: {  	_ = 	snop  }
0x5: {  	_ = 	snop  }
0x6: {  	_ = 	snop  }
0x7: {  	_ = 	snop  }
__scs_overlays_trampoline_lowered:
0x8: {  	[smem:$0x3FA9] =	sst s0  }
0x9: {  	[smem:$0x3FAA] =	sst s1  }
0xa: {  	[smem:$0x3FAB] =	sst s2  }
0xb: {  	[smem:$0x3FAC] =	sst s3  }
0xc: {  	[smem:$0x3FAD] =	sst s4  }
0xd: {  	[smem:$0x3FAE] =	sst s5  }
0xe: {  	[smem:$0x3FAF] =	sst s6  }
0xf: {  	[smem:$0x3FB0] =	sst s7  }
0x10: {  	[smem:$0x3FB1] =	sst s8  }
0x11: {  	[smem:$0x3FB2] =	sst s9;
	s0 =	simm.s32 @!p0 $0x0  }
0x12: {  	s1 =	sld [smem:$0x3F98];
	s0 =	simm.s32 @p0 $0x1  }
0x13: {  	[smem:$0x3FB3] =	sst s0;
	s0 =	simm.s32 @!p1 $0x0  }
0x14: {  	s2 =	sld [smem:$0x3F97];
	s0 =	simm.s32 @p1 $0x1  }
0x15: {  	[smem:$0x3FB4] =	sst s0;
	s0 =	simm.s32 @!p2 $0x0  }
0x16: {  	s3 =	sld [smem:$0x3FDB];
	s0 =	simm.s32 @p2 $0x1  }
0x17: {  	s4 =	simm.s32 $0x1BF5;
	[smem:$0x3FB6] =	sst s0  }
0x18: {  	s0 =	sld [smem:$0x3F99];
	_ =	swait.ge [sflag:s4], $0x0  }
0x19: {  	s7 =	sld [smem:$0x3F9A]  }
0x1a: {  	s8 =	sadd.s32 $0xFFFFE003, lr  }
0x1b: {  	s9 =	sadd.s32 $0xFFFFFEF7, lr;
	s5 =	simm.s32 $0xFFFFFFFF;
	p2 =	slt.u32 s8, $0xFFFFF086  }
0x1c: {  	p1 =	slt.u32 s9, $0xF7A;
	s5 =	simm.s32 @!p2 $0x0  }
0x1d: {  	s5 =	simm.s32 @p1 $0x1;
	p0 =	seq.s32 s7, s2  }
0x1e: {  	s7 =	smul.u32 @!p0 $0xF7A, s2;
	p2 =	seq.s32 @!p0 s5, $0x0  }
0x1f: {  	s9 =	smul.u32 $0xF7A, s1;
	s8 =	simm.s32 @!p0 $0x1BF5;
	p2 =	por !p2, p0  }
0x20: {  	[sflag:s8] =	ssyncset.s32 @!p0 $0xFFFFF086;
	s6 =	sadd.s32 @!p0 s3, s7;
	s7 =	simm.s32 @!p0 $0x108  }
0x21: {  	s3 =	sadd.s32 s3, s9;
	s6 =	sadd.s32 @!p0 $0x88, s6;
	s7 =	simm.s32 @p2 $0x1082  }
0x22: {  	[simem:s7], [sflag:s8] =	dma.local @!p0 [hbm:s6], $0xF7A  }
0x23: {  	s9 =	sor.u32 $0xD0000000, s2;
	s6 =	simm.s32 $0x108;
	_ =	swait.ge @!p0 [sflag:s8], $0x0  }
0x24: {  	s3 =	sadd.s32 $0x88, s3;
	s6 =	simm.s32 @!p1 $0x1082;
	[sflag:s4] =	ssyncset.s32 $0xFFFFF086  }
0x25: {  	[simem:s6], [sflag:s4] =	dma.local [hbm:s3], $0xF7A  }
0x26: {  	[smem:$0x3F9A] =	sst s1;
	(tag) =	ssettag s2;
	_ =	strace s9  }
0x27: {  	s1 =	sld [smem:$0x3FAA]  }
0x28: {  	s2 =	sld [smem:$0x3FAB]  }
0x29: {  	s4 =	sld [smem:$0x3FAD]  }
0x2a: {  	p0 =	seq.s32 s5, $0x0;
	s5 =	sld [smem:$0x3FAE]  }
0x2b: {  	s6 =	sld [smem:$0x3FAF]  }
0x2c: {  	s7 =	sld [smem:$0x3FB0]  }
0x2d: {  	s3 =	simm.s32 $0x108;
	s8 =	sld [smem:$0x3FB1]  }
0x2e: {  	s3 =	simm.s32 @!p0 $0x1082;
	s9 =	sld [smem:$0x3FB2]  }
0x2f: {  	lr =	sadd.s32 s0, s3;
	s0 =	sld [smem:$0x3FA9]  }
0x30: {  	s3 =	sld [smem:$0x3FAC]  }
0x31: {  	[smem:$0x3FB5] =	sst s10  }
0x32: {  	s10 =	sld [smem:$0x3FB3];
	_ =	sdelay $0x3  }
0x33: {  	p0 =	seq.s32 s10, $0x1;
	s10 =	sld [smem:$0x3FB5];
	_ =	sdelay $0x3  }
0x34: {  	[smem:$0x3FB5] =	sst s10  }
0x35: {  	s10 =	sld [smem:$0x3FB4];
	_ =	sdelay $0x3  }
0x36: {  	p1 =	seq.s32 s10, $0x1;
	s10 =	sld [smem:$0x3FB5];
	_ =	sdelay $0x3  }
0x37: {  	[smem:$0x3FB5] =	sst s10  }
0x38: {  	s10 =	sld [smem:$0x3FB6]  }
0x39: {  	_ = 	snop;
	(pc) =	sbr.ind lr, $3  }
0x3a: {  	_ = 	snop  }
0x3b: {  	_ = 	snop  }
0x3c: {  	p2 =	seq.s32 s10, $0x1;
	s10 =	sld [smem:$0x3FB5]  }
0x3d: {  	_ =	shalt  }
0x3e: {  	_ =	shalt  }
0x3f: {  	_ =	shalt  }
0x40: {  	_ =	shalt  }
0x41: {  	_ =	shalt  }
0x42: {  	_ =	shalt  }
0x43: {  	_ =	shalt  }
0x44: {  	_ =	shalt  }
0x45: {  	_ =	shalt  }
0x46: {  	_ =	shalt  }
0x47: {  	_ =	shalt  }
0x48: {  	_ =	shalt  }
0x49: {  	_ =	shalt  }
0x4a: {  	_ =	shalt  }
0x4b: {  	_ =	shalt  }
0x4c: {  	_ =	shalt  }
0x4d: {  	_ =	shalt  }
0x4e: {  	_ =	shalt  }
0x4f: {  	_ =	shalt  }
0x50: {  	_ =	shalt  }
0x51: {  	_ =	shalt  }
0x52: {  	_ =	shalt  }
0x53: {  	_ =	shalt  }
0x54: {  	_ =	shalt  }
0x55: {  	_ =	shalt  }
0x56: {  	_ =	shalt  }
0x57: {  	_ =	shalt  }
0x58: {  	_ =	shalt  }
0x59: {  	_ =	shalt  }
0x5a: {  	_ =	shalt  }
0x5b: {  	_ =	shalt  }
0x5c: {  	_ =	shalt  }
0x5d: {  	_ =	shalt  }
0x5e: {  	_ =	shalt  }
0x5f: {  	_ =	shalt  }
0x60: {  	_ =	shalt  }
0x61: {  	_ =	shalt  }
0x62: {  	_ =	shalt  }
0x63: {  	_ =	shalt  }
0x64: {  	_ =	shalt  }
0x65: {  	_ =	shalt  }
0x66: {  	_ =	shalt  }
0x67: {  	_ =	shalt  }
0x68: {  	_ =	shalt  }
0x69: {  	_ =	shalt  }
0x6a: {  	_ =	shalt  }
0x6b: {  	_ =	shalt  }
0x6c: {  	_ =	shalt  }
0x6d: {  	_ =	shalt  }
0x6e: {  	_ =	shalt  }
0x6f: {  	_ =	shalt  }
0x70: {  	_ =	shalt  }
0x71: {  	_ =	shalt  }
0x72: {  	_ =	shalt  }
0x73: {  	_ =	shalt  }
0x74: {  	_ =	shalt  }
0x75: {  	_ =	shalt  }
0x76: {  	_ =	shalt  }
0x77: {  	_ =	shalt  }
0x78: {  	_ =	shalt  }
0x79: {  	_ =	shalt  }
0x7a: {  	_ =	shalt  }
0x7b: {  	_ =	shalt  }
0x7c: {  	_ =	shalt  }
0x7d: {  	_ =	shalt  }
0x7e: {  	_ =	shalt  }
0x7f: {  	_ =	shalt  }
0x80: {  	_ =	shalt  }
0x81: {  	_ =	shalt  }
0x82: {  	_ =	shalt  }
0x83: {  	_ =	shalt  }
0x84: {  	_ =	shalt  }
0x85: {  	_ =	shalt  }
0x86: {  	_ =	shalt  }
0x87: {  	_ =	shalt  }
.Lfunc_end0:
.L_simem_size_0:
called_computation.1_lowered:
.L_overlay_start_0:
0x88: {  	s2 =	sld [smem:$0x3FD9]  }
0x89: {  	s3 =	sld [smem:$0x3FFE];
	_ =	sdelay $0x1  }
0x8a: {  	s1 =	srdreg.scid  }
0x8b: {  	s0 =	sand.u32 $0x1, s1  }
0x8c: {  	s16 =	sshll.u32 s0, $0xA;
	s2 =	sadd.s32 s3, s2  }
0x8d: {  	s2 =	sadd.s32 s2, s16  }
0x8e: {  	[smem:$0x3FC1] =	sst s2  }
0x8f: {  	_ = 	snop  }
0x90: {  	(tm) =	ssettm $0x1  }
0x91: {  	s17 =	sld [smem:$0x3FFB];
	_ =	sdelay $0x3  }
0x92: {  	_ =	strace s17  }
0x93: {  	s2 =	sld [smem:$0x3FFC];
	_ =	sdelay $0x3  }
0x94: {  	_ =	strace s2  }
0x95: {  	s2 =	sld [smem:$0x3FFD];
	_ =	sdelay $0x3  }
0x96: {  	_ =	strace s2  }
0x97: {  	_ =	strace $0x8FFFFFFF  }
0x98: {  	s18 =	sld [smem:$0x3FDB];
	_ =	sdelay $0x1  }
0x99: {  	s19 =	simm.s32 $_scs_section_size  }
0x9a: {  	s4 =	simm.s32 $_size__tile_overlayer_lowered;
	s5 =	simm.s32 $_tile_overlayer_lowered  }
0x9b: {  	s22 =	simm.s32 $0x1BFF;
	s21 =	sshll.u32 s5, $0x1;
	s2 =	sadd.s32 s19, s18  }
0x9c: {  	s6 =	simm.s32 $0x0;
	s20 =	sshll.u32 s4, $0x1;
	s4 =	sadd.s32 s21, s2  }
0x9d: {  	[timem:s6], [sflag:s22] =	dma.local [hbm:s4], s20  }
0x9e: {  	_ =	swait.ge [sflag:s22], s20  }
0x9f: {  	s3 =	ssub.s32 $0x0, s20;
	[sflag:s22] =	ssyncset.done $0x0  }
0xa0: {  	[sflag:s22] =	ssyncadd.s32 s3;
	_ =	sdelay $0x1  }
0xa1: {  	s23 =	simm.s32 $0x1B8B  }
0xa2: {  	_ =	swait.ge [sflag:s23], $0x1  }
0xa3: {  	[sflag:s23] =	ssyncset.done $0x0  }
0xa4: {  	s25 =	simm.s32 $0x1B8E;
	s24 =	sld [smem:$0x3FFE];
	[sflag:s23] =	ssyncadd.s32 $0xFFFFFFFF  }
0xa5: {  	s26 =	simm.s32 $execute0_lowered;
	[smem:$0x3FD2] =	sst s25  }
0xa6: {  	s4 =	sshll.u32 s26, $0x1;
	_ =	strace $0x80000049;
	[dreg:$0x1] =	wrdreg $0xFFFFFFFF  }
0xa7: {  	s28 =	simm.s32 $_size_execute0_lowered;
	s2 =	sadd.s32 s2, s4;
	[dreg:$0x0] =	wrdreg $0x0  }
0xa8: {  	s4 =	sshll.u32 s28, $0x1;
	[dreg:$0x2] =	wrdreg s2  }
0xa9: {  	[dreg:$0x3] =	wrdreg s4  }
0xaa: {  	[dreg:$0x4] =	wrdreg $0xC0  }
0xab: {  	_ =	task [dreg:s6], $0x5FFFF  }
0xac: {  	[dreg:$0x1] =	wrdreg $0xFFFFFFFF  }
0xad: {  	[dreg:$0x0] =	wrdreg $0x60  }
0xae: {  	[dreg:$0x2] =	wrdreg s24  }
0xaf: {  	[dreg:$0x3] =	wrdreg $0xC2000  }
0xb0: {  	[dreg:$0x4] =	wrdreg $0x9  }
0xb1: {  	_ =	task.clear_ibuf [dreg:s6], $0x5FFFF;
	_ =	strace $0x90000049  }
0xb2: {  	s29 =	simm.s32 $0x9;
	_ =	strace $0x8000004B  }
0xb3: {  	_ =	swait.ge [sflag:s29], $0x1  }
0xb4: {  	[sflag:s29] =	ssyncadd.s32 $0xFFFFFFFF  }
0xb5: {  	_ =	strace $0x9000004B  }
0xb6: {  	_ =	sfence  }
0xb7: {  	s30 =	sld [smem:$0x0];
	_ =	sdelay $0x2  }
0xb8: {  	s31 =	sshll.u32 s1, $0xD;
	s1 =	sshrl.u32 s1, $0x2  }
0xb9: {  	s3 =	sand.u32 $0x4000, s31;
	s1 =	sadd.s32 s1, s30  }
0xba: {  	s0 =	sor.u32 s3, s0;
	s1 =	sshll.u32 s1, $0x11  }
0xbb: {  	s0 =	sor.u32 s1, s0  }
0xbc: {  	s0 =	sadd.s32 $0x8F2B, s0  }
0xbd: {  	[sflag:s0] =	ssyncadd.remote.s32 $0x1  }
0xbe: {  	_ =	sfence.sel $0xFFFF  }
0xbf: {  	[dreg:$0x0] =	wrdreg $0xFFFFFFFF;
	(pc) =	sbr.abs _section_cstart, $3  }
0xc0: {  	[dreg:$0x1] =	wrdreg $0xFFFFFFFF  }
0xc1: {  	_ =	task.clear_ibuf [dreg:s6], $0x2FFFF;
	_ =	strace $0x9FFFFFFF  }
0xc2: {  	(tm) =	ssettm $0x7FFFFFFF  }
0xc3: {  	_ =	shalt  }
tec
execute0_lowered:
.L_overlay_start_1:
0x0: {  	(tag) =	ssettag $0x1  }
0x1: {  	s0 =	rddreg [dreg:$0x0]  }
0x2: {  	s1 =	rddreg [dreg:$0x1];
	s2 =	simm.s32 $0x0;
	s3 =	srdreg.scid  }
0x3: {  	s20 =	stileid.u32;
	s30 =	simm.s32 $0x3;
	s31 =	simm.s32 $0x80  }
0x4: {  	[smem:$0x7FF] =	sst s2;
	s4 =	sadd.s32 $0x2000, s0;
	s7 =	smul.u32 $0x4E000, s20  }
0x5: {  	s3 =	sand.u32 $0x1, s3;
	s5 =	sadd.s32 $0x7000, s0;
	s10 =	smul.u32 $0x270, s20  }
0x6: {  	s8 =	sadd.s32 $0xC000, s0;
	s0 =	sadd.s32 $0xA8400, s0;
	s11 =	smul.u32 $0x2710, s20  }
0x7: {  	p0 =	sne.s32 s20, $0xF;
	s6 =	ssub.s32 $0x2, s3;
	s12 =	smul.u32 $0x271000, s3  }
0x8: {  	_ =	strace $0x8000004A;
	s3 =	smul.u32 $0x4E200, s3;
	s9 =	sshrl.u32 s6, $0x1  }
0x9: {  	s17 =	sshrl.u32 s7, $0x2;
	s16 =	sadd.s32 $0x80, s10;
	s21 =	sadd.s32 $0x180, s10  }
0xa: {  	s11 =	sshrl.u32 s11, $0x3;
	s9 =	ssub.s32 s6, s9;
	s6 =	sadd.s32 s17, s1  }
0xb: {  	s18 =	sshll.u32 s16, $0x7;
	s17 =	sadd.s32 $0x100, s10;
	s22 =	sshll.u32 s21, $0x7  }
0xc: {  	s24 =	sadd.s32 s5, s11;
	s7 =	sshrl.u32 s12, $0x3;
	[dreg:$0x3] =	wrdreg s6  }
0xd: {  	s12 =	sadd.s32 s8, s3;
	s3 =	sadd.s32 s0, s3;
	[dreg:$0x8] =	wrdreg s24  }
0xe: {  	s10 =	sadd.s32 $0x200, s10;
	s26 =	sadd.s32 s4, s11;
	[dreg:$0x14] =	wrdreg s3  }
0xf: {  	s13 =	sadd.s32 $0x10, s11;
	s29 =	sshll.u32 s16, $0x4;
	[dreg:$0x7] =	wrdreg s26  }
0x10: {  	s11 =	sadd.s32 $0x4E0, s11;
	s6 =	sadd.s32 s18, s1;
	[dreg:$0xe] =	wrdreg s29  }
0x11: {  	s19 =	sshll.u32 s17, $0x7;
	s23 =	sadd.s32 s22, s1;
	[dreg:$0x4] =	wrdreg s6  }
0x12: {  	s25 =	sadd.s32 s4, s13;
	s28 =	sadd.s32 s5, s13;
	[dreg:$0x6] =	wrdreg s23  }
0x13: {  	s15 =	sadd.s32 $0x27100, s7;
	s13 =	smul.u32 $0x4E2, s20;
	[dreg:$0x9] =	wrdreg s25  }
0x14: {  	s7 =	sadd.s32 s5, s11;
	s22 =	sshll.u32 s17, $0x4;
	[dreg:$0xa] =	wrdreg s28  }
0x15: {  	s24 =	sshll.u32 s10, $0x4;
	s20 =	smul.u32 $0x2700, s20;
	[dreg:$0xf] =	wrdreg s22  }
0x16: {  	s3 =	simm.s32 $0x180;
	s17 =	simm.s32 $0x0;
	[dreg:$0x11] =	wrdreg s24  }
0x17: {  	s6 =	sadd.s32 s19, s1;
	s14 =	sadd.s32 s8, s15;
	[dreg:$0xc] =	wrdreg s7  }
0x18: {  	s0 =	sadd.s32 s0, s15;
	s15 =	sshll.u32 s10, $0x7;
	[dreg:$0x5] =	wrdreg s6  }
0x19: {  	s23 =	sshll.u32 s21, $0x4;
	s25 =	smax.u32 s9, $0x1;
	[dreg:$0x16] =	wrdreg s0  }
0x1a: {  	s28 =	sadd.s32 $0x138000, s1;
	s8 =	simm.s32 $0x1;
	[dreg:$0x10] =	wrdreg s23  }
0x1b: {  	s9 =	simm.s32 $0x4200;
	s10 =	simm.s32 $0x4;
	[dreg:$0x12] =	wrdreg s25  }
0x1c: {  	s6 =	sadd.s32 s4, s11;
	s18 =	sadd.s32 s13, s5;
	[dreg:$0x13] =	wrdreg s28  }
0x1d: {  	s19 =	sadd.s32 s13, s4;
	s0 =	sadd.s32 s15, s1;
	[dreg:$0x15] =	wrdreg s20  }
0x1e: {  	s25 =	simm.s32 $0x200;
	s11 =	simm.s32 $0x2;
	[dreg:$0xd] =	wrdreg s0  }
0x1f: {  	v0 =	vimm.f32 $0.0e+00;
	s15 =	simm.s32 $0x10;
	s0 =	simm.s32 $0x100;
	[dreg:$0xb] =	wrdreg s6  }
.LBB2_1:
0x20: {  	s4 =	sand.u32 $0xFE00, s2  }
0x21: {  	s5 =	sand.u32 $0x70, s2;
	s16 =	sshrl.u32 s4, $0x2  }
0x22: {  	s4 =	simm.s32 $0x40;
	s16 =	sor.u32 s5, s16;
	s5 =	simm.s32 $0x0  }
.LBB2_2:
0x23: {  	p1 =	sne.s32 s4, $0xFFC0  }
0x24: {  	[tilespmem:s16+$0x8200] =	vst v0;
	s5 =	sadd.s32 $0x10, s5;
	s16 =	smov.u32 s4;
	s4 =	sadd.s32 $0x40, s4  }
.Ltmp0:
0x25: {  	(pc) =	sbr.rel @p1 .LBB2_2-.Ltmp0, $4  }
0x26: {  	_ = 	snop  }
0x27: {  	s16 =	sand.u32 $0xFE00, s16  }
0x28: {  	s21 =	sand.u32 $0x70, s5;
	s16 =	sshrl.u32 s16, $0x2  }
0x29: {  	s16 =	sor.u32 s21, s16  }
0x2a: {  	[tilespmem:s16+$0x8200] =	vst v0;
	s4 =	rddreg [dreg:$0x3];
	s5 =	simm.s32 $0x8200  }
0x2b: {  	[spmem:s4] =	stream.linear.scatter [tilespmem:s5], [sflag:$0x3], $0x4000, $0x38;
	[tilespmem:$0x1FA80] =	vst v63  }
0x2c: {  	_ =	swait.ge [sflag:s30], $0x4000  }
0x2d: {  	[sflag:s30] =	ssyncset.done $0x0  }
0x2e: {  	s22 =	rddreg [dreg:$0x4];
	[sflag:s30] =	ssyncadd.s32 $0xFFFFC000  }
0x2f: {  	[spmem:s22] =	stream.linear.scatter [tilespmem:s5], [sflag:$0x3], $0x4000, $0x38;
	[tilespmem:$0x1FA80] =	vst v63  }
0x30: {  	_ =	swait.ge [sflag:s30], $0x4000  }
0x31: {  	[sflag:s30] =	ssyncset.done $0x0  }
0x32: {  	s23 =	rddreg [dreg:$0x5];
	[sflag:s30] =	ssyncadd.s32 $0xFFFFC000  }
0x33: {  	[spmem:s23] =	stream.linear.scatter [tilespmem:s5], [sflag:$0x3], $0x4000, $0x38;
	[tilespmem:$0x1FA80] =	vst v63  }
0x34: {  	_ =	swait.ge [sflag:s30], $0x4000  }
0x35: {  	[sflag:s30] =	ssyncset.done $0x0  }
0x36: {  	s24 =	rddreg [dreg:$0x6];
	[sflag:s30] =	ssyncadd.s32 $0xFFFFC000  }
0x37: {  	[spmem:s24] =	stream.linear.scatter [tilespmem:s5], [sflag:$0x3], $0x4000, $0x38;
	[tilespmem:$0x1FA80] =	vst v63  }
0x38: {  	_ =	swait.ge [sflag:s30], $0x4000  }
0x39: {  	[sflag:s30] =	ssyncset.done $0x0  }
0x3a: {  	s28 =	rddreg [dreg:$0xd];
	[sflag:s30] =	ssyncadd.s32 $0xFFFFC000  }
0x3b: {  	[spmem:s28] =	stream.linear.scatter [tilespmem:s5], [sflag:$0x3], $0x3800, $0x38;
	[tilespmem:$0x1FA80] =	vst v63  }
0x3c: {  	_ =	swait.ge [sflag:s30], $0x3800  }
0x3d: {  	[sflag:s30] =	ssyncset.done $0x0  }
0x3e: {  	s4 =	simm.s32 @!p0 $0x8200;
	s5 =	rddreg [dreg:$0x13];
	[sflag:s30] =	ssyncadd.s32 $0xFFFFC800  }
0x3f: {  	[spmem:s5] =	stream.linear.scatter @!p0 [tilespmem:s4], [sflag:$0x3], $0x800, $0x38;
	[tilespmem:$0x1FA80] =	vst v63  }
0x40: {  	s4 =	simm.s32 @!p0 $0x3  }
0x41: {  	_ =	swait.ge @!p0 [sflag:s4], $0x800  }
0x42: {  	[sflag:s4] =	ssyncset.done @!p0 $0x0  }
0x43: {  	[sflag:s4] =	ssyncadd.s32 @!p0 $0xFFFFF800  }
0x44: {  	[bflag:$0x0] =	sbarrier.arrive $0xFFFF  }
0x45: {  	[tilespmem:s2], [sflag:$0x3] =	stream.linear.gather [hbm4b:s26+s2], $0x80, $0x38;
	[tilespmem:$0x1FA80] =	vst v63  }
0x46: {  	_ =	swait.ge [sflag:s30], $0x80  }
0x47: {  	[sflag:s30] =	ssyncset.done $0x0  }
0x48: {  	s13 =	rddreg [dreg:$0x8];
	[sflag:s30] =	ssyncadd.s32 $0xFFFFFF80  }
0x49: {  	[tilespmem:s31], [sflag:$0x3] =	stream.linear.gather [hbm4b:s13+s2], $0x80, $0x38;
	[tilespmem:$0x1FA80] =	vst v63  }
0x4a: {  	_ =	swait.ge [sflag:s30], $0x80  }
0x4b: {  	[sflag:s30] =	ssyncset.done $0x0  }
0x4c: {  	s16 =	rddreg [dreg:$0x9];
	[sflag:s30] =	ssyncadd.s32 $0xFFFFFF80  }
0x4d: {  	[tilespmem:s0], [sflag:$0x3] =	stream.linear.gather [hbm4b:s16+s2], $0x80, $0x38;
	[tilespmem:$0x1FA80] =	vst v63  }
0x4e: {  	_ =	swait.ge [sflag:s30], $0x80  }
0x4f: {  	[sflag:s30] =	ssyncset.done $0x0  }
0x50: {  	s21 =	rddreg [dreg:$0xa];
	[sflag:s30] =	ssyncadd.s32 $0xFFFFFF80  }
0x51: {  	[tilespmem:s3], [sflag:$0x3] =	stream.linear.gather [hbm4b:s21+s2], $0x80, $0x38;
	[tilespmem:$0x1FA80] =	vst v63  }
0x52: {  	_ =	swait.ge [sflag:s30], $0x80  }
0x53: {  	[sflag:s30] =	ssyncset.done $0x0  }
0x54: {  	[sflag:s30] =	ssyncadd.s32 $0xFFFFFF80  }
0x55: {  	[tilespmem:s25], [sflag:$0x1] =	stream.indirect.gather [hbm4b:s12+s31], $0x80, s2, s31, $0xb8;
	[tilespmem:$0x1FA80] =	vst v63  }
0x56: {  	_ =	swait.ge [sflag:s8], $0x4000  }
0x57: {  	[sflag:s8] =	ssyncset.done $0x0  }
0x58: {  	[sflag:s8] =	ssyncadd.s32 $0xFFFFC000  }
0x59: {  	[tilespmem:s9], [sflag:$0x2] =	stream.indirect.gather [hbm4b:s12+s31], $0x80, s0, s31, $0xb8;
	[tilespmem:$0x1FA80] =	vst v63  }
0x5a: {  	_ = 	snop  }
0x5b: {  	[spmem:s1] =	stream.indirect.scatter.add.f32 [tilespmem:s25], [sflag:$0x4], $0x80, s31, s31, $0xb8;
	[tilespmem:$0x1FA80] =	vst v63  }
0x5c: {  	_ =	swait.ge [sflag:s10], $0x4000  }
0x5d: {  	s22 =	sadd.s32 $0xFFFFFB40, s19;
	[sflag:s10] =	ssyncset.done $0x0  }
0x5e: {  	s23 =	sadd.s32 $0x4E0, s22;
	[sflag:s10] =	ssyncadd.s32 $0xFFFFC000  }
0x5f: {  	[tilespmem:s2], [sflag:$0x4] =	stream.linear.gather [hbm4b:s23+s2], $0x80, $0x38;
	[tilespmem:$0x1FA80] =	vst v63  }
0x60: {  	_ =	swait.ge [sflag:s10], $0x80  }
0x61: {  	s24 =	sadd.s32 $0xFFFFFB40, s18;
	[sflag:s10] =	ssyncset.done $0x0  }
0x62: {  	s26 =	sadd.s32 $0x4E0, s24;
	[sflag:s10] =	ssyncadd.s32 $0xFFFFFF80  }
0x63: {  	[tilespmem:s31], [sflag:$0x4] =	stream.linear.gather [hbm4b:s26+s2], $0x80, $0x38;
	[tilespmem:$0x1FA80] =	vst v63  }
0x64: {  	_ =	swait.ge [sflag:s10], $0x80  }
0x65: {  	[sflag:s10] =	ssyncset.done $0x0  }
0x66: {  	[sflag:s10] =	ssyncadd.s32 $0xFFFFFF80  }
0x67: {  	_ =	swait.ge [sflag:s11], $0x4000  }
0x68: {  	[sflag:s11] =	ssyncset.done $0x0  }
0x69: {  	[sflag:s11] =	ssyncadd.s32 $0xFFFFC000  }
0x6a: {  	[tilespmem:s25], [sflag:$0x1] =	stream.indirect.gather [hbm4b:s12+s31], $0x80, s2, s31, $0xb8;
	[tilespmem:$0x1FA80] =	vst v63  }
0x6b: {  	_ = 	snop  }
0x6c: {  	[spmem:s1] =	stream.indirect.scatter.add.f32 [tilespmem:s9], [sflag:$0x4], $0x80, s3, s31, $0xb8;
	[tilespmem:$0x1FA80] =	vst v63  }
0x6d: {  	_ =	swait.ge [sflag:s10], $0x4000  }
0x6e: {  	[sflag:s10] =	ssyncset.done $0x0  }
0x6f: {  	s4 =	sadd.s32 $0x4F0, s22;
	[sflag:s10] =	ssyncadd.s32 $0xFFFFC000  }
0x70: {  	[tilespmem:s0], [sflag:$0x4] =	stream.linear.gather [hbm4b:s4+s2], $0x80, $0x38;
	[tilespmem:$0x1FA80] =	vst v63  }
0x71: {  	_ =	swait.ge [sflag:s10], $0x80  }
0x72: {  	[sflag:s10] =	ssyncset.done $0x0  }
0x73: {  	s28 =	sadd.s32 $0x4F0, s24;
	[sflag:s10] =	ssyncadd.s32 $0xFFFFFF80  }
0x74: {  	[tilespmem:s3], [sflag:$0x3] =	stream.linear.gather [hbm4b:s28+s2], $0x80, $0x38;
	[tilespmem:$0x1FA80] =	vst v63  }
0x75: {  	_ =	swait.ge [sflag:s30], $0x80  }
0x76: {  	s4 =	simm.s32 $0xFFFFFB60;
	[sflag:s30] =	ssyncset.done $0x0  }
.LBB2_4:
0x77: {  	p1 =	sne.s32 s4, $0xFFFFFFE0  }
0x78: {  	[sflag:s30] =	ssyncadd.s32 $0xFFFFFF80;
	s5 =	smov.u32 s4;
	s4 =	sadd.s32 $0x20, s4  }
0x79: {  	_ =	swait.ge [sflag:s8], $0x4000  }
0x7a: {  	[sflag:s8] =	ssyncset.done $0x0  }
0x7b: {  	[sflag:s8] =	ssyncadd.s32 $0xFFFFC000  }
0x7c: {  	[tilespmem:s9], [sflag:$0x2] =	stream.indirect.gather [hbm4b:s12+s31], $0x80, s0, s31, $0xb8;
	[tilespmem:$0x1FA80] =	vst v63  }
0x7d: {  	_ = 	snop  }
0x7e: {  	[spmem:s1] =	stream.indirect.scatter.add.f32 [tilespmem:s25], [sflag:$0x4], $0x80, s31, s31, $0xb8;
	[tilespmem:$0x1FA80] =	vst v63  }
0x7f: {  	_ =	swait.ge [sflag:s10], $0x4000  }
0x80: {  	s16 =	sadd.s32 s5, s19;
	[sflag:s10] =	ssyncset.done $0x0  }
0x81: {  	s21 =	sadd.s32 $0x4E0, s16;
	[sflag:s10] =	ssyncadd.s32 $0xFFFFC000  }
0x82: {  	[tilespmem:s2], [sflag:$0x4] =	stream.linear.gather [hbm4b:s21+s2], $0x80, $0x38;
	[tilespmem:$0x1FA80] =	vst v63  }
0x83: {  	_ =	swait.ge [sflag:s10], $0x80  }
0x84: {  	s5 =	sadd.s32 s5, s18;
	[sflag:s10] =	ssyncset.done $0x0  }
0x85: {  	s21 =	sadd.s32 $0x4E0, s5;
	[sflag:s10] =	ssyncadd.s32 $0xFFFFFF80  }
0x86: {  	[tilespmem:s31], [sflag:$0x4] =	stream.linear.gather [hbm4b:s21+s2], $0x80, $0x38;
	[tilespmem:$0x1FA80] =	vst v63  }
0x87: {  	_ =	swait.ge [sflag:s10], $0x80  }
0x88: {  	[sflag:s10] =	ssyncset.done $0x0  }
0x89: {  	[sflag:s10] =	ssyncadd.s32 $0xFFFFFF80  }
0x8a: {  	_ =	swait.ge [sflag:s11], $0x4000  }
0x8b: {  	[sflag:s11] =	ssyncset.done $0x0  }
0x8c: {  	[sflag:s11] =	ssyncadd.s32 $0xFFFFC000  }
0x8d: {  	[tilespmem:s25], [sflag:$0x1] =	stream.indirect.gather [hbm4b:s12+s31], $0x80, s2, s31, $0xb8;
	[tilespmem:$0x1FA80] =	vst v63  }
0x8e: {  	_ = 	snop  }
0x8f: {  	[spmem:s1] =	stream.indirect.scatter.add.f32 [tilespmem:s9], [sflag:$0x4], $0x80, s3, s31, $0xb8;
	[tilespmem:$0x1FA80] =	vst v63  }
0x90: {  	_ =	swait.ge [sflag:s10], $0x4000  }
0x91: {  	[sflag:s10] =	ssyncset.done $0x0  }
0x92: {  	s16 =	sadd.s32 $0x4F0, s16;
	[sflag:s10] =	ssyncadd.s32 $0xFFFFC000  }
0x93: {  	[tilespmem:s0], [sflag:$0x4] =	stream.linear.gather [hbm4b:s16+s2], $0x80, $0x38;
	[tilespmem:$0x1FA80] =	vst v63  }
0x94: {  	_ =	swait.ge [sflag:s10], $0x80  }
.Ltmp1:
0x95: {  	[sflag:s10] =	ssyncset.done $0x0;
	(pc) =	sbr.rel @p1 .LBB2_4-.Ltmp1, $4  }
0x96: {  	s5 =	sadd.s32 $0x4F0, s5;
	[sflag:s10] =	ssyncadd.s32 $0xFFFFFF80  }
0x97: {  	[tilespmem:s3], [sflag:$0x3] =	stream.linear.gather [hbm4b:s5+s2], $0x80, $0x38;
	[tilespmem:$0x1FA80] =	vst v63  }
0x98: {  	_ =	swait.ge [sflag:s30], $0x80  }
0x99: {  	[sflag:s30] =	ssyncset.done $0x0  }
0x9a: {  	[sflag:s30] =	ssyncadd.s32 $0xFFFFFF80  }
0x9b: {  	_ =	swait.ge [sflag:s8], $0x4000  }
0x9c: {  	[sflag:s8] =	ssyncset.done $0x0  }
0x9d: {  	[sflag:s8] =	ssyncadd.s32 $0xFFFFC000  }
0x9e: {  	[tilespmem:s9], [sflag:$0x2] =	stream.indirect.gather [hbm4b:s12+s31], $0x80, s0, s31, $0xb8;
	[tilespmem:$0x1FA80] =	vst v63  }
0x9f: {  	_ = 	snop  }
0xa0: {  	[spmem:s1] =	stream.indirect.scatter.add.f32 [tilespmem:s25], [sflag:$0x4], $0x80, s31, s31, $0xb8;
	[tilespmem:$0x1FA80] =	vst v63  }
0xa1: {  	_ =	swait.ge [sflag:s10], $0x4000  }
0xa2: {  	[sflag:s10] =	ssyncset.done $0x0  }
0xa3: {  	[sflag:s10] =	ssyncadd.s32 $0xFFFFC000  }
0xa4: {  	_ =	swait.ge [sflag:s11], $0x4000  }
0xa5: {  	[sflag:s11] =	ssyncset.done $0x0  }
0xa6: {  	[sflag:s11] =	ssyncadd.s32 $0xFFFFC000  }
0xa7: {  	[spmem:s1] =	stream.indirect.scatter.add.f32 [tilespmem:s9], [sflag:$0x4], $0x80, s3, s31, $0xb8;
	[tilespmem:$0x1FA80] =	vst v63  }
0xa8: {  	_ =	swait.ge [sflag:s10], $0x4000  }
0xa9: {  	[sflag:s10] =	ssyncset.done $0x0  }
0xaa: {  	[sflag:s10] =	ssyncadd.s32 $0xFFFFC000  }
0xab: {  	[tilespmem:s2], [sflag:$0x3] =	stream.linear.gather [hbm4b:s6+s2], $0x10, $0x38;
	[tilespmem:$0x1FA80] =	vst v63  }
0xac: {  	_ =	swait.ge [sflag:s30], $0x10  }
0xad: {  	[sflag:s30] =	ssyncset.done $0x0  }
0xae: {  	[sflag:s30] =	ssyncadd.s32 $0xFFFFFFF0  }
0xaf: {  	[tilespmem:s31], [sflag:$0x3] =	stream.linear.gather [hbm4b:s7+s2], $0x10, $0x38;
	[tilespmem:$0x1FA80] =	vst v63  }
0xb0: {  	_ =	swait.ge [sflag:s30], $0x10  }
0xb1: {  	[sflag:s30] =	ssyncset.done $0x0  }
0xb2: {  	[sflag:s30] =	ssyncadd.s32 $0xFFFFFFF0  }
0xb3: {  	[tilespmem:s25], [sflag:$0x1] =	stream.indirect.gather [hbm4b:s12+s15], $0x80, s2, s15, $0xb8;
	[tilespmem:$0x1FA80] =	vst v63  }
0xb4: {  	_ =	swait.ge [sflag:s8], $0x800  }
0xb5: {  	[sflag:s8] =	ssyncset.done $0x0  }
0xb6: {  	[sflag:s8] =	ssyncadd.s32 $0xFFFFF800  }
0xb7: {  	[spmem:s1] =	stream.indirect.scatter.add.f32 [tilespmem:s25], [sflag:$0x3], $0x80, s31, s15, $0xb8;
	[tilespmem:$0x1FA80] =	vst v63  }
0xb8: {  	_ =	swait.ge [sflag:s30], $0x800  }
0xb9: {  	[sflag:s30] =	ssyncset.done $0x0  }
0xba: {  	[sflag:s30] =	ssyncadd.s32 $0xFFFFF800  }
0xbb: {  	[bflag:$0x0] =	sbarrier.arrive $0xFFFF  }
0xbc: {  	s4 =	stileid.u32;
	s13 =	rddreg [dreg:$0x14]  }
0xbd: {  	s4 =	sshll.u32 s4, $0x6;
	s6 =	rddreg [dreg:$0x3]  }
0xbe: {  	s21 =	sor.u32 $0x1C03, s4;
	s5 =	sadd.s32 s20, s13;
	s22 =	sshrl.u32 s6, $0x3  }
0xbf: {  	[hbm:s5], [sflag:s21] =	dma.local [spmem:s22], $0x800  }
0xc0: {  	_ =	swait.ge [sflag:s30], $0x800  }
0xc1: {  	[sflag:s30] =	ssyncset.done $0x0;
	s7 =	rddreg [dreg:$0x4]  }
0xc2: {  	s24 =	sadd.s32 s29, s13;
	[sflag:s30] =	ssyncadd.s32 $0xFFFFF800;
	s23 =	sshrl.u32 s7, $0x3  }
0xc3: {  	[hbm:s24], [sflag:s21] =	dma.local [spmem:s23], $0x800  }
0xc4: {  	_ =	swait.ge [sflag:s30], $0x800  }
0xc5: {  	s26 =	rddreg [dreg:$0xf]  }
0xc6: {  	[sflag:s30] =	ssyncset.done $0x0;
	s20 =	rddreg [dreg:$0x5]  }
0xc7: {  	[sflag:s30] =	ssyncadd.s32 $0xFFFFF800;
	s4 =	sadd.s32 s26, s13;
	s24 =	sshrl.u32 s20, $0x3  }
0xc8: {  	[hbm:s4], [sflag:s21] =	dma.local [spmem:s24], $0x800  }
0xc9: {  	_ =	swait.ge [sflag:s30], $0x800  }
0xca: {  	s29 =	rddreg [dreg:$0x10]  }
0xcb: {  	[sflag:s30] =	ssyncset.done $0x0;
	s26 =	rddreg [dreg:$0x6]  }
0xcc: {  	[sflag:s30] =	ssyncadd.s32 $0xFFFFF800;
	s4 =	sadd.s32 s29, s13;
	s28 =	sshrl.u32 s26, $0x3  }
0xcd: {  	[hbm:s4], [sflag:s21] =	dma.local [spmem:s28], $0x800  }
0xce: {  	_ =	swait.ge [sflag:s30], $0x800  }
0xcf: {  	s5 =	rddreg [dreg:$0x11]  }
0xd0: {  	[sflag:s30] =	ssyncset.done $0x0;
	s29 =	rddreg [dreg:$0xd]  }
0xd1: {  	[sflag:s30] =	ssyncadd.s32 $0xFFFFF800;
	s4 =	sadd.s32 s5, s13;
	s16 =	sshrl.u32 s29, $0x3  }
0xd2: {  	[hbm:s4], [sflag:s21] =	dma.local [spmem:s16], $0x700  }
0xd3: {  	_ =	swait.ge [sflag:s30], $0x700  }
0xd4: {  	s5 =	sadd.s32 @!p0 $0x27000, s13;
	[sflag:s30] =	ssyncset.done $0x0;
	s13 =	rddreg [dreg:$0x13]  }
0xd5: {  	[sflag:s30] =	ssyncadd.s32 $0xFFFFF900;
	s4 =	sshrl.u32 @!p0 s13, $0x3  }
0xd6: {  	[hbm:s5], [sflag:s21] =	dma.local @!p0 [spmem:s4], $0x100  }
0xd7: {  	s5 =	simm.s32 @!p0 $0x3  }
0xd8: {  	_ =	swait.ge @!p0 [sflag:s5], $0x100  }
0xd9: {  	[sflag:s5] =	ssyncset.done @!p0 $0x0  }
0xda: {  	[sflag:s5] =	ssyncadd.s32 @!p0 $0xFFFFFF00  }
0xdb: {  	s15 =	simm.s32 $0x8200;
	[bflag:$0x0] =	sbarrier.arrive $0xFFFF  }
0xdc: {  	[spmem:s6] =	stream.linear.scatter [tilespmem:s15], [sflag:$0x3], $0x4000, $0x38;
	[tilespmem:$0x1FA80] =	vst v63  }
0xdd: {  	_ =	swait.ge [sflag:s30], $0x4000  }
0xde: {  	[sflag:s30] =	ssyncset.done $0x0  }
0xdf: {  	[sflag:s30] =	ssyncadd.s32 $0xFFFFC000  }
0xe0: {  	[spmem:s7] =	stream.linear.scatter [tilespmem:s15], [sflag:$0x3], $0x4000, $0x38;
	[tilespmem:$0x1FA80] =	vst v63  }
0xe1: {  	_ =	swait.ge [sflag:s30], $0x4000  }
0xe2: {  	[sflag:s30] =	ssyncset.done $0x0  }
0xe3: {  	[sflag:s30] =	ssyncadd.s32 $0xFFFFC000  }
0xe4: {  	[spmem:s20] =	stream.linear.scatter [tilespmem:s15], [sflag:$0x3], $0x4000, $0x38;
	[tilespmem:$0x1FA80] =	vst v63  }
0xe5: {  	_ =	swait.ge [sflag:s30], $0x4000  }
0xe6: {  	[sflag:s30] =	ssyncset.done $0x0  }
0xe7: {  	[sflag:s30] =	ssyncadd.s32 $0xFFFFC000  }
0xe8: {  	[spmem:s26] =	stream.linear.scatter [tilespmem:s15], [sflag:$0x3], $0x4000, $0x38;
	[tilespmem:$0x1FA80] =	vst v63  }
0xe9: {  	_ =	swait.ge [sflag:s30], $0x4000  }
0xea: {  	[sflag:s30] =	ssyncset.done $0x0  }
0xeb: {  	[sflag:s30] =	ssyncadd.s32 $0xFFFFC000  }
0xec: {  	[spmem:s29] =	stream.linear.scatter [tilespmem:s15], [sflag:$0x3], $0x3800, $0x38;
	[tilespmem:$0x1FA80] =	vst v63  }
0xed: {  	_ =	swait.ge [sflag:s30], $0x3800  }
0xee: {  	[sflag:s30] =	ssyncset.done $0x0  }
0xef: {  	s6 =	simm.s32 @!p0 $0x8200;
	[sflag:s30] =	ssyncadd.s32 $0xFFFFC800  }
0xf0: {  	[spmem:s13] =	stream.linear.scatter @!p0 [tilespmem:s6], [sflag:$0x3], $0x800, $0x38;
	[tilespmem:$0x1FA80] =	vst v63  }
0xf1: {  	_ =	swait.ge @!p0 [sflag:s5], $0x800  }
0xf2: {  	[sflag:s5] =	ssyncset.done @!p0 $0x0  }
0xf3: {  	[sflag:s5] =	ssyncadd.s32 @!p0 $0xFFFFF800  }
0xf4: {  	[bflag:$0x0] =	sbarrier.arrive $0xFFFF  }
0xf5: {  	s26 =	rddreg [dreg:$0x7]  }
0xf6: {  	[tilespmem:s2], [sflag:$0x3] =	stream.linear.gather [hbm4b:s26+s2], $0x80, $0x38;
	[tilespmem:$0x1FA80] =	vst v63  }
0xf7: {  	_ =	swait.ge [sflag:s30], $0x80  }
0xf8: {  	[sflag:s30] =	ssyncset.done $0x0  }
0xf9: {  	s13 =	rddreg [dreg:$0x8];
	[sflag:s30] =	ssyncadd.s32 $0xFFFFFF80  }
0xfa: {  	[tilespmem:s31], [sflag:$0x3] =	stream.linear.gather [hbm4b:s13+s2], $0x80, $0x38;
	[tilespmem:$0x1FA80] =	vst v63  }
0xfb: {  	_ =	swait.ge [sflag:s30], $0x80  }
0xfc: {  	[sflag:s30] =	ssyncset.done $0x0  }
0xfd: {  	s15 =	rddreg [dreg:$0x9];
	[sflag:s30] =	ssyncadd.s32 $0xFFFFFF80  }
0xfe: {  	[tilespmem:s0], [sflag:$0x3] =	stream.linear.gather [hbm4b:s15+s2], $0x80, $0x38;
	[tilespmem:$0x1FA80] =	vst v63  }
0xff: {  	_ =	swait.ge [sflag:s30], $0x80  }
0x100: {  	[sflag:s30] =	ssyncset.done $0x0  }
0x101: {  	s20 =	rddreg [dreg:$0xa];
	[sflag:s30] =	ssyncadd.s32 $0xFFFFFF80  }
0x102: {  	[tilespmem:s3], [sflag:$0x3] =	stream.linear.gather [hbm4b:s20+s2], $0x80, $0x38;
	[tilespmem:$0x1FA80] =	vst v63  }
0x103: {  	_ =	swait.ge [sflag:s30], $0x80  }
0x104: {  	[sflag:s30] =	ssyncset.done $0x0  }
0x105: {  	[sflag:s30] =	ssyncadd.s32 $0xFFFFFF80  }
0x106: {  	[tilespmem:s25], [sflag:$0x1] =	stream.indirect.gather [hbm4b:s14+s31], $0x80, s2, s31, $0xb8;
	[tilespmem:$0x1FA80] =	vst v63  }
0x107: {  	_ =	swait.ge [sflag:s8], $0x4000  }
0x108: {  	[sflag:s8] =	ssyncset.done $0x0  }
0x109: {  	[sflag:s8] =	ssyncadd.s32 $0xFFFFC000  }
0x10a: {  	[tilespmem:s9], [sflag:$0x2] =	stream.indirect.gather [hbm4b:s14+s31], $0x80, s0, s31, $0xb8;
	[tilespmem:$0x1FA80] =	vst v63  }
0x10b: {  	_ = 	snop  }
0x10c: {  	[spmem:s1] =	stream.indirect.scatter.add.f32 [tilespmem:s25], [sflag:$0x4], $0x80, s31, s31, $0xb8;
	[tilespmem:$0x1FA80] =	vst v63  }
0x10d: {  	_ =	swait.ge [sflag:s10], $0x4000  }
0x10e: {  	s29 =	sadd.s32 $0xFFFFFB40, s19;
	[sflag:s10] =	ssyncset.done $0x0  }
0x10f: {  	s13 =	sadd.s32 $0x4E0, s29;
	[sflag:s10] =	ssyncadd.s32 $0xFFFFC000  }
0x110: {  	[tilespmem:s2], [sflag:$0x4] =	stream.linear.gather [hbm4b:s13+s2], $0x80, $0x38;
	[tilespmem:$0x1FA80] =	vst v63  }
0x111: {  	_ =	swait.ge [sflag:s10], $0x80  }
0x112: {  	s15 =	sadd.s32 $0xFFFFFB40, s18;
	[sflag:s10] =	ssyncset.done $0x0  }
0x113: {  	s20 =	sadd.s32 $0x4E0, s15;
	[sflag:s10] =	ssyncadd.s32 $0xFFFFFF80  }
0x114: {  	[tilespmem:s31], [sflag:$0x4] =	stream.linear.gather [hbm4b:s20+s2], $0x80, $0x38;
	[tilespmem:$0x1FA80] =	vst v63  }
0x115: {  	_ =	swait.ge [sflag:s10], $0x80  }
0x116: {  	[sflag:s10] =	ssyncset.done $0x0  }
0x117: {  	[sflag:s10] =	ssyncadd.s32 $0xFFFFFF80  }
0x118: {  	_ =	swait.ge [sflag:s11], $0x4000  }
0x119: {  	[sflag:s11] =	ssyncset.done $0x0  }
0x11a: {  	[sflag:s11] =	ssyncadd.s32 $0xFFFFC000  }
0x11b: {  	[tilespmem:s25], [sflag:$0x1] =	stream.indirect.gather [hbm4b:s14+s31], $0x80, s2, s31, $0xb8;
	[tilespmem:$0x1FA80] =	vst v63  }
0x11c: {  	_ = 	snop  }
0x11d: {  	[spmem:s1] =	stream.indirect.scatter.add.f32 [tilespmem:s9], [sflag:$0x4], $0x80, s3, s31, $0xb8;
	[tilespmem:$0x1FA80] =	vst v63  }
0x11e: {  	_ =	swait.ge [sflag:s10], $0x4000  }
0x11f: {  	[sflag:s10] =	ssyncset.done $0x0  }
0x120: {  	s5 =	sadd.s32 $0x4F0, s29;
	[sflag:s10] =	ssyncadd.s32 $0xFFFFC000  }
0x121: {  	[tilespmem:s0], [sflag:$0x4] =	stream.linear.gather [hbm4b:s5+s2], $0x80, $0x38;
	[tilespmem:$0x1FA80] =	vst v63  }
0x122: {  	_ =	swait.ge [sflag:s10], $0x80  }
0x123: {  	[sflag:s10] =	ssyncset.done $0x0  }
0x124: {  	s29 =	sadd.s32 $0x4F0, s15;
	[sflag:s10] =	ssyncadd.s32 $0xFFFFFF80  }
0x125: {  	[tilespmem:s3], [sflag:$0x3] =	stream.linear.gather [hbm4b:s29+s2], $0x80, $0x38;
	[tilespmem:$0x1FA80] =	vst v63  }
0x126: {  	_ =	swait.ge [sflag:s30], $0x80  }
0x127: {  	s5 =	simm.s32 $0xFFFFFB60;
	[sflag:s30] =	ssyncset.done $0x0  }
.LBB2_6:
0x128: {  	p1 =	sne.s32 s5, $0xFFFFFFE0  }
0x129: {  	[sflag:s30] =	ssyncadd.s32 $0xFFFFFF80;
	s6 =	smov.u32 s5;
	s5 =	sadd.s32 $0x20, s5  }
0x12a: {  	_ =	swait.ge [sflag:s8], $0x4000  }
0x12b: {  	[sflag:s8] =	ssyncset.done $0x0  }
0x12c: {  	[sflag:s8] =	ssyncadd.s32 $0xFFFFC000  }
0x12d: {  	[tilespmem:s9], [sflag:$0x2] =	stream.indirect.gather [hbm4b:s14+s31], $0x80, s0, s31, $0xb8;
	[tilespmem:$0x1FA80] =	vst v63  }
0x12e: {  	_ = 	snop  }
0x12f: {  	[spmem:s1] =	stream.indirect.scatter.add.f32 [tilespmem:s25], [sflag:$0x4], $0x80, s31, s31, $0xb8;
	[tilespmem:$0x1FA80] =	vst v63  }
0x130: {  	_ =	swait.ge [sflag:s10], $0x4000  }
0x131: {  	s7 =	sadd.s32 s6, s19;
	[sflag:s10] =	ssyncset.done $0x0  }
0x132: {  	s20 =	sadd.s32 $0x4E0, s7;
	[sflag:s10] =	ssyncadd.s32 $0xFFFFC000  }
0x133: {  	[tilespmem:s2], [sflag:$0x4] =	stream.linear.gather [hbm4b:s20+s2], $0x80, $0x38;
	[tilespmem:$0x1FA80] =	vst v63  }
0x134: {  	_ =	swait.ge [sflag:s10], $0x80  }
0x135: {  	s6 =	sadd.s32 s6, s18;
	[sflag:s10] =	ssyncset.done $0x0  }
0x136: {  	s20 =	sadd.s32 $0x4E0, s6;
	[sflag:s10] =	ssyncadd.s32 $0xFFFFFF80  }
0x137: {  	[tilespmem:s31], [sflag:$0x4] =	stream.linear.gather [hbm4b:s20+s2], $0x80, $0x38;
	[tilespmem:$0x1FA80] =	vst v63  }
0x138: {  	_ =	swait.ge [sflag:s10], $0x80  }
0x139: {  	[sflag:s10] =	ssyncset.done $0x0  }
0x13a: {  	[sflag:s10] =	ssyncadd.s32 $0xFFFFFF80  }
0x13b: {  	_ =	swait.ge [sflag:s11], $0x4000  }
0x13c: {  	[sflag:s11] =	ssyncset.done $0x0  }
0x13d: {  	[sflag:s11] =	ssyncadd.s32 $0xFFFFC000  }
0x13e: {  	[tilespmem:s25], [sflag:$0x1] =	stream.indirect.gather [hbm4b:s14+s31], $0x80, s2, s31, $0xb8;
	[tilespmem:$0x1FA80] =	vst v63  }
0x13f: {  	_ = 	snop  }
0x140: {  	[spmem:s1] =	stream.indirect.scatter.add.f32 [tilespmem:s9], [sflag:$0x4], $0x80, s3, s31, $0xb8;
	[tilespmem:$0x1FA80] =	vst v63  }
0x141: {  	_ =	swait.ge [sflag:s10], $0x4000  }
0x142: {  	[sflag:s10] =	ssyncset.done $0x0  }
0x143: {  	s7 =	sadd.s32 $0x4F0, s7;
	[sflag:s10] =	ssyncadd.s32 $0xFFFFC000  }
0x144: {  	[tilespmem:s0], [sflag:$0x4] =	stream.linear.gather [hbm4b:s7+s2], $0x80, $0x38;
	[tilespmem:$0x1FA80] =	vst v63  }
0x145: {  	_ =	swait.ge [sflag:s10], $0x80  }
.Ltmp2:
0x146: {  	[sflag:s10] =	ssyncset.done $0x0;
	(pc) =	sbr.rel @p1 .LBB2_6-.Ltmp2, $4  }
0x147: {  	s6 =	sadd.s32 $0x4F0, s6;
	[sflag:s10] =	ssyncadd.s32 $0xFFFFFF80  }
0x148: {  	[tilespmem:s3], [sflag:$0x3] =	stream.linear.gather [hbm4b:s6+s2], $0x80, $0x38;
	[tilespmem:$0x1FA80] =	vst v63  }
0x149: {  	_ =	swait.ge [sflag:s30], $0x80  }
0x14a: {  	[sflag:s30] =	ssyncset.done $0x0  }
0x14b: {  	[sflag:s30] =	ssyncadd.s32 $0xFFFFFF80  }
0x14c: {  	_ =	swait.ge [sflag:s8], $0x4000  }
0x14d: {  	[sflag:s8] =	ssyncset.done $0x0  }
0x14e: {  	[sflag:s8] =	ssyncadd.s32 $0xFFFFC000  }
0x14f: {  	[tilespmem:s9], [sflag:$0x2] =	stream.indirect.gather [hbm4b:s14+s31], $0x80, s0, s31, $0xb8;
	[tilespmem:$0x1FA80] =	vst v63  }
0x150: {  	_ = 	snop  }
0x151: {  	[spmem:s1] =	stream.indirect.scatter.add.f32 [tilespmem:s25], [sflag:$0x4], $0x80, s31, s31, $0xb8;
	[tilespmem:$0x1FA80] =	vst v63  }
0x152: {  	_ =	swait.ge [sflag:s10], $0x4000  }
0x153: {  	[sflag:s10] =	ssyncset.done $0x0  }
0x154: {  	[sflag:s10] =	ssyncadd.s32 $0xFFFFC000  }
0x155: {  	_ =	swait.ge [sflag:s11], $0x4000  }
0x156: {  	[sflag:s11] =	ssyncset.done $0x0  }
0x157: {  	[sflag:s11] =	ssyncadd.s32 $0xFFFFC000  }
0x158: {  	[spmem:s1] =	stream.indirect.scatter.add.f32 [tilespmem:s9], [sflag:$0x4], $0x80, s3, s31, $0xb8;
	[tilespmem:$0x1FA80] =	vst v63  }
0x159: {  	_ =	swait.ge [sflag:s10], $0x4000  }
0x15a: {  	[sflag:s10] =	ssyncset.done $0x0  }
0x15b: {  	s6 =	rddreg [dreg:$0xb];
	[sflag:s10] =	ssyncadd.s32 $0xFFFFC000  }
0x15c: {  	[tilespmem:s2], [sflag:$0x3] =	stream.linear.gather [hbm4b:s6+s2], $0x10, $0x38;
	[tilespmem:$0x1FA80] =	vst v63  }
0x15d: {  	_ =	swait.ge [sflag:s30], $0x10  }
0x15e: {  	[sflag:s30] =	ssyncset.done $0x0  }
0x15f: {  	s7 =	rddreg [dreg:$0xc];
	[sflag:s30] =	ssyncadd.s32 $0xFFFFFFF0  }
0x160: {  	[tilespmem:s31], [sflag:$0x3] =	stream.linear.gather [hbm4b:s7+s2], $0x10, $0x38;
	[tilespmem:$0x1FA80] =	vst v63  }
0x161: {  	_ =	swait.ge [sflag:s30], $0x10  }
0x162: {  	[sflag:s30] =	ssyncset.done $0x0  }
0x163: {  	s15 =	simm.s32 $0x10;
	[sflag:s30] =	ssyncadd.s32 $0xFFFFFFF0  }
0x164: {  	[tilespmem:s25], [sflag:$0x1] =	stream.indirect.gather [hbm4b:s14+s15], $0x80, s2, s15, $0xb8;
	[tilespmem:$0x1FA80] =	vst v63  }
0x165: {  	_ =	swait.ge [sflag:s8], $0x800  }
0x166: {  	[sflag:s8] =	ssyncset.done $0x0  }
0x167: {  	[sflag:s8] =	ssyncadd.s32 $0xFFFFF800  }
0x168: {  	[spmem:s1] =	stream.indirect.scatter.add.f32 [tilespmem:s25], [sflag:$0x3], $0x80, s31, s15, $0xb8;
	[tilespmem:$0x1FA80] =	vst v63  }
0x169: {  	_ =	swait.ge [sflag:s30], $0x800  }
0x16a: {  	[sflag:s30] =	ssyncset.done $0x0  }
0x16b: {  	[sflag:s30] =	ssyncadd.s32 $0xFFFFF800  }
0x16c: {  	[bflag:$0x0] =	sbarrier.arrive $0xFFFF  }
0x16d: {  	s20 =	rddreg [dreg:$0x15]  }
0x16e: {  	s13 =	rddreg [dreg:$0x16]  }
0x16f: {  	s5 =	sadd.s32 s20, s13  }
0x170: {  	[hbm:s5], [sflag:s21] =	dma.local [spmem:s22], $0x800  }
0x171: {  	_ =	swait.ge [sflag:s30], $0x800  }
0x172: {  	[sflag:s30] =	ssyncset.done $0x0;
	s29 =	rddreg [dreg:$0xe]  }
0x173: {  	[sflag:s30] =	ssyncadd.s32 $0xFFFFF800;
	s22 =	sadd.s32 s29, s13  }
0x174: {  	[hbm:s22], [sflag:s21] =	dma.local [spmem:s23], $0x800  }
0x175: {  	_ =	swait.ge [sflag:s30], $0x800  }
0x176: {  	[sflag:s30] =	ssyncset.done $0x0;
	s22 =	rddreg [dreg:$0xf]  }
0x177: {  	[sflag:s30] =	ssyncadd.s32 $0xFFFFF800;
	s5 =	sadd.s32 s22, s13  }
0x178: {  	[hbm:s5], [sflag:s21] =	dma.local [spmem:s24], $0x800  }
0x179: {  	_ =	swait.ge [sflag:s30], $0x800  }
0x17a: {  	[sflag:s30] =	ssyncset.done $0x0;
	s23 =	rddreg [dreg:$0x10]  }
0x17b: {  	[sflag:s30] =	ssyncadd.s32 $0xFFFFF800;
	s5 =	sadd.s32 s23, s13  }
0x17c: {  	[hbm:s5], [sflag:s21] =	dma.local [spmem:s28], $0x800  }
0x17d: {  	_ =	swait.ge [sflag:s30], $0x800  }
0x17e: {  	[sflag:s30] =	ssyncset.done $0x0;
	s24 =	rddreg [dreg:$0x11]  }
0x17f: {  	[sflag:s30] =	ssyncadd.s32 $0xFFFFF800;
	s5 =	sadd.s32 s24, s13  }
0x180: {  	[hbm:s5], [sflag:s21] =	dma.local [spmem:s16], $0x700  }
0x181: {  	_ =	swait.ge [sflag:s30], $0x700  }
0x182: {  	[sflag:s30] =	ssyncset.done $0x0  }
0x183: {  	s5 =	sadd.s32 @!p0 $0x27000, s13;
	[sflag:s30] =	ssyncadd.s32 $0xFFFFF900  }
0x184: {  	[hbm:s5], [sflag:s21] =	dma.local @!p0 [spmem:s4], $0x100  }
0x185: {  	s4 =	simm.s32 @!p0 $0x3  }
0x186: {  	_ =	swait.ge @!p0 [sflag:s4], $0x100  }
0x187: {  	s17 =	sadd.s32 $0x1, s17;
	s28 =	rddreg [dreg:$0x12]  }
0x188: {  	p1 =	sne.s32 s17, s28  }
.Ltmp3:
0x189: {  	_ = 	snop;
	(pc) =	sbr.rel @p1 .LBB2_1-.Ltmp3, $3  }
0x18a: {  	[sflag:s4] =	ssyncset.done @!p0 $0x0  }
0x18b: {  	[sflag:s4] =	ssyncadd.s32 @!p0 $0xFFFFFF00  }
0x18c: {  	[bflag:$0x0] =	sbarrier.arrive $0xFFFF;
	_ =	sdelay $0x1  }
0x18d: {  	_ =	sfence.sel $0x180000  }
0x18e: {  	[bflag:$0x0] =	sbarrier.arrive $0xFFFF  }
0x18f: {  	_ =	strace $0x9000004A  }
0x190: {  	s0 =	stileid.u32;
	[bflag:$0x2] =	sbarrier.arrive $0xFFFF  }
0x191: {  	p0 =	sne.s32 s0, $0x0;
	s0 =	rddreg [dreg:$0x2]  }
0x192: {  	s0 =	sadd.s32 @!p0 $0x100000, s0  }
0x193: {  	[sflag:s0] =	ssyncadd.tile.s32 @!p0 $0x1;
	_ =	shalt  }
.Lfunc_end2:
_tile_overlayer_lowered:
.L_overlay_start_2:
0x194: {  	(tag) =	ssettag $0x2  }
0x195: {  	s0 =	rddreg [dreg:$0x0];
	s2 =	stileid.u32  }
0x196: {  	s1 =	rddreg [dreg:$0x1];
	p0 =	sne.s32 s2, $0x0  }
0x197: {  	s3 =	rddreg [dreg:$0x2];
	[bflag:$0x3] =	sbarrier.arrive $0xFFFF;
	s2 =	simm.s32 @!p0 $0x1C03  }
0x198: {  	[timem:s3], [sflag:s2] =	dma.local @!p0 [hbm:s0], s1  }
0x199: {  	s0 =	simm.s32 @!p0 $0x3  }
0x19a: {  	_ =	swait.ge @!p0 [sflag:s0], s1  }
0x19b: {  	s1 =	ssub.s32 @!p0 $0x0, s1;
	[sflag:s0] =	ssyncset.done @!p0 $0x0  }
0x19c: {  	[sflag:s0] =	ssyncadd.s32 @!p0 s1  }
0x19d: {  	[bflag:$0x3] =	sbarrier.arrive $0xFFFF  }
0x19e: {  	_ =	shalt  }

</sc_bundles>
